<compile_context>
chip_gen: v7x
topology: tpu7x:2x2x1
jax: 0.10.2.dev20260603
libtpu: 0.0.44.dev20260713+nightly
codegen_flags: <defaults>
</compile_context>

<pallas_src>
import functools

import jax
import jax.numpy as jnp
from jax import lax
from jax.experimental import pallas as pl
from jax.experimental.pallas import tpu as pltpu
from jax.experimental.pallas import tpu_sc as plsc

N = 10000
E = 320000
D = 128

NC = 2
NS = 16
NW = NC * NS

NPAD = 10240
RPT = NPAD // NS
EPAD = 327680

KD = 128
NCHD = EPAD // NW // KD

KA = 80
EPTA = EPAD // NW
NCHA = EPTA // KA
NPAIR = NCHA // 2

BN = 5000
GRID = N // BN


def _mesh():
    return plsc.VectorSubcoreMesh(
        core_axis_name="c", subcore_axis_name="s",
        num_cores=NC, num_subcores=NS)


def _unpack_chunk(pk, j, sbuf, dbuf, k, soff):
    for g in range(k // 16):
        pv = pk[j, pl.ds(g * 16, 16)]
        sbuf[pl.ds(g * 16, 16)] = (pv & 0xFFFF) + soff
        dbuf[pl.ds(g * 16, 16)] = pv >> 16


def _sc_degree(pkd, zrow):

    @functools.partial(
        pl.kernel,
        out_type=jax.ShapeDtypeStruct((NC, NPAD), jnp.float32),
        mesh=_mesh(),
        scratch_types=[
            pltpu.VMEM((NCHD, KD), jnp.int32),
            pltpu.VMEM((KD,), jnp.int32),
            pltpu.VMEM((KD,), jnp.int32),
            pltpu.VMEM((KD,), jnp.float32),
            pltpu.VMEM_SHARED((NPAD,), jnp.float32),
        ],
    )
    def deg_kernel(pk_h, zrow_h, out_h, pk, sbuf, dbuf, ones_v, deg_sh):
        c = lax.axis_index("c")
        s = lax.axis_index("s")
        w = c * NS + s
        pltpu.sync_copy(zrow_h, deg_sh.at[pl.ds(s * RPT, RPT)])
        pltpu.sync_copy(pk_h.at[w], pk)
        for i in range(KD // 16):
            ones_v[pl.ds(i * 16, 16)] = jnp.ones((16,), jnp.float32)
        plsc.subcore_barrier()

        def body(j, carry):
            _unpack_chunk(pk, j, sbuf, dbuf, KD, 0)
            pltpu.sync_copy(ones_v, deg_sh.at[dbuf], add=True)
            return carry

        lax.fori_loop(0, NCHD, body, 0)
        plsc.subcore_barrier()
        pltpu.sync_copy(deg_sh.at[pl.ds(s * RPT, RPT)],
                        out_h.at[c, pl.ds(s * RPT, RPT)])

    return deg_kernel(pkd, zrow)


def _sc_agg(y, pka, zblk):

    @functools.partial(
        pl.kernel,
        out_type=jax.ShapeDtypeStruct((NC, NPAD, D), jnp.float32),
        mesh=_mesh(),
        scratch_types=[
            pltpu.VMEM((NCHA, KA), jnp.int32),
            pltpu.VMEM((KA,), jnp.int32),
            pltpu.VMEM((KA,), jnp.int32),
            pltpu.VMEM((KA,), jnp.int32),
            pltpu.VMEM((KA,), jnp.int32),
            pltpu.VMEM((KA, D), jnp.float32),
            pltpu.VMEM((KA, D), jnp.float32),
            pltpu.VMEM_SHARED((NPAD, D), jnp.float32),
            pltpu.SemaphoreType.DMA,
            pltpu.SemaphoreType.DMA,
        ],
    )
    def agg_kernel(y_h, pk_h, zblk_h, out_h,
                   pk, sidx0, didx0, sidx1, didx1, rows0, rows1,
                   acc_sh, semg0, semg1):
        c = lax.axis_index("c")
        s = lax.axis_index("s")
        w = c * NS + s
        pltpu.sync_copy(pk_h.at[w], pk)
        _unpack_chunk(pk, 0, sidx0, didx0, KA, 0)
        pltpu.async_copy(y_h.at[sidx0], rows0, semg0)
        _unpack_chunk(pk, 1, sidx1, didx1, KA, 0)
        pltpu.async_copy(y_h.at[sidx1], rows1, semg1)
        last = NS - 1

        @pl.when((c == 0) & (s < last))
        def _():
            pltpu.sync_copy(y_h.at[pl.ds(s * RPT, RPT)],
                            acc_sh.at[pl.ds(s * RPT, RPT)])

        @pl.when((c == 0) & (s == last))
        def _():
            pltpu.sync_copy(y_h.at[pl.ds(last * RPT, N - last * RPT)],
                            acc_sh.at[pl.ds(last * RPT, N - last * RPT)])
            pltpu.sync_copy(zblk_h.at[pl.ds(0, NPAD - N)],
                            acc_sh.at[pl.ds(N, NPAD - N)])

        @pl.when(c == 1)
        def _():
            pltpu.sync_copy(zblk_h, acc_sh.at[pl.ds(s * RPT, RPT)])

        plsc.subcore_barrier()

        def body(i, carry):
            j = 2 * i
            pltpu.make_async_copy(y_h.at[sidx0], rows0, semg0).wait()
            pltpu.sync_copy(rows0, acc_sh.at[didx0], add=True)

            @pl.when(i < NPAIR - 1)
            def _():
                _unpack_chunk(pk, j + 2, sidx0, didx0, KA, 0)
                pltpu.async_copy(y_h.at[sidx0], rows0, semg0)

            pltpu.make_async_copy(y_h.at[sidx1], rows1, semg1).wait()
            pltpu.sync_copy(rows1, acc_sh.at[didx1], add=True)

            @pl.when(i < NPAIR - 1)
            def _():
                _unpack_chunk(pk, j + 3, sidx1, didx1, KA, 0)
                pltpu.async_copy(y_h.at[sidx1], rows1, semg1)

            return carry

        lax.fori_loop(0, NPAIR, body, 0)
        plsc.subcore_barrier()
        pltpu.sync_copy(acc_sh.at[pl.ds(s * RPT, RPT)],
                        out_h.at[c, pl.ds(s * RPT, RPT)])

    return agg_kernel(y, pka, zblk)


def _tc_matmul1(x, W1):
    def body(x_r, w_r, o_r):
        o_r[...] = jnp.dot(x_r[...], w_r[...],
                           preferred_element_type=jnp.float32)

    return pl.pallas_call(
        body,
        grid=(GRID,),
        in_specs=[pl.BlockSpec((BN, D), lambda i: (i, 0)),
                  pl.BlockSpec((D, D), lambda i: (0, 0))],
        out_specs=pl.BlockSpec((BN, D), lambda i: (i, 0)),
        out_shape=jax.ShapeDtypeStruct((N, D), jnp.float32),
    )(x, W1)


def _tc_scale1(xw, degt):
    def body(x_r, dg_r, y_r):
        dinv = lax.rsqrt(dg_r[:, 0:1] + dg_r[:, 1:2] + 1.0)
        y_r[...] = dinv * x_r[...]

    return pl.pallas_call(
        body,
        grid=(GRID,),
        in_specs=[pl.BlockSpec((BN, D), lambda i: (i, 0)),
                  pl.BlockSpec((BN, 2), lambda i: (i, 0))],
        out_specs=pl.BlockSpec((BN, D), lambda i: (i, 0)),
        out_shape=jax.ShapeDtypeStruct((N, D), jnp.float32),
    )(xw, degt)


def _tc_mid(agg, degt, b1, W2):
    def body(a_r, dg_r, b_r, w_r, o_r):
        dinv = lax.rsqrt(dg_r[:, 0:1] + dg_r[:, 1:2] + 1.0)
        z = dinv * (a_r[0] + a_r[1]) + b_r[...]
        o_r[...] = dinv * jnp.dot(z, w_r[...],
                                  preferred_element_type=jnp.float32)

    return pl.pallas_call(
        body,
        grid=(GRID,),
        in_specs=[pl.BlockSpec((NC, BN, D), lambda i: (0, i, 0)),
                  pl.BlockSpec((BN, 2), lambda i: (i, 0)),
                  pl.BlockSpec((1, D), lambda i: (0, 0)),
                  pl.BlockSpec((D, D), lambda i: (0, 0))],
        out_specs=pl.BlockSpec((BN, D), lambda i: (i, 0)),
        out_shape=jax.ShapeDtypeStruct((N, D), jnp.float32),
    )(agg, degt, b1, W2)


def _tc_final(agg, degt, b2, alpha):
    def body(a_r, dg_r, b_r, al_r, o_r):
        dinv = lax.rsqrt(dg_r[:, 0:1] + dg_r[:, 1:2] + 1.0)
        z = dinv * (a_r[0] + a_r[1]) + b_r[...]
        o_r[...] = jnp.where(z >= 0, z, al_r[...] * z)

    return pl.pallas_call(
        body,
        grid=(GRID,),
        in_specs=[pl.BlockSpec((NC, BN, D), lambda i: (0, i, 0)),
                  pl.BlockSpec((BN, 2), lambda i: (i, 0)),
                  pl.BlockSpec((1, D), lambda i: (0, 0)),
                  pl.BlockSpec((1, D), lambda i: (0, 0))],
        out_specs=pl.BlockSpec((BN, D), lambda i: (i, 0)),
        out_shape=jax.ShapeDtypeStruct((N, D), jnp.float32),
    )(agg, degt, b2, alpha)


def kernel(x, edge_index, W1, b1, W2, b2, alpha):
    src = edge_index[0].astype(jnp.int32)
    dst = edge_index[1].astype(jnp.int32)
    pk = (src | (dst << 16)).reshape(NW, E // NW)
    npd = EPAD - E
    pidx = jnp.arange(npd, dtype=jnp.int32)
    pad = ((pidx * 97) % N | ((N + pidx % (NPAD - N)) << 16)).reshape(NW, npd // NW)
    pkflat = jnp.concatenate([pk, pad], axis=1)
    pkd = pkflat.reshape(NW, NCHD, KD)
    pka = pkflat.reshape(NW, NCHA, KA)
    zrow = jnp.zeros((RPT,), jnp.float32)
    zblk = jnp.zeros((RPT, D), jnp.float32)
    b1r = b1.reshape(1, D)
    b2r = b2.reshape(1, D)
    alr = alpha.reshape(1, D)

    xw1 = _tc_matmul1(x, W1)
    degp = _sc_degree(pkd, zrow)
    degt = degp.T

    y1 = _tc_scale1(xw1, degt)
    agg1 = _sc_agg(y1, pka, zblk)
    y2 = _tc_mid(agg1, degt, b1r, W2)
    agg2 = _sc_agg(y2, pka, zblk)
    return _tc_final(agg2, degt, b2r, alr)

# --- scband reference (transcript-rebuilt; emitter-appended) ---
"""Pipeline reference for scband-gcn-23330262352501 (READ-ONLY COPY).

The authoritative reference and input builder live on the scoring server;
editing this copy changes nothing except your own understanding.
"""

import jax, jax.numpy as jnp
import numpy as np

N = 10000
E = 320000
D_IN = 128
D_OUT = 128


def setup_inputs(seed: int = 0) -> dict:
    key = jax.random.key(seed)
    ks = jax.random.split(key, 8)
    x = jax.random.normal(ks[0], (N, D_IN), dtype=jnp.float32)
    edge_index = jax.random.randint(ks[1], (2, E), 0, N, dtype=jnp.int32).astype(jnp.int64)
    W1 = jax.random.normal(ks[2], (D_IN, D_OUT), dtype=jnp.float32) * (1.0 / np.sqrt(D_IN))
    b1 = jnp.zeros((D_OUT,), dtype=jnp.float32)
    W2 = jax.random.normal(ks[3], (D_OUT, D_OUT), dtype=jnp.float32) * (1.0 / np.sqrt(D_OUT))
    b2 = jnp.zeros((D_OUT,), dtype=jnp.float32)
    alpha = jnp.full((D_OUT,), 0.25, dtype=jnp.float32)
    return {"x": x, "edge_index": edge_index, "W1": W1, "b1": b1, "W2": W2, "b2": b2, "alpha": alpha}


def _gcn_conv(x, edge_index, W, b):
    # Linear transform
    xw = x @ W
    src = edge_index[0]
    dst = edge_index[1]
    # Add self-loops (PyG GCNConv default: add_self_loops=True)
    loop = jnp.arange(N, dtype=src.dtype)
    src = jnp.concatenate([src, loop])
    dst = jnp.concatenate([dst, loop])
    # Symmetric normalization: deg^{-1/2}[src] * deg^{-1/2}[dst]
    deg = jnp.zeros((N,), dtype=xw.dtype).at[dst].add(1.0)
    dinv = jnp.where(deg > 0, 1.0 / jnp.sqrt(deg), 0.0)
    norm = dinv[src] * dinv[dst]
    # Gather messages from src, scale, scatter-add to dst
    msgs = norm[:, None] * jnp.take(xw, src, axis=0)
    out = jnp.zeros((N, W.shape[1]), dtype=xw.dtype).at[dst].add(msgs)
    return out + b


def reference(x, edge_index, W1, b1, W2, b2, alpha):
    z = _gcn_conv(x, edge_index, W1, b1)
    z = _gcn_conv(z, edge_index, W2, b2)
    # PReLU with per-channel parameter alpha
    z = jnp.where(z >= 0, z, alpha * z)
    return z

if __name__ == "__main__":
    import jax
    _d = setup_inputs()
    print(jax.jit(kernel)(*tuple(_d.values())))

</pallas_src>

<mosaic_0001>
#map = affine_map<(d0, d1) -> (0, 0)>
#map1 = affine_map<(d0, d1) -> (0, 0, 0)>
module attributes {stable_mosaic.version = 14 : i64} {
  func.func @agg_kernel(%arg0: i32, %arg1: i32, %arg2: memref<10000x128xf32, #tpu.memory_space<hbm>>, %arg3: memref<32x128x80xi32, #tpu.memory_space<hbm>>, %arg4: memref<640x128xf32, #tpu.memory_space<hbm>>, %arg5: memref<2x10240x128xf32, #tpu.memory_space<hbm>>, %arg6: memref<128x80xi32, #tpu.memory_space<vmem>>, %arg7: memref<80xi32, #tpu.memory_space<vmem>>, %arg8: memref<80xi32, #tpu.memory_space<vmem>>, %arg9: memref<80xi32, #tpu.memory_space<vmem>>, %arg10: memref<80xi32, #tpu.memory_space<vmem>>, %arg11: memref<80x128xf32, #tpu.memory_space<vmem>>, %arg12: memref<80x128xf32, #tpu.memory_space<vmem>>, %arg13: memref<10240x128xf32, #tpu.memory_space<vmem_shared>>, %arg14: memref<!tpu.dma_semaphore, #tpu.memory_space<semaphore_mem>>, %arg15: memref<!tpu.dma_semaphore, #tpu.memory_space<semaphore_mem>>) attributes {dimension_semantics = [#tpu.dimension_semantics<core_parallel>, #tpu.dimension_semantics<subcore_parallel>], iteration_bounds = array<i64: 2, 16>, scalar_prefetch = 0 : i64, scratch_operands = 10 : i64, tpu.core_type = #tpu.core_type<sc_vector_subcore>, window_params = [{transform_indices = #map}, {transform_indices = #map1}, {transform_indices = #map}, {transform_indices = #map1}]} {
    %mul3A = arith.constant 16 : i32
    %mul3A_0 = arith.muli %arg0, %mul3A : i32
    %add3A = arith.addi %mul3A_0, %arg1 : i32
    "tpu.region"() ({
      %run_scoped3A = tpu.sem_alloc : memref<!tpu.dma_semaphore, #tpu.memory_space<semaphore_mem>>
      %dma_start3A_249 = arith.constant 0 : i32
      %dma_start3A_250 = arith.constant 0 : i32
      %dma_start3A_251 = tpu.memref_slice %arg3[%add3A, %dma_start3A_249, %dma_start3A_250] : memref<32x128x80xi32, #tpu.memory_space<hbm>> -> memref<1x128x80xi32, #tpu.memory_space<hbm>>
      %dma_start3A_252 = tpu.memref_squeeze %dma_start3A_251 : memref<1x128x80xi32, #tpu.memory_space<hbm>> -> memref<128x80xi32, #tpu.memory_space<hbm>>
      %dma_start3A_253 = arith.constant 0 : i32
      %dma_start3A_254 = arith.constant 0 : i32
      %dma_start3A_255 = tpu.memref_slice %arg3[%add3A, %dma_start3A_253, %dma_start3A_254] : memref<32x128x80xi32, #tpu.memory_space<hbm>> -> memref<1x128x80xi32, #tpu.memory_space<hbm>>
      %dma_start3A_256 = tpu.memref_squeeze %dma_start3A_255 : memref<1x128x80xi32, #tpu.memory_space<hbm>> -> memref<128x80xi32, #tpu.memory_space<hbm>>
      tpu.enqueue_dma source(%dma_start3A_256 : memref<128x80xi32, #tpu.memory_space<hbm>>) target(%arg6 : memref<128x80xi32, #tpu.memory_space<vmem>>) target_semaphore(%run_scoped3A : memref<!tpu.dma_semaphore, #tpu.memory_space<semaphore_mem>>)
      %dma_wait3A = arith.constant 0 : i32
      %dma_wait3A_257 = arith.constant 0 : i32
      %dma_wait3A_258 = tpu.memref_slice %arg3[%add3A, %dma_wait3A, %dma_wait3A_257] : memref<32x128x80xi32, #tpu.memory_space<hbm>> -> memref<1x128x80xi32, #tpu.memory_space<hbm>>
      %dma_wait3A_259 = tpu.memref_squeeze %dma_wait3A_258 : memref<1x128x80xi32, #tpu.memory_space<hbm>> -> memref<128x80xi32, #tpu.memory_space<hbm>>
      %dma_wait3A_260 = arith.constant 0 : i32
      %dma_wait3A_261 = arith.constant 0 : i32
      %dma_wait3A_262 = tpu.memref_slice %arg3[%add3A, %dma_wait3A_260, %dma_wait3A_261] : memref<32x128x80xi32, #tpu.memory_space<hbm>> -> memref<1x128x80xi32, #tpu.memory_space<hbm>>
      %dma_wait3A_263 = tpu.memref_squeeze %dma_wait3A_262 : memref<1x128x80xi32, #tpu.memory_space<hbm>> -> memref<128x80xi32, #tpu.memory_space<hbm>>
      tpu.wait_dma2 semaphore(%run_scoped3A : memref<!tpu.dma_semaphore, #tpu.memory_space<semaphore_mem>>) src(%dma_wait3A_263 : memref<128x80xi32, #tpu.memory_space<hbm>>) dst(%arg6 : memref<128x80xi32, #tpu.memory_space<vmem>>)
      tpu.yield
    }) : () -> ()
    %get3A = arith.constant 0 : i32
    %get3A_1 = arith.index_cast %get3A : i32 to index
    %get3A_2 = arith.constant 0 : index
    %get3A_3 = tpu.vector_load %arg6[%get3A_1, %get3A_2] {strides = array<i32>} : memref<128x80xi32, #tpu.memory_space<vmem>>, vector<1x16xi32>,
    %get3A_4 = vector.shape_cast %get3A_3 : vector<1x16xi32> to vector<16xi32>
    %and3A = arith.constant 65535 : i32
    %and3A_5 = vector.broadcast %and3A : i32 to vector<16xi32>
    %and3A_6 = arith.andi %get3A_4, %and3A_5 : vector<16xi32>
    %add3A_7 = arith.constant 0 : i32
    %add3A_8 = vector.broadcast %add3A_7 : i32 to vector<16xi32>
    %add3A_9 = arith.addi %and3A_6, %add3A_8 : vector<16xi32>
    %swap3A = arith.constant 0 : index
    %swap3A_10 = tpu.vector_load %arg7[%swap3A] {strides = array<i32>} : memref<80xi32, #tpu.memory_space<vmem>>, vector<16xi32>,
    %swap3A_11 = vector.shape_cast %swap3A_10 : vector<16xi32> to vector<16xi32>
    %swap3A_12 = vector.shape_cast %add3A_9 : vector<16xi32> to vector<16xi32>
    tpu.vector_store %arg7[%swap3A], %swap3A_12 {strides = array<i32>} : memref<80xi32, #tpu.memory_space<vmem>>, vector<16xi32>,
    %shift_right_arithmetic3A = arith.constant 16 : i32
    %shift_right_arithmetic3A_13 = vector.broadcast %shift_right_arithmetic3A : i32 to vector<16xi32>
    %shift_right_arithmetic3A_14 = arith.shrsi %get3A_4, %shift_right_arithmetic3A_13 : vector<16xi32>
    %swap3A_15 = arith.constant 0 : index
    %swap3A_16 = tpu.vector_load %arg8[%swap3A_15] {strides = array<i32>} : memref<80xi32, #tpu.memory_space<vmem>>, vector<16xi32>,
    %swap3A_17 = vector.shape_cast %swap3A_16 : vector<16xi32> to vector<16xi32>
    %swap3A_18 = vector.shape_cast %shift_right_arithmetic3A_14 : vector<16xi32> to vector<16xi32>
    tpu.vector_store %arg8[%swap3A_15], %swap3A_18 {strides = array<i32>} : memref<80xi32, #tpu.memory_space<vmem>>, vector<16xi32>,
    %get3A_19 = arith.constant 0 : i32
    %get3A_20 = arith.index_cast %get3A_19 : i32 to index
    %get3A_21 = arith.constant 16 : index
    %get3A_22 = tpu.vector_load %arg6[%get3A_20, %get3A_21] {strides = array<i32>} : memref<128x80xi32, #tpu.memory_space<vmem>>, vector<1x16xi32>,
    %get3A_23 = vector.shape_cast %get3A_22 : vector<1x16xi32> to vector<16xi32>
    %and3A_24 = arith.constant 65535 : i32
    %and3A_25 = vector.broadcast %and3A_24 : i32 to vector<16xi32>
    %and3A_26 = arith.andi %get3A_23, %and3A_25 : vector<16xi32>
    %add3A_27 = arith.constant 0 : i32
    %add3A_28 = vector.broadcast %add3A_27 : i32 to vector<16xi32>
    %add3A_29 = arith.addi %and3A_26, %add3A_28 : vector<16xi32>
    %swap3A_30 = arith.constant 16 : index
    %swap3A_31 = tpu.vector_load %arg7[%swap3A_30] {strides = array<i32>} : memref<80xi32, #tpu.memory_space<vmem>>, vector<16xi32>,
    %swap3A_32 = vector.shape_cast %swap3A_31 : vector<16xi32> to vector<16xi32>
    %swap3A_33 = vector.shape_cast %add3A_29 : vector<16xi32> to vector<16xi32>
    tpu.vector_store %arg7[%swap3A_30], %swap3A_33 {strides = array<i32>} : memref<80xi32, #tpu.memory_space<vmem>>, vector<16xi32>,
    %shift_right_arithmetic3A_34 = arith.constant 16 : i32
    %shift_right_arithmetic3A_35 = vector.broadcast %shift_right_arithmetic3A_34 : i32 to vector<16xi32>
    %shift_right_arithmetic3A_36 = arith.shrsi %get3A_23, %shift_right_arithmetic3A_35 : vector<16xi32>
    %swap3A_37 = arith.constant 16 : index
    %swap3A_38 = tpu.vector_load %arg8[%swap3A_37] {strides = array<i32>} : memref<80xi32, #tpu.memory_space<vmem>>, vector<16xi32>,
    %swap3A_39 = vector.shape_cast %swap3A_38 : vector<16xi32> to vector<16xi32>
    %swap3A_40 = vector.shape_cast %shift_right_arithmetic3A_36 : vector<16xi32> to vector<16xi32>
    tpu.vector_store %arg8[%swap3A_37], %swap3A_40 {strides = array<i32>} : memref<80xi32, #tpu.memory_space<vmem>>, vector<16xi32>,
    %get3A_41 = arith.constant 0 : i32
    %get3A_42 = arith.index_cast %get3A_41 : i32 to index
    %get3A_43 = arith.constant 32 : index
    %get3A_44 = tpu.vector_load %arg6[%get3A_42, %get3A_43] {strides = array<i32>} : memref<128x80xi32, #tpu.memory_space<vmem>>, vector<1x16xi32>,
    %get3A_45 = vector.shape_cast %get3A_44 : vector<1x16xi32> to vector<16xi32>
    %and3A_46 = arith.constant 65535 : i32
    %and3A_47 = vector.broadcast %and3A_46 : i32 to vector<16xi32>
    %and3A_48 = arith.andi %get3A_45, %and3A_47 : vector<16xi32>
    %add3A_49 = arith.constant 0 : i32
    %add3A_50 = vector.broadcast %add3A_49 : i32 to vector<16xi32>
    %add3A_51 = arith.addi %and3A_48, %add3A_50 : vector<16xi32>
    %swap3A_52 = arith.constant 32 : index
    %swap3A_53 = tpu.vector_load %arg7[%swap3A_52] {strides = array<i32>} : memref<80xi32, #tpu.memory_space<vmem>>, vector<16xi32>,
    %swap3A_54 = vector.shape_cast %swap3A_53 : vector<16xi32> to vector<16xi32>
    %swap3A_55 = vector.shape_cast %add3A_51 : vector<16xi32> to vector<16xi32>
    tpu.vector_store %arg7[%swap3A_52], %swap3A_55 {strides = array<i32>} : memref<80xi32, #tpu.memory_space<vmem>>, vector<16xi32>,
    %shift_right_arithmetic3A_56 = arith.constant 16 : i32
    %shift_right_arithmetic3A_57 = vector.broadcast %shift_right_arithmetic3A_56 : i32 to vector<16xi32>
    %shift_right_arithmetic3A_58 = arith.shrsi %get3A_45, %shift_right_arithmetic3A_57 : vector<16xi32>
    %swap3A_59 = arith.constant 32 : index
    %swap3A_60 = tpu.vector_load %arg8[%swap3A_59] {strides = array<i32>} : memref<80xi32, #tpu.memory_space<vmem>>, vector<16xi32>,
    %swap3A_61 = vector.shape_cast %swap3A_60 : vector<16xi32> to vector<16xi32>
    %swap3A_62 = vector.shape_cast %shift_right_arithmetic3A_58 : vector<16xi32> to vector<16xi32>
    tpu.vector_store %arg8[%swap3A_59], %swap3A_62 {strides = array<i32>} : memref<80xi32, #tpu.memory_space<vmem>>, vector<16xi32>,
    %get3A_63 = arith.constant 0 : i32
    %get3A_64 = arith.index_cast %get3A_63 : i32 to index
    %get3A_65 = arith.constant 48 : index
    %get3A_66 = tpu.vector_load %arg6[%get3A_64, %get3A_65] {strides = array<i32>} : memref<128x80xi32, #tpu.memory_space<vmem>>, vector<1x16xi32>,
    %get3A_67 = vector.shape_cast %get3A_66 : vector<1x16xi32> to vector<16xi32>
    %and3A_68 = arith.constant 65535 : i32
    %and3A_69 = vector.broadcast %and3A_68 : i32 to vector<16xi32>
    %and3A_70 = arith.andi %get3A_67, %and3A_69 : vector<16xi32>
    %add3A_71 = arith.constant 0 : i32
    %add3A_72 = vector.broadcast %add3A_71 : i32 to vector<16xi32>
    %add3A_73 = arith.addi %and3A_70, %add3A_72 : vector<16xi32>
    %swap3A_74 = arith.constant 48 : index
    %swap3A_75 = tpu.vector_load %arg7[%swap3A_74] {strides = array<i32>} : memref<80xi32, #tpu.memory_space<vmem>>, vector<16xi32>,
    %swap3A_76 = vector.shape_cast %swap3A_75 : vector<16xi32> to vector<16xi32>
    %swap3A_77 = vector.shape_cast %add3A_73 : vector<16xi32> to vector<16xi32>
    tpu.vector_store %arg7[%swap3A_74], %swap3A_77 {strides = array<i32>} : memref<80xi32, #tpu.memory_space<vmem>>, vector<16xi32>,
    %shift_right_arithmetic3A_78 = arith.constant 16 : i32
    %shift_right_arithmetic3A_79 = vector.broadcast %shift_right_arithmetic3A_78 : i32 to vector<16xi32>
    %shift_right_arithmetic3A_80 = arith.shrsi %get3A_67, %shift_right_arithmetic3A_79 : vector<16xi32>
    %swap3A_81 = arith.constant 48 : index
    %swap3A_82 = tpu.vector_load %arg8[%swap3A_81] {strides = array<i32>} : memref<80xi32, #tpu.memory_space<vmem>>, vector<16xi32>,
    %swap3A_83 = vector.shape_cast %swap3A_82 : vector<16xi32> to vector<16xi32>
    %swap3A_84 = vector.shape_cast %shift_right_arithmetic3A_80 : vector<16xi32> to vector<16xi32>
    tpu.vector_store %arg8[%swap3A_81], %swap3A_84 {strides = array<i32>} : memref<80xi32, #tpu.memory_space<vmem>>, vector<16xi32>,
    %get3A_85 = arith.constant 0 : i32
    %get3A_86 = arith.index_cast %get3A_85 : i32 to index
    %get3A_87 = arith.constant 64 : index
    %get3A_88 = tpu.vector_load %arg6[%get3A_86, %get3A_87] {strides = array<i32>} : memref<128x80xi32, #tpu.memory_space<vmem>>, vector<1x16xi32>,
    %get3A_89 = vector.shape_cast %get3A_88 : vector<1x16xi32> to vector<16xi32>
    %and3A_90 = arith.constant 65535 : i32
    %and3A_91 = vector.broadcast %and3A_90 : i32 to vector<16xi32>
    %and3A_92 = arith.andi %get3A_89, %and3A_91 : vector<16xi32>
    %add3A_93 = arith.constant 0 : i32
    %add3A_94 = vector.broadcast %add3A_93 : i32 to vector<16xi32>
    %add3A_95 = arith.addi %and3A_92, %add3A_94 : vector<16xi32>
    %swap3A_96 = arith.constant 64 : index
    %swap3A_97 = tpu.vector_load %arg7[%swap3A_96] {strides = array<i32>} : memref<80xi32, #tpu.memory_space<vmem>>, vector<16xi32>,
    %swap3A_98 = vector.shape_cast %swap3A_97 : vector<16xi32> to vector<16xi32>
    %swap3A_99 = vector.shape_cast %add3A_95 : vector<16xi32> to vector<16xi32>
    tpu.vector_store %arg7[%swap3A_96], %swap3A_99 {strides = array<i32>} : memref<80xi32, #tpu.memory_space<vmem>>, vector<16xi32>,
    %shift_right_arithmetic3A_100 = arith.constant 16 : i32
    %shift_right_arithmetic3A_101 = vector.broadcast %shift_right_arithmetic3A_100 : i32 to vector<16xi32>
    %shift_right_arithmetic3A_102 = arith.shrsi %get3A_89, %shift_right_arithmetic3A_101 : vector<16xi32>
    %swap3A_103 = arith.constant 64 : index
    %swap3A_104 = tpu.vector_load %arg8[%swap3A_103] {strides = array<i32>} : memref<80xi32, #tpu.memory_space<vmem>>, vector<16xi32>,
    %swap3A_105 = vector.shape_cast %swap3A_104 : vector<16xi32> to vector<16xi32>
    %swap3A_106 = vector.shape_cast %shift_right_arithmetic3A_102 : vector<16xi32> to vector<16xi32>
    tpu.vector_store %arg8[%swap3A_103], %swap3A_106 {strides = array<i32>} : memref<80xi32, #tpu.memory_space<vmem>>, vector<16xi32>,
    %dma_start3A = arith.constant 0 : i32
    %dma_start3A_107 = arith.constant 0 : i32
    %dma_start3A_108 = tpu.memref_slice %arg2[%dma_start3A, %dma_start3A_107] : memref<10000x128xf32, #tpu.memory_space<hbm>> -> memref<10000x128xf32, #tpu.memory_space<hbm>>
    tpu.enqueue_indirect_dma source(%dma_start3A_108 : memref<10000x128xf32, #tpu.memory_space<hbm>>) target(%arg11 : memref<80x128xf32, #tpu.memory_space<vmem>>) offsets(%arg7 : memref<80xi32, #tpu.memory_space<vmem>>) semaphore(%arg14 : memref<!tpu.dma_semaphore, #tpu.memory_space<semaphore_mem>>)
    %get3A_109 = arith.constant 1 : i32
    %get3A_110 = arith.index_cast %get3A_109 : i32 to index
    %get3A_111 = arith.constant 0 : index
    %get3A_112 = tpu.vector_load %arg6[%get3A_110, %get3A_111] {strides = array<i32>} : memref<128x80xi32, #tpu.memory_space<vmem>>, vector<1x16xi32>,
    %get3A_113 = vector.shape_cast %get3A_112 : vector<1x16xi32> to vector<16xi32>
    %and3A_114 = arith.constant 65535 : i32
    %and3A_115 = vector.broadcast %and3A_114 : i32 to vector<16xi32>
    %and3A_116 = arith.andi %get3A_113, %and3A_115 : vector<16xi32>
    %add3A_117 = arith.constant 0 : i32
    %add3A_118 = vector.broadcast %add3A_117 : i32 to vector<16xi32>
    %add3A_119 = arith.addi %and3A_116, %add3A_118 : vector<16xi32>
    %swap3A_120 = arith.constant 0 : index
    %swap3A_121 = tpu.vector_load %arg9[%swap3A_120] {strides = array<i32>} : memref<80xi32, #tpu.memory_space<vmem>>, vector<16xi32>,
    %swap3A_122 = vector.shape_cast %swap3A_121 : vector<16xi32> to vector<16xi32>
    %swap3A_123 = vector.shape_cast %add3A_119 : vector<16xi32> to vector<16xi32>
    tpu.vector_store %arg9[%swap3A_120], %swap3A_123 {strides = array<i32>} : memref<80xi32, #tpu.memory_space<vmem>>, vector<16xi32>,
    %shift_right_arithmetic3A_124 = arith.constant 16 : i32
    %shift_right_arithmetic3A_125 = vector.broadcast %shift_right_arithmetic3A_124 : i32 to vector<16xi32>
    %shift_right_arithmetic3A_126 = arith.shrsi %get3A_113, %shift_right_arithmetic3A_125 : vector<16xi32>
    %swap3A_127 = arith.constant 0 : index
    %swap3A_128 = tpu.vector_load %arg10[%swap3A_127] {strides = array<i32>} : memref<80xi32, #tpu.memory_space<vmem>>, vector<16xi32>,
    %swap3A_129 = vector.shape_cast %swap3A_128 : vector<16xi32> to vector<16xi32>
    %swap3A_130 = vector.shape_cast %shift_right_arithmetic3A_126 : vector<16xi32> to vector<16xi32>
    tpu.vector_store %arg10[%swap3A_127], %swap3A_130 {strides = array<i32>} : memref<80xi32, #tpu.memory_space<vmem>>, vector<16xi32>,
    %get3A_131 = arith.constant 1 : i32
    %get3A_132 = arith.index_cast %get3A_131 : i32 to index
    %get3A_133 = arith.constant 16 : index
    %get3A_134 = tpu.vector_load %arg6[%get3A_132, %get3A_133] {strides = array<i32>} : memref<128x80xi32, #tpu.memory_space<vmem>>, vector<1x16xi32>,
    %get3A_135 = vector.shape_cast %get3A_134 : vector<1x16xi32> to vector<16xi32>
    %and3A_136 = arith.constant 65535 : i32
    %and3A_137 = vector.broadcast %and3A_136 : i32 to vector<16xi32>
    %and3A_138 = arith.andi %get3A_135, %and3A_137 : vector<16xi32>
    %add3A_139 = arith.constant 0 : i32
    %add3A_140 = vector.broadcast %add3A_139 : i32 to vector<16xi32>
    %add3A_141 = arith.addi %and3A_138, %add3A_140 : vector<16xi32>
    %swap3A_142 = arith.constant 16 : index
    %swap3A_143 = tpu.vector_load %arg9[%swap3A_142] {strides = array<i32>} : memref<80xi32, #tpu.memory_space<vmem>>, vector<16xi32>,
    %swap3A_144 = vector.shape_cast %swap3A_143 : vector<16xi32> to vector<16xi32>
    %swap3A_145 = vector.shape_cast %add3A_141 : vector<16xi32> to vector<16xi32>
    tpu.vector_store %arg9[%swap3A_142], %swap3A_145 {strides = array<i32>} : memref<80xi32, #tpu.memory_space<vmem>>, vector<16xi32>,
    %shift_right_arithmetic3A_146 = arith.constant 16 : i32
    %shift_right_arithmetic3A_147 = vector.broadcast %shift_right_arithmetic3A_146 : i32 to vector<16xi32>
    %shift_right_arithmetic3A_148 = arith.shrsi %get3A_135, %shift_right_arithmetic3A_147 : vector<16xi32>
    %swap3A_149 = arith.constant 16 : index
    %swap3A_150 = tpu.vector_load %arg10[%swap3A_149] {strides = array<i32>} : memref<80xi32, #tpu.memory_space<vmem>>, vector<16xi32>,
    %swap3A_151 = vector.shape_cast %swap3A_150 : vector<16xi32> to vector<16xi32>
    %swap3A_152 = vector.shape_cast %shift_right_arithmetic3A_148 : vector<16xi32> to vector<16xi32>
    tpu.vector_store %arg10[%swap3A_149], %swap3A_152 {strides = array<i32>} : memref<80xi32, #tpu.memory_space<vmem>>, vector<16xi32>,
    %get3A_153 = arith.constant 1 : i32
    %get3A_154 = arith.index_cast %get3A_153 : i32 to index
    %get3A_155 = arith.constant 32 : index
    %get3A_156 = tpu.vector_load %arg6[%get3A_154, %get3A_155] {strides = array<i32>} : memref<128x80xi32, #tpu.memory_space<vmem>>, vector<1x16xi32>,
    %get3A_157 = vector.shape_cast %get3A_156 : vector<1x16xi32> to vector<16xi32>
    %and3A_158 = arith.constant 65535 : i32
    %and3A_159 = vector.broadcast %and3A_158 : i32 to vector<16xi32>
    %and3A_160 = arith.andi %get3A_157, %and3A_159 : vector<16xi32>
    %add3A_161 = arith.constant 0 : i32
    %add3A_162 = vector.broadcast %add3A_161 : i32 to vector<16xi32>
    %add3A_163 = arith.addi %and3A_160, %add3A_162 : vector<16xi32>
    %swap3A_164 = arith.constant 32 : index
    %swap3A_165 = tpu.vector_load %arg9[%swap3A_164] {strides = array<i32>} : memref<80xi32, #tpu.memory_space<vmem>>, vector<16xi32>,
    %swap3A_166 = vector.shape_cast %swap3A_165 : vector<16xi32> to vector<16xi32>
    %swap3A_167 = vector.shape_cast %add3A_163 : vector<16xi32> to vector<16xi32>
    tpu.vector_store %arg9[%swap3A_164], %swap3A_167 {strides = array<i32>} : memref<80xi32, #tpu.memory_space<vmem>>, vector<16xi32>,
    %shift_right_arithmetic3A_168 = arith.constant 16 : i32
    %shift_right_arithmetic3A_169 = vector.broadcast %shift_right_arithmetic3A_168 : i32 to vector<16xi32>
    %shift_right_arithmetic3A_170 = arith.shrsi %get3A_157, %shift_right_arithmetic3A_169 : vector<16xi32>
    %swap3A_171 = arith.constant 32 : index
    %swap3A_172 = tpu.vector_load %arg10[%swap3A_171] {strides = array<i32>} : memref<80xi32, #tpu.memory_space<vmem>>, vector<16xi32>,
    %swap3A_173 = vector.shape_cast %swap3A_172 : vector<16xi32> to vector<16xi32>
    %swap3A_174 = vector.shape_cast %shift_right_arithmetic3A_170 : vector<16xi32> to vector<16xi32>
    tpu.vector_store %arg10[%swap3A_171], %swap3A_174 {strides = array<i32>} : memref<80xi32, #tpu.memory_space<vmem>>, vector<16xi32>,
    %get3A_175 = arith.constant 1 : i32
    %get3A_176 = arith.index_cast %get3A_175 : i32 to index
    %get3A_177 = arith.constant 48 : index
    %get3A_178 = tpu.vector_load %arg6[%get3A_176, %get3A_177] {strides = array<i32>} : memref<128x80xi32, #tpu.memory_space<vmem>>, vector<1x16xi32>,
    %get3A_179 = vector.shape_cast %get3A_178 : vector<1x16xi32> to vector<16xi32>
    %and3A_180 = arith.constant 65535 : i32
    %and3A_181 = vector.broadcast %and3A_180 : i32 to vector<16xi32>
    %and3A_182 = arith.andi %get3A_179, %and3A_181 : vector<16xi32>
    %add3A_183 = arith.constant 0 : i32
    %add3A_184 = vector.broadcast %add3A_183 : i32 to vector<16xi32>
    %add3A_185 = arith.addi %and3A_182, %add3A_184 : vector<16xi32>
    %swap3A_186 = arith.constant 48 : index
    %swap3A_187 = tpu.vector_load %arg9[%swap3A_186] {strides = array<i32>} : memref<80xi32, #tpu.memory_space<vmem>>, vector<16xi32>,
    %swap3A_188 = vector.shape_cast %swap3A_187 : vector<16xi32> to vector<16xi32>
    %swap3A_189 = vector.shape_cast %add3A_185 : vector<16xi32> to vector<16xi32>
    tpu.vector_store %arg9[%swap3A_186], %swap3A_189 {strides = array<i32>} : memref<80xi32, #tpu.memory_space<vmem>>, vector<16xi32>,
    %shift_right_arithmetic3A_190 = arith.constant 16 : i32
    %shift_right_arithmetic3A_191 = vector.broadcast %shift_right_arithmetic3A_190 : i32 to vector<16xi32>
    %shift_right_arithmetic3A_192 = arith.shrsi %get3A_179, %shift_right_arithmetic3A_191 : vector<16xi32>
    %swap3A_193 = arith.constant 48 : index
    %swap3A_194 = tpu.vector_load %arg10[%swap3A_193] {strides = array<i32>} : memref<80xi32, #tpu.memory_space<vmem>>, vector<16xi32>,
    %swap3A_195 = vector.shape_cast %swap3A_194 : vector<16xi32> to vector<16xi32>
    %swap3A_196 = vector.shape_cast %shift_right_arithmetic3A_192 : vector<16xi32> to vector<16xi32>
    tpu.vector_store %arg10[%swap3A_193], %swap3A_196 {strides = array<i32>} : memref<80xi32, #tpu.memory_space<vmem>>, vector<16xi32>,
    %get3A_197 = arith.constant 1 : i32
    %get3A_198 = arith.index_cast %get3A_197 : i32 to index
    %get3A_199 = arith.constant 64 : index
    %get3A_200 = tpu.vector_load %arg6[%get3A_198, %get3A_199] {strides = array<i32>} : memref<128x80xi32, #tpu.memory_space<vmem>>, vector<1x16xi32>,
    %get3A_201 = vector.shape_cast %get3A_200 : vector<1x16xi32> to vector<16xi32>
    %and3A_202 = arith.constant 65535 : i32
    %and3A_203 = vector.broadcast %and3A_202 : i32 to vector<16xi32>
    %and3A_204 = arith.andi %get3A_201, %and3A_203 : vector<16xi32>
    %add3A_205 = arith.constant 0 : i32
    %add3A_206 = vector.broadcast %add3A_205 : i32 to vector<16xi32>
    %add3A_207 = arith.addi %and3A_204, %add3A_206 : vector<16xi32>
    %swap3A_208 = arith.constant 64 : index
    %swap3A_209 = tpu.vector_load %arg9[%swap3A_208] {strides = array<i32>} : memref<80xi32, #tpu.memory_space<vmem>>, vector<16xi32>,
    %swap3A_210 = vector.shape_cast %swap3A_209 : vector<16xi32> to vector<16xi32>
    %swap3A_211 = vector.shape_cast %add3A_207 : vector<16xi32> to vector<16xi32>
    tpu.vector_store %arg9[%swap3A_208], %swap3A_211 {strides = array<i32>} : memref<80xi32, #tpu.memory_space<vmem>>, vector<16xi32>,
    %shift_right_arithmetic3A_212 = arith.constant 16 : i32
    %shift_right_arithmetic3A_213 = vector.broadcast %shift_right_arithmetic3A_212 : i32 to vector<16xi32>
    %shift_right_arithmetic3A_214 = arith.shrsi %get3A_201, %shift_right_arithmetic3A_213 : vector<16xi32>
    %swap3A_215 = arith.constant 64 : index
    %swap3A_216 = tpu.vector_load %arg10[%swap3A_215] {strides = array<i32>} : memref<80xi32, #tpu.memory_space<vmem>>, vector<16xi32>,
    %swap3A_217 = vector.shape_cast %swap3A_216 : vector<16xi32> to vector<16xi32>
    %swap3A_218 = vector.shape_cast %shift_right_arithmetic3A_214 : vector<16xi32> to vector<16xi32>
    tpu.vector_store %arg10[%swap3A_215], %swap3A_218 {strides = array<i32>} : memref<80xi32, #tpu.memory_space<vmem>>, vector<16xi32>,
    %dma_start3A_219 = arith.constant 0 : i32
    %dma_start3A_220 = arith.constant 0 : i32
    %dma_start3A_221 = tpu.memref_slice %arg2[%dma_start3A_219, %dma_start3A_220] : memref<10000x128xf32, #tpu.memory_space<hbm>> -> memref<10000x128xf32, #tpu.memory_space<hbm>>
    tpu.enqueue_indirect_dma source(%dma_start3A_221 : memref<10000x128xf32, #tpu.memory_space<hbm>>) target(%arg12 : memref<80x128xf32, #tpu.memory_space<vmem>>) offsets(%arg9 : memref<80xi32, #tpu.memory_space<vmem>>) semaphore(%arg15 : memref<!tpu.dma_semaphore, #tpu.memory_space<semaphore_mem>>)
    %eq3A = arith.constant 0 : i32
    %eq3A_222 = arith.cmpi eq, %arg0, %eq3A : i32
    %lt3A = arith.constant 15 : i32
    %lt3A_223 = arith.cmpi slt, %arg1, %lt3A : i32
    %and3A_224 = arith.andi %eq3A_222, %lt3A_223 : i1
    %convert_element_type3A = arith.extui %and3A_224 : i1 to i32
    %cond3A = arith.constant 0 : i32
    %cond3A_225 = arith.cmpi ne, %convert_element_type3A, %cond3A : i32
    scf.if %cond3A_225 {
      %mul3A_249 = arith.constant 640 : i32
      %mul3A_250 = arith.muli %arg1, %mul3A_249 : i32
      %mul3A_251 = arith.constant 640 : i32
      %mul3A_252 = arith.muli %arg1, %mul3A_251 : i32
      "tpu.region"() ({
        %run_scoped3A = tpu.sem_alloc : memref<!tpu.dma_semaphore, #tpu.memory_space<semaphore_mem>>
        %dma_start3A_253 = arith.constant 0 : i32
        %dma_start3A_254 = tpu.memref_slice %arg13[%mul3A_252, %dma_start3A_253] : memref<10240x128xf32, #tpu.memory_space<vmem_shared>> -> memref<640x128xf32, #tpu.memory_space<vmem_shared>>
        %dma_start3A_255 = arith.constant 0 : i32
        %dma_start3A_256 = tpu.memref_slice %arg2[%mul3A_250, %dma_start3A_255] : memref<10000x128xf32, #tpu.memory_space<hbm>> -> memref<640x128xf32, #tpu.memory_space<hbm>>
        tpu.enqueue_dma source(%dma_start3A_256 : memref<640x128xf32, #tpu.memory_space<hbm>>) target(%dma_start3A_254 : memref<640x128xf32, #tpu.memory_space<vmem_shared>>) target_semaphore(%run_scoped3A : memref<!tpu.dma_semaphore, #tpu.memory_space<semaphore_mem>>)
        %dma_wait3A = arith.constant 0 : i32
        %dma_wait3A_257 = tpu.memref_slice %arg13[%mul3A_252, %dma_wait3A] : memref<10240x128xf32, #tpu.memory_space<vmem_shared>> -> memref<640x128xf32, #tpu.memory_space<vmem_shared>>
        %dma_wait3A_258 = arith.constant 0 : i32
        %dma_wait3A_259 = tpu.memref_slice %arg2[%mul3A_250, %dma_wait3A_258] : memref<10000x128xf32, #tpu.memory_space<hbm>> -> memref<640x128xf32, #tpu.memory_space<hbm>>
        tpu.wait_dma2 semaphore(%run_scoped3A : memref<!tpu.dma_semaphore, #tpu.memory_space<semaphore_mem>>) src(%dma_wait3A_259 : memref<640x128xf32, #tpu.memory_space<hbm>>) dst(%dma_wait3A_257 : memref<640x128xf32, #tpu.memory_space<vmem_shared>>)
        tpu.yield
      }) : () -> ()
    } else {
    }
    %eq3A_226 = arith.constant 0 : i32
    %eq3A_227 = arith.cmpi eq, %arg0, %eq3A_226 : i32
    %eq3A_228 = arith.constant 15 : i32
    %eq3A_229 = arith.cmpi eq, %arg1, %eq3A_228 : i32
    %and3A_230 = arith.andi %eq3A_227, %eq3A_229 : i1
    %convert_element_type3A_231 = arith.extui %and3A_230 : i1 to i32
    %cond3A_232 = arith.constant 0 : i32
    %cond3A_233 = arith.cmpi ne, %convert_element_type3A_231, %cond3A_232 : i32
    scf.if %cond3A_233 {
      "tpu.region"() ({
        %run_scoped3A = tpu.sem_alloc : memref<!tpu.dma_semaphore, #tpu.memory_space<semaphore_mem>>
        %dma_start3A_249 = arith.constant 9600 : i32
        %dma_start3A_250 = arith.constant 0 : i32
        %dma_start3A_251 = tpu.memref_slice %arg13[%dma_start3A_249, %dma_start3A_250] : memref<10240x128xf32, #tpu.memory_space<vmem_shared>> -> memref<400x128xf32, #tpu.memory_space<vmem_shared>>
        %dma_start3A_252 = arith.constant 9600 : i32
        %dma_start3A_253 = arith.constant 0 : i32
        %dma_start3A_254 = tpu.memref_slice %arg2[%dma_start3A_252, %dma_start3A_253] : memref<10000x128xf32, #tpu.memory_space<hbm>> -> memref<400x128xf32, #tpu.memory_space<hbm>>
        tpu.enqueue_dma source(%dma_start3A_254 : memref<400x128xf32, #tpu.memory_space<hbm>>) target(%dma_start3A_251 : memref<400x128xf32, #tpu.memory_space<vmem_shared>>) target_semaphore(%run_scoped3A : memref<!tpu.dma_semaphore, #tpu.memory_space<semaphore_mem>>)
        %dma_wait3A = arith.constant 9600 : i32
        %dma_wait3A_255 = arith.constant 0 : i32
        %dma_wait3A_256 = tpu.memref_slice %arg13[%dma_wait3A, %dma_wait3A_255] : memref<10240x128xf32, #tpu.memory_space<vmem_shared>> -> memref<400x128xf32, #tpu.memory_space<vmem_shared>>
        %dma_wait3A_257 = arith.constant 9600 : i32
        %dma_wait3A_258 = arith.constant 0 : i32
        %dma_wait3A_259 = tpu.memref_slice %arg2[%dma_wait3A_257, %dma_wait3A_258] : memref<10000x128xf32, #tpu.memory_space<hbm>> -> memref<400x128xf32, #tpu.memory_space<hbm>>
        tpu.wait_dma2 semaphore(%run_scoped3A : memref<!tpu.dma_semaphore, #tpu.memory_space<semaphore_mem>>) src(%dma_wait3A_259 : memref<400x128xf32, #tpu.memory_space<hbm>>) dst(%dma_wait3A_256 : memref<400x128xf32, #tpu.memory_space<vmem_shared>>)
        tpu.yield
      }) : () -> ()
      "tpu.region"() ({
        %run_scoped3A = tpu.sem_alloc : memref<!tpu.dma_semaphore, #tpu.memory_space<semaphore_mem>>
        %dma_start3A_249 = arith.constant 10000 : i32
        %dma_start3A_250 = arith.constant 0 : i32
        %dma_start3A_251 = tpu.memref_slice %arg13[%dma_start3A_249, %dma_start3A_250] : memref<10240x128xf32, #tpu.memory_space<vmem_shared>> -> memref<240x128xf32, #tpu.memory_space<vmem_shared>>
        %dma_start3A_252 = arith.constant 0 : i32
        %dma_start3A_253 = arith.constant 0 : i32
        %dma_start3A_254 = tpu.memref_slice %arg4[%dma_start3A_252, %dma_start3A_253] : memref<640x128xf32, #tpu.memory_space<hbm>> -> memref<240x128xf32, #tpu.memory_space<hbm>>
        tpu.enqueue_dma source(%dma_start3A_254 : memref<240x128xf32, #tpu.memory_space<hbm>>) target(%dma_start3A_251 : memref<240x128xf32, #tpu.memory_space<vmem_shared>>) target_semaphore(%run_scoped3A : memref<!tpu.dma_semaphore, #tpu.memory_space<semaphore_mem>>)
        %dma_wait3A = arith.constant 10000 : i32
        %dma_wait3A_255 = arith.constant 0 : i32
        %dma_wait3A_256 = tpu.memref_slice %arg13[%dma_wait3A, %dma_wait3A_255] : memref<10240x128xf32, #tpu.memory_space<vmem_shared>> -> memref<240x128xf32, #tpu.memory_space<vmem_shared>>
        %dma_wait3A_257 = arith.constant 0 : i32
        %dma_wait3A_258 = arith.constant 0 : i32
        %dma_wait3A_259 = tpu.memref_slice %arg4[%dma_wait3A_257, %dma_wait3A_258] : memref<640x128xf32, #tpu.memory_space<hbm>> -> memref<240x128xf32, #tpu.memory_space<hbm>>
        tpu.wait_dma2 semaphore(%run_scoped3A : memref<!tpu.dma_semaphore, #tpu.memory_space<semaphore_mem>>) src(%dma_wait3A_259 : memref<240x128xf32, #tpu.memory_space<hbm>>) dst(%dma_wait3A_256 : memref<240x128xf32, #tpu.memory_space<vmem_shared>>)
        tpu.yield
      }) : () -> ()
    } else {
    }
    %eq3A_234 = arith.constant 1 : i32
    %eq3A_235 = arith.cmpi eq, %arg0, %eq3A_234 : i32
    %convert_element_type3A_236 = arith.extui %eq3A_235 : i1 to i32
    %cond3A_237 = arith.constant 0 : i32
    %cond3A_238 = arith.cmpi ne, %convert_element_type3A_236, %cond3A_237 : i32
    scf.if %cond3A_238 {
      %mul3A_249 = arith.constant 640 : i32
      %mul3A_250 = arith.muli %arg1, %mul3A_249 : i32
      "tpu.region"() ({
        %run_scoped3A = tpu.sem_alloc : memref<!tpu.dma_semaphore, #tpu.memory_space<semaphore_mem>>
        %dma_start3A_251 = arith.constant 0 : i32
        %dma_start3A_252 = tpu.memref_slice %arg13[%mul3A_250, %dma_start3A_251] : memref<10240x128xf32, #tpu.memory_space<vmem_shared>> -> memref<640x128xf32, #tpu.memory_space<vmem_shared>>
        tpu.enqueue_dma source(%arg4 : memref<640x128xf32, #tpu.memory_space<hbm>>) target(%dma_start3A_252 : memref<640x128xf32, #tpu.memory_space<vmem_shared>>) target_semaphore(%run_scoped3A : memref<!tpu.dma_semaphore, #tpu.memory_space<semaphore_mem>>)
        %dma_wait3A = arith.constant 0 : i32
        %dma_wait3A_253 = tpu.memref_slice %arg13[%mul3A_250, %dma_wait3A] : memref<10240x128xf32, #tpu.memory_space<vmem_shared>> -> memref<640x128xf32, #tpu.memory_space<vmem_shared>>
        tpu.wait_dma2 semaphore(%run_scoped3A : memref<!tpu.dma_semaphore, #tpu.memory_space<semaphore_mem>>) src(%arg4 : memref<640x128xf32, #tpu.memory_space<hbm>>) dst(%dma_wait3A_253 : memref<640x128xf32, #tpu.memory_space<vmem_shared>>)
        tpu.yield
      }) : () -> ()
    } else {
    }
    %barrier3A = arith.constant 0 : index
    tpu.barrier barrier_id(%barrier3A)
    %scan3A = arith.constant 0 : i32
    %scan3A_239 = arith.constant 0 : i32
    %scan3A_240 = arith.constant 64 : i32
    %scan3A_241 = arith.addi %scan3A_239, %scan3A_240 : i32
    %scan3A_242 = arith.constant 1 : i32
    scf.for %scan3A_249 = %scan3A_239 to %scan3A_241 step %scan3A_242  : i32 {
      %mul3A_250 = arith.constant 2 : i32
      %mul3A_251 = arith.muli %mul3A_250, %scan3A_249 : i32
      %dma_wait3A = arith.constant 0 : i32
      %dma_wait3A_252 = arith.constant 0 : i32
      %dma_wait3A_253 = tpu.memref_slice %arg2[%dma_wait3A, %dma_wait3A_252] : memref<10000x128xf32, #tpu.memory_space<hbm>> -> memref<10000x128xf32, #tpu.memory_space<hbm>>
      tpu.wait_indirect_dma semaphore(%arg14 : memref<!tpu.dma_semaphore, #tpu.memory_space<semaphore_mem>>) src(%dma_wait3A_253 : memref<10000x128xf32, #tpu.memory_space<hbm>>) dst(%arg11 : memref<80x128xf32, #tpu.memory_space<vmem>>)
      "tpu.region"() ({
        %run_scoped3A = tpu.sem_alloc : memref<!tpu.dma_semaphore, #tpu.memory_space<semaphore_mem>>
        %dma_start3A_267 = arith.constant 0 : i32
        %dma_start3A_268 = arith.constant 0 : i32
        %dma_start3A_269 = tpu.memref_slice %arg13[%dma_start3A_267, %dma_start3A_268] : memref<10240x128xf32, #tpu.memory_space<vmem_shared>> -> memref<10240x128xf32, #tpu.memory_space<vmem_shared>>
        tpu.enqueue_indirect_dma source(%arg11 : memref<80x128xf32, #tpu.memory_space<vmem>>) target(%dma_start3A_269 : memref<10240x128xf32, #tpu.memory_space<vmem_shared>>) offsets(%arg8 : memref<80xi32, #tpu.memory_space<vmem>>) semaphore(%run_scoped3A : memref<!tpu.dma_semaphore, #tpu.memory_space<semaphore_mem>>) {add = true}
        %dma_wait3A_270 = arith.constant 0 : i32
        %dma_wait3A_271 = arith.constant 0 : i32
        %dma_wait3A_272 = tpu.memref_slice %arg13[%dma_wait3A_270, %dma_wait3A_271] : memref<10240x128xf32, #tpu.memory_space<vmem_shared>> -> memref<10240x128xf32, #tpu.memory_space<vmem_shared>>
        tpu.wait_indirect_dma semaphore(%run_scoped3A : memref<!tpu.dma_semaphore, #tpu.memory_space<semaphore_mem>>) src(%arg11 : memref<80x128xf32, #tpu.memory_space<vmem>>) dst(%dma_wait3A_272 : memref<10240x128xf32, #tpu.memory_space<vmem_shared>>)
        tpu.yield
      }) : () -> ()
      %lt3A_254 = arith.constant 63 : i32
      %lt3A_255 = arith.cmpi slt, %scan3A_249, %lt3A_254 : i32
      %convert_element_type3A_256 = arith.extui %lt3A_255 : i1 to i32
      %cond3A_257 = arith.constant 0 : i32
      %cond3A_258 = arith.cmpi ne, %convert_element_type3A_256, %cond3A_257 : i32
      scf.if %cond3A_258 {
        %add3A_267 = arith.constant 2 : i32
        %add3A_268 = arith.addi %mul3A_251, %add3A_267 : i32
        %get3A_269 = arith.index_cast %add3A_268 : i32 to index
        %get3A_270 = arith.constant 0 : index
        %get3A_271 = tpu.vector_load %arg6[%get3A_269, %get3A_270] {strides = array<i32>} : memref<128x80xi32, #tpu.memory_space<vmem>>, vector<1x16xi32>,
        %get3A_272 = vector.shape_cast %get3A_271 : vector<1x16xi32> to vector<16xi32>
        %and3A_273 = arith.constant 65535 : i32
        %and3A_274 = vector.broadcast %and3A_273 : i32 to vector<16xi32>
        %and3A_275 = arith.andi %get3A_272, %and3A_274 : vector<16xi32>
        %add3A_276 = arith.constant 0 : i32
        %add3A_277 = vector.broadcast %add3A_276 : i32 to vector<16xi32>
        %add3A_278 = arith.addi %and3A_275, %add3A_277 : vector<16xi32>
        %swap3A_279 = arith.constant 0 : index
        %swap3A_280 = tpu.vector_load %arg7[%swap3A_279] {strides = array<i32>} : memref<80xi32, #tpu.memory_space<vmem>>, vector<16xi32>,
        %swap3A_281 = vector.shape_cast %swap3A_280 : vector<16xi32> to vector<16xi32>
        %swap3A_282 = vector.shape_cast %add3A_278 : vector<16xi32> to vector<16xi32>
        tpu.vector_store %arg7[%swap3A_279], %swap3A_282 {strides = array<i32>} : memref<80xi32, #tpu.memory_space<vmem>>, vector<16xi32>,
        %shift_right_arithmetic3A_283 = arith.constant 16 : i32
        %shift_right_arithmetic3A_284 = vector.broadcast %shift_right_arithmetic3A_283 : i32 to vector<16xi32>
        %shift_right_arithmetic3A_285 = arith.shrsi %get3A_272, %shift_right_arithmetic3A_284 : vector<16xi32>
        %swap3A_286 = arith.constant 0 : index
        %swap3A_287 = tpu.vector_load %arg8[%swap3A_286] {strides = array<i32>} : memref<80xi32, #tpu.memory_space<vmem>>, vector<16xi32>,
        %swap3A_288 = vector.shape_cast %swap3A_287 : vector<16xi32> to vector<16xi32>
        %swap3A_289 = vector.shape_cast %shift_right_arithmetic3A_285 : vector<16xi32> to vector<16xi32>
        tpu.vector_store %arg8[%swap3A_286], %swap3A_289 {strides = array<i32>} : memref<80xi32, #tpu.memory_space<vmem>>, vector<16xi32>,
        %get3A_290 = arith.index_cast %add3A_268 : i32 to index
        %get3A_291 = arith.constant 16 : index
        %get3A_292 = tpu.vector_load %arg6[%get3A_290, %get3A_291] {strides = array<i32>} : memref<128x80xi32, #tpu.memory_space<vmem>>, vector<1x16xi32>,
        %get3A_293 = vector.shape_cast %get3A_292 : vector<1x16xi32> to vector<16xi32>
        %and3A_294 = arith.constant 65535 : i32
        %and3A_295 = vector.broadcast %and3A_294 : i32 to vector<16xi32>
        %and3A_296 = arith.andi %get3A_293, %and3A_295 : vector<16xi32>
        %add3A_297 = arith.constant 0 : i32
        %add3A_298 = vector.broadcast %add3A_297 : i32 to vector<16xi32>
        %add3A_299 = arith.addi %and3A_296, %add3A_298 : vector<16xi32>
        %swap3A_300 = arith.constant 16 : index
        %swap3A_301 = tpu.vector_load %arg7[%swap3A_300] {strides = array<i32>} : memref<80xi32, #tpu.memory_space<vmem>>, vector<16xi32>,
        %swap3A_302 = vector.shape_cast %swap3A_301 : vector<16xi32> to vector<16xi32>
        %swap3A_303 = vector.shape_cast %add3A_299 : vector<16xi32> to vector<16xi32>
        tpu.vector_store %arg7[%swap3A_300], %swap3A_303 {strides = array<i32>} : memref<80xi32, #tpu.memory_space<vmem>>, vector<16xi32>,
        %shift_right_arithmetic3A_304 = arith.constant 16 : i32
        %shift_right_arithmetic3A_305 = vector.broadcast %shift_right_arithmetic3A_304 : i32 to vector<16xi32>
        %shift_right_arithmetic3A_306 = arith.shrsi %get3A_293, %shift_right_arithmetic3A_305 : vector<16xi32>
        %swap3A_307 = arith.constant 16 : index
        %swap3A_308 = tpu.vector_load %arg8[%swap3A_307] {strides = array<i32>} : memref<80xi32, #tpu.memory_space<vmem>>, vector<16xi32>,
        %swap3A_309 = vector.shape_cast %swap3A_308 : vector<16xi32> to vector<16xi32>
        %swap3A_310 = vector.shape_cast %shift_right_arithmetic3A_306 : vector<16xi32> to vector<16xi32>
        tpu.vector_store %arg8[%swap3A_307], %swap3A_310 {strides = array<i32>} : memref<80xi32, #tpu.memory_space<vmem>>, vector<16xi32>,
        %get3A_311 = arith.index_cast %add3A_268 : i32 to index
        %get3A_312 = arith.constant 32 : index
        %get3A_313 = tpu.vector_load %arg6[%get3A_311, %get3A_312] {strides = array<i32>} : memref<128x80xi32, #tpu.memory_space<vmem>>, vector<1x16xi32>,
        %get3A_314 = vector.shape_cast %get3A_313 : vector<1x16xi32> to vector<16xi32>
        %and3A_315 = arith.constant 65535 : i32
        %and3A_316 = vector.broadcast %and3A_315 : i32 to vector<16xi32>
        %and3A_317 = arith.andi %get3A_314, %and3A_316 : vector<16xi32>
        %add3A_318 = arith.constant 0 : i32
        %add3A_319 = vector.broadcast %add3A_318 : i32 to vector<16xi32>
        %add3A_320 = arith.addi %and3A_317, %add3A_319 : vector<16xi32>
        %swap3A_321 = arith.constant 32 : index
        %swap3A_322 = tpu.vector_load %arg7[%swap3A_321] {strides = array<i32>} : memref<80xi32, #tpu.memory_space<vmem>>, vector<16xi32>,
        %swap3A_323 = vector.shape_cast %swap3A_322 : vector<16xi32> to vector<16xi32>
        %swap3A_324 = vector.shape_cast %add3A_320 : vector<16xi32> to vector<16xi32>
        tpu.vector_store %arg7[%swap3A_321], %swap3A_324 {strides = array<i32>} : memref<80xi32, #tpu.memory_space<vmem>>, vector<16xi32>,
        %shift_right_arithmetic3A_325 = arith.constant 16 : i32
        %shift_right_arithmetic3A_326 = vector.broadcast %shift_right_arithmetic3A_325 : i32 to vector<16xi32>
        %shift_right_arithmetic3A_327 = arith.shrsi %get3A_314, %shift_right_arithmetic3A_326 : vector<16xi32>
        %swap3A_328 = arith.constant 32 : index
        %swap3A_329 = tpu.vector_load %arg8[%swap3A_328] {strides = array<i32>} : memref<80xi32, #tpu.memory_space<vmem>>, vector<16xi32>,
        %swap3A_330 = vector.shape_cast %swap3A_329 : vector<16xi32> to vector<16xi32>
        %swap3A_331 = vector.shape_cast %shift_right_arithmetic3A_327 : vector<16xi32> to vector<16xi32>
        tpu.vector_store %arg8[%swap3A_328], %swap3A_331 {strides = array<i32>} : memref<80xi32, #tpu.memory_space<vmem>>, vector<16xi32>,
        %get3A_332 = arith.index_cast %add3A_268 : i32 to index
        %get3A_333 = arith.constant 48 : index
        %get3A_334 = tpu.vector_load %arg6[%get3A_332, %get3A_333] {strides = array<i32>} : memref<128x80xi32, #tpu.memory_space<vmem>>, vector<1x16xi32>,
        %get3A_335 = vector.shape_cast %get3A_334 : vector<1x16xi32> to vector<16xi32>
        %and3A_336 = arith.constant 65535 : i32
        %and3A_337 = vector.broadcast %and3A_336 : i32 to vector<16xi32>
        %and3A_338 = arith.andi %get3A_335, %and3A_337 : vector<16xi32>
        %add3A_339 = arith.constant 0 : i32
        %add3A_340 = vector.broadcast %add3A_339 : i32 to vector<16xi32>
        %add3A_341 = arith.addi %and3A_338, %add3A_340 : vector<16xi32>
        %swap3A_342 = arith.constant 48 : index
        %swap3A_343 = tpu.vector_load %arg7[%swap3A_342] {strides = array<i32>} : memref<80xi32, #tpu.memory_space<vmem>>, vector<16xi32>,
        %swap3A_344 = vector.shape_cast %swap3A_343 : vector<16xi32> to vector<16xi32>
        %swap3A_345 = vector.shape_cast %add3A_341 : vector<16xi32> to vector<16xi32>
        tpu.vector_store %arg7[%swap3A_342], %swap3A_345 {strides = array<i32>} : memref<80xi32, #tpu.memory_space<vmem>>, vector<16xi32>,
        %shift_right_arithmetic3A_346 = arith.constant 16 : i32
        %shift_right_arithmetic3A_347 = vector.broadcast %shift_right_arithmetic3A_346 : i32 to vector<16xi32>
        %shift_right_arithmetic3A_348 = arith.shrsi %get3A_335, %shift_right_arithmetic3A_347 : vector<16xi32>
        %swap3A_349 = arith.constant 48 : index
        %swap3A_350 = tpu.vector_load %arg8[%swap3A_349] {strides = array<i32>} : memref<80xi32, #tpu.memory_space<vmem>>, vector<16xi32>,
        %swap3A_351 = vector.shape_cast %swap3A_350 : vector<16xi32> to vector<16xi32>
        %swap3A_352 = vector.shape_cast %shift_right_arithmetic3A_348 : vector<16xi32> to vector<16xi32>
        tpu.vector_store %arg8[%swap3A_349], %swap3A_352 {strides = array<i32>} : memref<80xi32, #tpu.memory_space<vmem>>, vector<16xi32>,
        %get3A_353 = arith.index_cast %add3A_268 : i32 to index
        %get3A_354 = arith.constant 64 : index
        %get3A_355 = tpu.vector_load %arg6[%get3A_353, %get3A_354] {strides = array<i32>} : memref<128x80xi32, #tpu.memory_space<vmem>>, vector<1x16xi32>,
        %get3A_356 = vector.shape_cast %get3A_355 : vector<1x16xi32> to vector<16xi32>
        %and3A_357 = arith.constant 65535 : i32
        %and3A_358 = vector.broadcast %and3A_357 : i32 to vector<16xi32>
        %and3A_359 = arith.andi %get3A_356, %and3A_358 : vector<16xi32>
        %add3A_360 = arith.constant 0 : i32
        %add3A_361 = vector.broadcast %add3A_360 : i32 to vector<16xi32>
        %add3A_362 = arith.addi %and3A_359, %add3A_361 : vector<16xi32>
        %swap3A_363 = arith.constant 64 : index
        %swap3A_364 = tpu.vector_load %arg7[%swap3A_363] {strides = array<i32>} : memref<80xi32, #tpu.memory_space<vmem>>, vector<16xi32>,
        %swap3A_365 = vector.shape_cast %swap3A_364 : vector<16xi32> to vector<16xi32>
        %swap3A_366 = vector.shape_cast %add3A_362 : vector<16xi32> to vector<16xi32>
        tpu.vector_store %arg7[%swap3A_363], %swap3A_366 {strides = array<i32>} : memref<80xi32, #tpu.memory_space<vmem>>, vector<16xi32>,
        %shift_right_arithmetic3A_367 = arith.constant 16 : i32
        %shift_right_arithmetic3A_368 = vector.broadcast %shift_right_arithmetic3A_367 : i32 to vector<16xi32>
        %shift_right_arithmetic3A_369 = arith.shrsi %get3A_356, %shift_right_arithmetic3A_368 : vector<16xi32>
        %swap3A_370 = arith.constant 64 : index
        %swap3A_371 = tpu.vector_load %arg8[%swap3A_370] {strides = array<i32>} : memref<80xi32, #tpu.memory_space<vmem>>, vector<16xi32>,
        %swap3A_372 = vector.shape_cast %swap3A_371 : vector<16xi32> to vector<16xi32>
        %swap3A_373 = vector.shape_cast %shift_right_arithmetic3A_369 : vector<16xi32> to vector<16xi32>
        tpu.vector_store %arg8[%swap3A_370], %swap3A_373 {strides = array<i32>} : memref<80xi32, #tpu.memory_space<vmem>>, vector<16xi32>,
        %dma_start3A_374 = arith.constant 0 : i32
        %dma_start3A_375 = arith.constant 0 : i32
        %dma_start3A_376 = tpu.memref_slice %arg2[%dma_start3A_374, %dma_start3A_375] : memref<10000x128xf32, #tpu.memory_space<hbm>> -> memref<10000x128xf32, #tpu.memory_space<hbm>>
        tpu.enqueue_indirect_dma source(%dma_start3A_376 : memref<10000x128xf32, #tpu.memory_space<hbm>>) target(%arg11 : memref<80x128xf32, #tpu.memory_space<vmem>>) offsets(%arg7 : memref<80xi32, #tpu.memory_space<vmem>>) semaphore(%arg14 : memref<!tpu.dma_semaphore, #tpu.memory_space<semaphore_mem>>)
      } else {
      }
      %dma_wait3A_259 = arith.constant 0 : i32
      %dma_wait3A_260 = arith.constant 0 : i32
      %dma_wait3A_261 = tpu.memref_slice %arg2[%dma_wait3A_259, %dma_wait3A_260] : memref<10000x128xf32, #tpu.memory_space<hbm>> -> memref<10000x128xf32, #tpu.memory_space<hbm>>
      tpu.wait_indirect_dma semaphore(%arg15 : memref<!tpu.dma_semaphore, #tpu.memory_space<semaphore_mem>>) src(%dma_wait3A_261 : memref<10000x128xf32, #tpu.memory_space<hbm>>) dst(%arg12 : memref<80x128xf32, #tpu.memory_space<vmem>>)
      "tpu.region"() ({
        %run_scoped3A = tpu.sem_alloc : memref<!tpu.dma_semaphore, #tpu.memory_space<semaphore_mem>>
        %dma_start3A_267 = arith.constant 0 : i32
        %dma_start3A_268 = arith.constant 0 : i32
        %dma_start3A_269 = tpu.memref_slice %arg13[%dma_start3A_267, %dma_start3A_268] : memref<10240x128xf32, #tpu.memory_space<vmem_shared>> -> memref<10240x128xf32, #tpu.memory_space<vmem_shared>>
        tpu.enqueue_indirect_dma source(%arg12 : memref<80x128xf32, #tpu.memory_space<vmem>>) target(%dma_start3A_269 : memref<10240x128xf32, #tpu.memory_space<vmem_shared>>) offsets(%arg10 : memref<80xi32, #tpu.memory_space<vmem>>) semaphore(%run_scoped3A : memref<!tpu.dma_semaphore, #tpu.memory_space<semaphore_mem>>) {add = true}
        %dma_wait3A_270 = arith.constant 0 : i32
        %dma_wait3A_271 = arith.constant 0 : i32
        %dma_wait3A_272 = tpu.memref_slice %arg13[%dma_wait3A_270, %dma_wait3A_271] : memref<10240x128xf32, #tpu.memory_space<vmem_shared>> -> memref<10240x128xf32, #tpu.memory_space<vmem_shared>>
        tpu.wait_indirect_dma semaphore(%run_scoped3A : memref<!tpu.dma_semaphore, #tpu.memory_space<semaphore_mem>>) src(%arg12 : memref<80x128xf32, #tpu.memory_space<vmem>>) dst(%dma_wait3A_272 : memref<10240x128xf32, #tpu.memory_space<vmem_shared>>)
        tpu.yield
      }) : () -> ()
      %lt3A_262 = arith.constant 63 : i32
      %lt3A_263 = arith.cmpi slt, %scan3A_249, %lt3A_262 : i32
      %convert_element_type3A_264 = arith.extui %lt3A_263 : i1 to i32
      %cond3A_265 = arith.constant 0 : i32
      %cond3A_266 = arith.cmpi ne, %convert_element_type3A_264, %cond3A_265 : i32
      scf.if %cond3A_266 {
        %add3A_267 = arith.constant 3 : i32
        %add3A_268 = arith.addi %mul3A_251, %add3A_267 : i32
        %get3A_269 = arith.index_cast %add3A_268 : i32 to index
        %get3A_270 = arith.constant 0 : index
        %get3A_271 = tpu.vector_load %arg6[%get3A_269, %get3A_270] {strides = array<i32>} : memref<128x80xi32, #tpu.memory_space<vmem>>, vector<1x16xi32>,
        %get3A_272 = vector.shape_cast %get3A_271 : vector<1x16xi32> to vector<16xi32>
        %and3A_273 = arith.constant 65535 : i32
        %and3A_274 = vector.broadcast %and3A_273 : i32 to vector<16xi32>
        %and3A_275 = arith.andi %get3A_272, %and3A_274 : vector<16xi32>
        %add3A_276 = arith.constant 0 : i32
        %add3A_277 = vector.broadcast %add3A_276 : i32 to vector<16xi32>
        %add3A_278 = arith.addi %and3A_275, %add3A_277 : vector<16xi32>
        %swap3A_279 = arith.constant 0 : index
        %swap3A_280 = tpu.vector_load %arg9[%swap3A_279] {strides = array<i32>} : memref<80xi32, #tpu.memory_space<vmem>>, vector<16xi32>,
        %swap3A_281 = vector.shape_cast %swap3A_280 : vector<16xi32> to vector<16xi32>
        %swap3A_282 = vector.shape_cast %add3A_278 : vector<16xi32> to vector<16xi32>
        tpu.vector_store %arg9[%swap3A_279], %swap3A_282 {strides = array<i32>} : memref<80xi32, #tpu.memory_space<vmem>>, vector<16xi32>,
        %shift_right_arithmetic3A_283 = arith.constant 16 : i32
        %shift_right_arithmetic3A_284 = vector.broadcast %shift_right_arithmetic3A_283 : i32 to vector<16xi32>
        %shift_right_arithmetic3A_285 = arith.shrsi %get3A_272, %shift_right_arithmetic3A_284 : vector<16xi32>
        %swap3A_286 = arith.constant 0 : index
        %swap3A_287 = tpu.vector_load %arg10[%swap3A_286] {strides = array<i32>} : memref<80xi32, #tpu.memory_space<vmem>>, vector<16xi32>,
        %swap3A_288 = vector.shape_cast %swap3A_287 : vector<16xi32> to vector<16xi32>
        %swap3A_289 = vector.shape_cast %shift_right_arithmetic3A_285 : vector<16xi32> to vector<16xi32>
        tpu.vector_store %arg10[%swap3A_286], %swap3A_289 {strides = array<i32>} : memref<80xi32, #tpu.memory_space<vmem>>, vector<16xi32>,
        %get3A_290 = arith.index_cast %add3A_268 : i32 to index
        %get3A_291 = arith.constant 16 : index
        %get3A_292 = tpu.vector_load %arg6[%get3A_290, %get3A_291] {strides = array<i32>} : memref<128x80xi32, #tpu.memory_space<vmem>>, vector<1x16xi32>,
        %get3A_293 = vector.shape_cast %get3A_292 : vector<1x16xi32> to vector<16xi32>
        %and3A_294 = arith.constant 65535 : i32
        %and3A_295 = vector.broadcast %and3A_294 : i32 to vector<16xi32>
        %and3A_296 = arith.andi %get3A_293, %and3A_295 : vector<16xi32>
        %add3A_297 = arith.constant 0 : i32
        %add3A_298 = vector.broadcast %add3A_297 : i32 to vector<16xi32>
        %add3A_299 = arith.addi %and3A_296, %add3A_298 : vector<16xi32>
        %swap3A_300 = arith.constant 16 : index
        %swap3A_301 = tpu.vector_load %arg9[%swap3A_300] {strides = array<i32>} : memref<80xi32, #tpu.memory_space<vmem>>, vector<16xi32>,
        %swap3A_302 = vector.shape_cast %swap3A_301 : vector<16xi32> to vector<16xi32>
        %swap3A_303 = vector.shape_cast %add3A_299 : vector<16xi32> to vector<16xi32>
        tpu.vector_store %arg9[%swap3A_300], %swap3A_303 {strides = array<i32>} : memref<80xi32, #tpu.memory_space<vmem>>, vector<16xi32>,
        %shift_right_arithmetic3A_304 = arith.constant 16 : i32
        %shift_right_arithmetic3A_305 = vector.broadcast %shift_right_arithmetic3A_304 : i32 to vector<16xi32>
        %shift_right_arithmetic3A_306 = arith.shrsi %get3A_293, %shift_right_arithmetic3A_305 : vector<16xi32>
        %swap3A_307 = arith.constant 16 : index
        %swap3A_308 = tpu.vector_load %arg10[%swap3A_307] {strides = array<i32>} : memref<80xi32, #tpu.memory_space<vmem>>, vector<16xi32>,
        %swap3A_309 = vector.shape_cast %swap3A_308 : vector<16xi32> to vector<16xi32>
        %swap3A_310 = vector.shape_cast %shift_right_arithmetic3A_306 : vector<16xi32> to vector<16xi32>
        tpu.vector_store %arg10[%swap3A_307], %swap3A_310 {strides = array<i32>} : memref<80xi32, #tpu.memory_space<vmem>>, vector<16xi32>,
        %get3A_311 = arith.index_cast %add3A_268 : i32 to index
        %get3A_312 = arith.constant 32 : index
        %get3A_313 = tpu.vector_load %arg6[%get3A_311, %get3A_312] {strides = array<i32>} : memref<128x80xi32, #tpu.memory_space<vmem>>, vector<1x16xi32>,
        %get3A_314 = vector.shape_cast %get3A_313 : vector<1x16xi32> to vector<16xi32>
        %and3A_315 = arith.constant 65535 : i32
        %and3A_316 = vector.broadcast %and3A_315 : i32 to vector<16xi32>
        %and3A_317 = arith.andi %get3A_314, %and3A_316 : vector<16xi32>
        %add3A_318 = arith.constant 0 : i32
        %add3A_319 = vector.broadcast %add3A_318 : i32 to vector<16xi32>
        %add3A_320 = arith.addi %and3A_317, %add3A_319 : vector<16xi32>
        %swap3A_321 = arith.constant 32 : index
        %swap3A_322 = tpu.vector_load %arg9[%swap3A_321] {strides = array<i32>} : memref<80xi32, #tpu.memory_space<vmem>>, vector<16xi32>,
        %swap3A_323 = vector.shape_cast %swap3A_322 : vector<16xi32> to vector<16xi32>
        %swap3A_324 = vector.shape_cast %add3A_320 : vector<16xi32> to vector<16xi32>
        tpu.vector_store %arg9[%swap3A_321], %swap3A_324 {strides = array<i32>} : memref<80xi32, #tpu.memory_space<vmem>>, vector<16xi32>,
        %shift_right_arithmetic3A_325 = arith.constant 16 : i32
        %shift_right_arithmetic3A_326 = vector.broadcast %shift_right_arithmetic3A_325 : i32 to vector<16xi32>
        %shift_right_arithmetic3A_327 = arith.shrsi %get3A_314, %shift_right_arithmetic3A_326 : vector<16xi32>
        %swap3A_328 = arith.constant 32 : index
        %swap3A_329 = tpu.vector_load %arg10[%swap3A_328] {strides = array<i32>} : memref<80xi32, #tpu.memory_space<vmem>>, vector<16xi32>,
        %swap3A_330 = vector.shape_cast %swap3A_329 : vector<16xi32> to vector<16xi32>
        %swap3A_331 = vector.shape_cast %shift_right_arithmetic3A_327 : vector<16xi32> to vector<16xi32>
        tpu.vector_store %arg10[%swap3A_328], %swap3A_331 {strides = array<i32>} : memref<80xi32, #tpu.memory_space<vmem>>, vector<16xi32>,
        %get3A_332 = arith.index_cast %add3A_268 : i32 to index
        %get3A_333 = arith.constant 48 : index
        %get3A_334 = tpu.vector_load %arg6[%get3A_332, %get3A_333] {strides = array<i32>} : memref<128x80xi32, #tpu.memory_space<vmem>>, vector<1x16xi32>,
        %get3A_335 = vector.shape_cast %get3A_334 : vector<1x16xi32> to vector<16xi32>
        %and3A_336 = arith.constant 65535 : i32
        %and3A_337 = vector.broadcast %and3A_336 : i32 to vector<16xi32>
        %and3A_338 = arith.andi %get3A_335, %and3A_337 : vector<16xi32>
        %add3A_339 = arith.constant 0 : i32
        %add3A_340 = vector.broadcast %add3A_339 : i32 to vector<16xi32>
        %add3A_341 = arith.addi %and3A_338, %add3A_340 : vector<16xi32>
        %swap3A_342 = arith.constant 48 : index
        %swap3A_343 = tpu.vector_load %arg9[%swap3A_342] {strides = array<i32>} : memref<80xi32, #tpu.memory_space<vmem>>, vector<16xi32>,
        %swap3A_344 = vector.shape_cast %swap3A_343 : vector<16xi32> to vector<16xi32>
        %swap3A_345 = vector.shape_cast %add3A_341 : vector<16xi32> to vector<16xi32>
        tpu.vector_store %arg9[%swap3A_342], %swap3A_345 {strides = array<i32>} : memref<80xi32, #tpu.memory_space<vmem>>, vector<16xi32>,
        %shift_right_arithmetic3A_346 = arith.constant 16 : i32
        %shift_right_arithmetic3A_347 = vector.broadcast %shift_right_arithmetic3A_346 : i32 to vector<16xi32>
        %shift_right_arithmetic3A_348 = arith.shrsi %get3A_335, %shift_right_arithmetic3A_347 : vector<16xi32>
        %swap3A_349 = arith.constant 48 : index
        %swap3A_350 = tpu.vector_load %arg10[%swap3A_349] {strides = array<i32>} : memref<80xi32, #tpu.memory_space<vmem>>, vector<16xi32>,
        %swap3A_351 = vector.shape_cast %swap3A_350 : vector<16xi32> to vector<16xi32>
        %swap3A_352 = vector.shape_cast %shift_right_arithmetic3A_348 : vector<16xi32> to vector<16xi32>
        tpu.vector_store %arg10[%swap3A_349], %swap3A_352 {strides = array<i32>} : memref<80xi32, #tpu.memory_space<vmem>>, vector<16xi32>,
        %get3A_353 = arith.index_cast %add3A_268 : i32 to index
        %get3A_354 = arith.constant 64 : index
        %get3A_355 = tpu.vector_load %arg6[%get3A_353, %get3A_354] {strides = array<i32>} : memref<128x80xi32, #tpu.memory_space<vmem>>, vector<1x16xi32>,
        %get3A_356 = vector.shape_cast %get3A_355 : vector<1x16xi32> to vector<16xi32>
        %and3A_357 = arith.constant 65535 : i32
        %and3A_358 = vector.broadcast %and3A_357 : i32 to vector<16xi32>
        %and3A_359 = arith.andi %get3A_356, %and3A_358 : vector<16xi32>
        %add3A_360 = arith.constant 0 : i32
        %add3A_361 = vector.broadcast %add3A_360 : i32 to vector<16xi32>
        %add3A_362 = arith.addi %and3A_359, %add3A_361 : vector<16xi32>
        %swap3A_363 = arith.constant 64 : index
        %swap3A_364 = tpu.vector_load %arg9[%swap3A_363] {strides = array<i32>} : memref<80xi32, #tpu.memory_space<vmem>>, vector<16xi32>,
        %swap3A_365 = vector.shape_cast %swap3A_364 : vector<16xi32> to vector<16xi32>
        %swap3A_366 = vector.shape_cast %add3A_362 : vector<16xi32> to vector<16xi32>
        tpu.vector_store %arg9[%swap3A_363], %swap3A_366 {strides = array<i32>} : memref<80xi32, #tpu.memory_space<vmem>>, vector<16xi32>,
        %shift_right_arithmetic3A_367 = arith.constant 16 : i32
        %shift_right_arithmetic3A_368 = vector.broadcast %shift_right_arithmetic3A_367 : i32 to vector<16xi32>
        %shift_right_arithmetic3A_369 = arith.shrsi %get3A_356, %shift_right_arithmetic3A_368 : vector<16xi32>
        %swap3A_370 = arith.constant 64 : index
        %swap3A_371 = tpu.vector_load %arg10[%swap3A_370] {strides = array<i32>} : memref<80xi32, #tpu.memory_space<vmem>>, vector<16xi32>,
        %swap3A_372 = vector.shape_cast %swap3A_371 : vector<16xi32> to vector<16xi32>
        %swap3A_373 = vector.shape_cast %shift_right_arithmetic3A_369 : vector<16xi32> to vector<16xi32>
        tpu.vector_store %arg10[%swap3A_370], %swap3A_373 {strides = array<i32>} : memref<80xi32, #tpu.memory_space<vmem>>, vector<16xi32>,
        %dma_start3A_374 = arith.constant 0 : i32
        %dma_start3A_375 = arith.constant 0 : i32
        %dma_start3A_376 = tpu.memref_slice %arg2[%dma_start3A_374, %dma_start3A_375] : memref<10000x128xf32, #tpu.memory_space<hbm>> -> memref<10000x128xf32, #tpu.memory_space<hbm>>
        tpu.enqueue_indirect_dma source(%dma_start3A_376 : memref<10000x128xf32, #tpu.memory_space<hbm>>) target(%arg12 : memref<80x128xf32, #tpu.memory_space<vmem>>) offsets(%arg9 : memref<80xi32, #tpu.memory_space<vmem>>) semaphore(%arg15 : memref<!tpu.dma_semaphore, #tpu.memory_space<semaphore_mem>>)
      } else {
      }
    }
    %scan3A_243 = arith.constant 64 : i32
    %barrier3A_244 = arith.constant 0 : index
    tpu.barrier barrier_id(%barrier3A_244)
    %mul3A_245 = arith.constant 640 : i32
    %mul3A_246 = arith.muli %arg1, %mul3A_245 : i32
    %mul3A_247 = arith.constant 640 : i32
    %mul3A_248 = arith.muli %arg1, %mul3A_247 : i32
    "tpu.region"() ({
      %run_scoped3A = tpu.sem_alloc : memref<!tpu.dma_semaphore, #tpu.memory_space<semaphore_mem>>
      %dma_start3A_249 = arith.constant 0 : i32
      %dma_start3A_250 = tpu.memref_slice %arg5[%arg0, %mul3A_248, %dma_start3A_249] : memref<2x10240x128xf32, #tpu.memory_space<hbm>> -> memref<1x640x128xf32, #tpu.memory_space<hbm>>
      %dma_start3A_251 = tpu.memref_squeeze %dma_start3A_250 : memref<1x640x128xf32, #tpu.memory_space<hbm>> -> memref<640x128xf32, #tpu.memory_space<hbm>>
      %dma_start3A_252 = arith.constant 0 : i32
      %dma_start3A_253 = tpu.memref_slice %arg13[%mul3A_246, %dma_start3A_252] : memref<10240x128xf32, #tpu.memory_space<vmem_shared>> -> memref<640x128xf32, #tpu.memory_space<vmem_shared>>
      tpu.enqueue_dma source(%dma_start3A_253 : memref<640x128xf32, #tpu.memory_space<vmem_shared>>) target(%dma_start3A_251 : memref<640x128xf32, #tpu.memory_space<hbm>>) target_semaphore(%run_scoped3A : memref<!tpu.dma_semaphore, #tpu.memory_space<semaphore_mem>>)
      %dma_wait3A = arith.constant 0 : i32
      %dma_wait3A_254 = tpu.memref_slice %arg5[%arg0, %mul3A_248, %dma_wait3A] : memref<2x10240x128xf32, #tpu.memory_space<hbm>> -> memref<1x640x128xf32, #tpu.memory_space<hbm>>
      %dma_wait3A_255 = tpu.memref_squeeze %dma_wait3A_254 : memref<1x640x128xf32, #tpu.memory_space<hbm>> -> memref<640x128xf32, #tpu.memory_space<hbm>>
      %dma_wait3A_256 = arith.constant 0 : i32
      %dma_wait3A_257 = tpu.memref_slice %arg13[%mul3A_246, %dma_wait3A_256] : memref<10240x128xf32, #tpu.memory_space<vmem_shared>> -> memref<640x128xf32, #tpu.memory_space<vmem_shared>>
      tpu.wait_dma2 semaphore(%run_scoped3A : memref<!tpu.dma_semaphore, #tpu.memory_space<semaphore_mem>>) src(%dma_wait3A_257 : memref<640x128xf32, #tpu.memory_space<vmem_shared>>) dst(%dma_wait3A_255 : memref<640x128xf32, #tpu.memory_space<hbm>>)
      tpu.yield
    }) : () -> ()
    return
  }
}

#map = affine_map<(d0, d1) -> (0, 0, 0)>
#map1 = affine_map<(d0, d1) -> (0)>
#map2 = affine_map<(d0, d1) -> (0, 0)>
module attributes {stable_mosaic.version = 14 : i64} {
  func.func @deg_kernel(%arg0: i32, %arg1: i32, %arg2: memref<32x80x128xi32, #tpu.memory_space<hbm>>, %arg3: memref<640xf32, #tpu.memory_space<hbm>>, %arg4: memref<2x10240xf32, #tpu.memory_space<hbm>>, %arg5: memref<80x128xi32, #tpu.memory_space<vmem>>, %arg6: memref<128xi32, #tpu.memory_space<vmem>>, %arg7: memref<128xi32, #tpu.memory_space<vmem>>, %arg8: memref<128xf32, #tpu.memory_space<vmem>>, %arg9: memref<10240xf32, #tpu.memory_space<vmem_shared>>) attributes {dimension_semantics = [#tpu.dimension_semantics<core_parallel>, #tpu.dimension_semantics<subcore_parallel>], iteration_bounds = array<i64: 2, 16>, scalar_prefetch = 0 : i64, scratch_operands = 5 : i64, tpu.core_type = #tpu.core_type<sc_vector_subcore>, window_params = [{transform_indices = #map}, {transform_indices = #map1}, {transform_indices = #map2}]} {
    %mul3A = arith.constant 16 : i32
    %mul3A_0 = arith.muli %arg0, %mul3A : i32
    %add3A = arith.addi %mul3A_0, %arg1 : i32
    %mul3A_1 = arith.constant 640 : i32
    %mul3A_2 = arith.muli %arg1, %mul3A_1 : i32
    "tpu.region"() ({
      %run_scoped3A = tpu.sem_alloc : memref<!tpu.dma_semaphore, #tpu.memory_space<semaphore_mem>>
      %dma_start3A = tpu.memref_slice %arg9[%mul3A_2] : memref<10240xf32, #tpu.memory_space<vmem_shared>> -> memref<640xf32, #tpu.memory_space<vmem_shared>>
      tpu.enqueue_dma source(%arg3 : memref<640xf32, #tpu.memory_space<hbm>>) target(%dma_start3A : memref<640xf32, #tpu.memory_space<vmem_shared>>) target_semaphore(%run_scoped3A : memref<!tpu.dma_semaphore, #tpu.memory_space<semaphore_mem>>)
      %dma_wait3A = tpu.memref_slice %arg9[%mul3A_2] : memref<10240xf32, #tpu.memory_space<vmem_shared>> -> memref<640xf32, #tpu.memory_space<vmem_shared>>
      tpu.wait_dma2 semaphore(%run_scoped3A : memref<!tpu.dma_semaphore, #tpu.memory_space<semaphore_mem>>) src(%arg3 : memref<640xf32, #tpu.memory_space<hbm>>) dst(%dma_wait3A : memref<640xf32, #tpu.memory_space<vmem_shared>>)
      tpu.yield
    }) : () -> ()
    "tpu.region"() ({
      %run_scoped3A = tpu.sem_alloc : memref<!tpu.dma_semaphore, #tpu.memory_space<semaphore_mem>>
      %dma_start3A = arith.constant 0 : i32
      %dma_start3A_59 = arith.constant 0 : i32
      %dma_start3A_60 = tpu.memref_slice %arg2[%add3A, %dma_start3A, %dma_start3A_59] : memref<32x80x128xi32, #tpu.memory_space<hbm>> -> memref<1x80x128xi32, #tpu.memory_space<hbm>>
      %dma_start3A_61 = tpu.memref_squeeze %dma_start3A_60 : memref<1x80x128xi32, #tpu.memory_space<hbm>> -> memref<80x128xi32, #tpu.memory_space<hbm>>
      %dma_start3A_62 = arith.constant 0 : i32
      %dma_start3A_63 = arith.constant 0 : i32
      %dma_start3A_64 = tpu.memref_slice %arg2[%add3A, %dma_start3A_62, %dma_start3A_63] : memref<32x80x128xi32, #tpu.memory_space<hbm>> -> memref<1x80x128xi32, #tpu.memory_space<hbm>>
      %dma_start3A_65 = tpu.memref_squeeze %dma_start3A_64 : memref<1x80x128xi32, #tpu.memory_space<hbm>> -> memref<80x128xi32, #tpu.memory_space<hbm>>
      tpu.enqueue_dma source(%dma_start3A_65 : memref<80x128xi32, #tpu.memory_space<hbm>>) target(%arg5 : memref<80x128xi32, #tpu.memory_space<vmem>>) target_semaphore(%run_scoped3A : memref<!tpu.dma_semaphore, #tpu.memory_space<semaphore_mem>>)
      %dma_wait3A = arith.constant 0 : i32
      %dma_wait3A_66 = arith.constant 0 : i32
      %dma_wait3A_67 = tpu.memref_slice %arg2[%add3A, %dma_wait3A, %dma_wait3A_66] : memref<32x80x128xi32, #tpu.memory_space<hbm>> -> memref<1x80x128xi32, #tpu.memory_space<hbm>>
      %dma_wait3A_68 = tpu.memref_squeeze %dma_wait3A_67 : memref<1x80x128xi32, #tpu.memory_space<hbm>> -> memref<80x128xi32, #tpu.memory_space<hbm>>
      %dma_wait3A_69 = arith.constant 0 : i32
      %dma_wait3A_70 = arith.constant 0 : i32
      %dma_wait3A_71 = tpu.memref_slice %arg2[%add3A, %dma_wait3A_69, %dma_wait3A_70] : memref<32x80x128xi32, #tpu.memory_space<hbm>> -> memref<1x80x128xi32, #tpu.memory_space<hbm>>
      %dma_wait3A_72 = tpu.memref_squeeze %dma_wait3A_71 : memref<1x80x128xi32, #tpu.memory_space<hbm>> -> memref<80x128xi32, #tpu.memory_space<hbm>>
      tpu.wait_dma2 semaphore(%run_scoped3A : memref<!tpu.dma_semaphore, #tpu.memory_space<semaphore_mem>>) src(%dma_wait3A_72 : memref<80x128xi32, #tpu.memory_space<hbm>>) dst(%arg5 : memref<80x128xi32, #tpu.memory_space<vmem>>)
      tpu.yield
    }) : () -> ()
    %broadcast_in_dim3A = arith.constant 1.000000e+00 : f32
    %broadcast_in_dim3A_3 = vector.broadcast %broadcast_in_dim3A : f32 to vector<16xf32>
    %swap3A = arith.constant 0 : index
    %swap3A_4 = tpu.vector_load %arg8[%swap3A] {strides = array<i32>} : memref<128xf32, #tpu.memory_space<vmem>>, vector<16xf32>,
    %swap3A_5 = vector.shape_cast %swap3A_4 : vector<16xf32> to vector<16xf32>
    %swap3A_6 = vector.shape_cast %broadcast_in_dim3A_3 : vector<16xf32> to vector<16xf32>
    tpu.vector_store %arg8[%swap3A], %swap3A_6 {strides = array<i32>} : memref<128xf32, #tpu.memory_space<vmem>>, vector<16xf32>,
    %broadcast_in_dim3A_7 = arith.constant 1.000000e+00 : f32
    %broadcast_in_dim3A_8 = vector.broadcast %broadcast_in_dim3A_7 : f32 to vector<16xf32>
    %swap3A_9 = arith.constant 16 : index
    %swap3A_10 = tpu.vector_load %arg8[%swap3A_9] {strides = array<i32>} : memref<128xf32, #tpu.memory_space<vmem>>, vector<16xf32>,
    %swap3A_11 = vector.shape_cast %swap3A_10 : vector<16xf32> to vector<16xf32>
    %swap3A_12 = vector.shape_cast %broadcast_in_dim3A_8 : vector<16xf32> to vector<16xf32>
    tpu.vector_store %arg8[%swap3A_9], %swap3A_12 {strides = array<i32>} : memref<128xf32, #tpu.memory_space<vmem>>, vector<16xf32>,
    %broadcast_in_dim3A_13 = arith.constant 1.000000e+00 : f32
    %broadcast_in_dim3A_14 = vector.broadcast %broadcast_in_dim3A_13 : f32 to vector<16xf32>
    %swap3A_15 = arith.constant 32 : index
    %swap3A_16 = tpu.vector_load %arg8[%swap3A_15] {strides = array<i32>} : memref<128xf32, #tpu.memory_space<vmem>>, vector<16xf32>,
    %swap3A_17 = vector.shape_cast %swap3A_16 : vector<16xf32> to vector<16xf32>
    %swap3A_18 = vector.shape_cast %broadcast_in_dim3A_14 : vector<16xf32> to vector<16xf32>
    tpu.vector_store %arg8[%swap3A_15], %swap3A_18 {strides = array<i32>} : memref<128xf32, #tpu.memory_space<vmem>>, vector<16xf32>,
    %broadcast_in_dim3A_19 = arith.constant 1.000000e+00 : f32
    %broadcast_in_dim3A_20 = vector.broadcast %broadcast_in_dim3A_19 : f32 to vector<16xf32>
    %swap3A_21 = arith.constant 48 : index
    %swap3A_22 = tpu.vector_load %arg8[%swap3A_21] {strides = array<i32>} : memref<128xf32, #tpu.memory_space<vmem>>, vector<16xf32>,
    %swap3A_23 = vector.shape_cast %swap3A_22 : vector<16xf32> to vector<16xf32>
    %swap3A_24 = vector.shape_cast %broadcast_in_dim3A_20 : vector<16xf32> to vector<16xf32>
    tpu.vector_store %arg8[%swap3A_21], %swap3A_24 {strides = array<i32>} : memref<128xf32, #tpu.memory_space<vmem>>, vector<16xf32>,
    %broadcast_in_dim3A_25 = arith.constant 1.000000e+00 : f32
    %broadcast_in_dim3A_26 = vector.broadcast %broadcast_in_dim3A_25 : f32 to vector<16xf32>
    %swap3A_27 = arith.constant 64 : index
    %swap3A_28 = tpu.vector_load %arg8[%swap3A_27] {strides = array<i32>} : memref<128xf32, #tpu.memory_space<vmem>>, vector<16xf32>,
    %swap3A_29 = vector.shape_cast %swap3A_28 : vector<16xf32> to vector<16xf32>
    %swap3A_30 = vector.shape_cast %broadcast_in_dim3A_26 : vector<16xf32> to vector<16xf32>
    tpu.vector_store %arg8[%swap3A_27], %swap3A_30 {strides = array<i32>} : memref<128xf32, #tpu.memory_space<vmem>>, vector<16xf32>,
    %broadcast_in_dim3A_31 = arith.constant 1.000000e+00 : f32
    %broadcast_in_dim3A_32 = vector.broadcast %broadcast_in_dim3A_31 : f32 to vector<16xf32>
    %swap3A_33 = arith.constant 80 : index
    %swap3A_34 = tpu.vector_load %arg8[%swap3A_33] {strides = array<i32>} : memref<128xf32, #tpu.memory_space<vmem>>, vector<16xf32>,
    %swap3A_35 = vector.shape_cast %swap3A_34 : vector<16xf32> to vector<16xf32>
    %swap3A_36 = vector.shape_cast %broadcast_in_dim3A_32 : vector<16xf32> to vector<16xf32>
    tpu.vector_store %arg8[%swap3A_33], %swap3A_36 {strides = array<i32>} : memref<128xf32, #tpu.memory_space<vmem>>, vector<16xf32>,
    %broadcast_in_dim3A_37 = arith.constant 1.000000e+00 : f32
    %broadcast_in_dim3A_38 = vector.broadcast %broadcast_in_dim3A_37 : f32 to vector<16xf32>
    %swap3A_39 = arith.constant 96 : index
    %swap3A_40 = tpu.vector_load %arg8[%swap3A_39] {strides = array<i32>} : memref<128xf32, #tpu.memory_space<vmem>>, vector<16xf32>,
    %swap3A_41 = vector.shape_cast %swap3A_40 : vector<16xf32> to vector<16xf32>
    %swap3A_42 = vector.shape_cast %broadcast_in_dim3A_38 : vector<16xf32> to vector<16xf32>
    tpu.vector_store %arg8[%swap3A_39], %swap3A_42 {strides = array<i32>} : memref<128xf32, #tpu.memory_space<vmem>>, vector<16xf32>,
    %broadcast_in_dim3A_43 = arith.constant 1.000000e+00 : f32
    %broadcast_in_dim3A_44 = vector.broadcast %broadcast_in_dim3A_43 : f32 to vector<16xf32>
    %swap3A_45 = arith.constant 112 : index
    %swap3A_46 = tpu.vector_load %arg8[%swap3A_45] {strides = array<i32>} : memref<128xf32, #tpu.memory_space<vmem>>, vector<16xf32>,
    %swap3A_47 = vector.shape_cast %swap3A_46 : vector<16xf32> to vector<16xf32>
    %swap3A_48 = vector.shape_cast %broadcast_in_dim3A_44 : vector<16xf32> to vector<16xf32>
    tpu.vector_store %arg8[%swap3A_45], %swap3A_48 {strides = array<i32>} : memref<128xf32, #tpu.memory_space<vmem>>, vector<16xf32>,
    %barrier3A = arith.constant 0 : index
    tpu.barrier barrier_id(%barrier3A)
    %scan3A = arith.constant 0 : i32
    %scan3A_49 = arith.constant 0 : i32
    %scan3A_50 = arith.constant 80 : i32
    %scan3A_51 = arith.addi %scan3A_49, %scan3A_50 : i32
    %scan3A_52 = arith.constant 1 : i32
    scf.for %scan3A_59 = %scan3A_49 to %scan3A_51 step %scan3A_52  : i32 {
      %get3A = arith.index_cast %scan3A_59 : i32 to index
      %get3A_60 = arith.constant 0 : index
      %get3A_61 = tpu.vector_load %arg5[%get3A, %get3A_60] {strides = array<i32>} : memref<80x128xi32, #tpu.memory_space<vmem>>, vector<1x16xi32>,
      %get3A_62 = vector.shape_cast %get3A_61 : vector<1x16xi32> to vector<16xi32>
      %and3A = arith.constant 65535 : i32
      %and3A_63 = vector.broadcast %and3A : i32 to vector<16xi32>
      %and3A_64 = arith.andi %get3A_62, %and3A_63 : vector<16xi32>
      %add3A_65 = arith.constant 0 : i32
      %add3A_66 = vector.broadcast %add3A_65 : i32 to vector<16xi32>
      %add3A_67 = arith.addi %and3A_64, %add3A_66 : vector<16xi32>
      %swap3A_68 = arith.constant 0 : index
      %swap3A_69 = tpu.vector_load %arg6[%swap3A_68] {strides = array<i32>} : memref<128xi32, #tpu.memory_space<vmem>>, vector<16xi32>,
      %swap3A_70 = vector.shape_cast %swap3A_69 : vector<16xi32> to vector<16xi32>
      %swap3A_71 = vector.shape_cast %add3A_67 : vector<16xi32> to vector<16xi32>
      tpu.vector_store %arg6[%swap3A_68], %swap3A_71 {strides = array<i32>} : memref<128xi32, #tpu.memory_space<vmem>>, vector<16xi32>,
      %shift_right_arithmetic3A = arith.constant 16 : i32
      %shift_right_arithmetic3A_72 = vector.broadcast %shift_right_arithmetic3A : i32 to vector<16xi32>
      %shift_right_arithmetic3A_73 = arith.shrsi %get3A_62, %shift_right_arithmetic3A_72 : vector<16xi32>
      %swap3A_74 = arith.constant 0 : index
      %swap3A_75 = tpu.vector_load %arg7[%swap3A_74] {strides = array<i32>} : memref<128xi32, #tpu.memory_space<vmem>>, vector<16xi32>,
      %swap3A_76 = vector.shape_cast %swap3A_75 : vector<16xi32> to vector<16xi32>
      %swap3A_77 = vector.shape_cast %shift_right_arithmetic3A_73 : vector<16xi32> to vector<16xi32>
      tpu.vector_store %arg7[%swap3A_74], %swap3A_77 {strides = array<i32>} : memref<128xi32, #tpu.memory_space<vmem>>, vector<16xi32>,
      %get3A_78 = arith.index_cast %scan3A_59 : i32 to index
      %get3A_79 = arith.constant 16 : index
      %get3A_80 = tpu.vector_load %arg5[%get3A_78, %get3A_79] {strides = array<i32>} : memref<80x128xi32, #tpu.memory_space<vmem>>, vector<1x16xi32>,
      %get3A_81 = vector.shape_cast %get3A_80 : vector<1x16xi32> to vector<16xi32>
      %and3A_82 = arith.constant 65535 : i32
      %and3A_83 = vector.broadcast %and3A_82 : i32 to vector<16xi32>
      %and3A_84 = arith.andi %get3A_81, %and3A_83 : vector<16xi32>
      %add3A_85 = arith.constant 0 : i32
      %add3A_86 = vector.broadcast %add3A_85 : i32 to vector<16xi32>
      %add3A_87 = arith.addi %and3A_84, %add3A_86 : vector<16xi32>
      %swap3A_88 = arith.constant 16 : index
      %swap3A_89 = tpu.vector_load %arg6[%swap3A_88] {strides = array<i32>} : memref<128xi32, #tpu.memory_space<vmem>>, vector<16xi32>,
      %swap3A_90 = vector.shape_cast %swap3A_89 : vector<16xi32> to vector<16xi32>
      %swap3A_91 = vector.shape_cast %add3A_87 : vector<16xi32> to vector<16xi32>
      tpu.vector_store %arg6[%swap3A_88], %swap3A_91 {strides = array<i32>} : memref<128xi32, #tpu.memory_space<vmem>>, vector<16xi32>,
      %shift_right_arithmetic3A_92 = arith.constant 16 : i32
      %shift_right_arithmetic3A_93 = vector.broadcast %shift_right_arithmetic3A_92 : i32 to vector<16xi32>
      %shift_right_arithmetic3A_94 = arith.shrsi %get3A_81, %shift_right_arithmetic3A_93 : vector<16xi32>
      %swap3A_95 = arith.constant 16 : index
      %swap3A_96 = tpu.vector_load %arg7[%swap3A_95] {strides = array<i32>} : memref<128xi32, #tpu.memory_space<vmem>>, vector<16xi32>,
      %swap3A_97 = vector.shape_cast %swap3A_96 : vector<16xi32> to vector<16xi32>
      %swap3A_98 = vector.shape_cast %shift_right_arithmetic3A_94 : vector<16xi32> to vector<16xi32>
      tpu.vector_store %arg7[%swap3A_95], %swap3A_98 {strides = array<i32>} : memref<128xi32, #tpu.memory_space<vmem>>, vector<16xi32>,
      %get3A_99 = arith.index_cast %scan3A_59 : i32 to index
      %get3A_100 = arith.constant 32 : index
      %get3A_101 = tpu.vector_load %arg5[%get3A_99, %get3A_100] {strides = array<i32>} : memref<80x128xi32, #tpu.memory_space<vmem>>, vector<1x16xi32>,
      %get3A_102 = vector.shape_cast %get3A_101 : vector<1x16xi32> to vector<16xi32>
      %and3A_103 = arith.constant 65535 : i32
      %and3A_104 = vector.broadcast %and3A_103 : i32 to vector<16xi32>
      %and3A_105 = arith.andi %get3A_102, %and3A_104 : vector<16xi32>
      %add3A_106 = arith.constant 0 : i32
      %add3A_107 = vector.broadcast %add3A_106 : i32 to vector<16xi32>
      %add3A_108 = arith.addi %and3A_105, %add3A_107 : vector<16xi32>
      %swap3A_109 = arith.constant 32 : index
      %swap3A_110 = tpu.vector_load %arg6[%swap3A_109] {strides = array<i32>} : memref<128xi32, #tpu.memory_space<vmem>>, vector<16xi32>,
      %swap3A_111 = vector.shape_cast %swap3A_110 : vector<16xi32> to vector<16xi32>
      %swap3A_112 = vector.shape_cast %add3A_108 : vector<16xi32> to vector<16xi32>
      tpu.vector_store %arg6[%swap3A_109], %swap3A_112 {strides = array<i32>} : memref<128xi32, #tpu.memory_space<vmem>>, vector<16xi32>,
      %shift_right_arithmetic3A_113 = arith.constant 16 : i32
      %shift_right_arithmetic3A_114 = vector.broadcast %shift_right_arithmetic3A_113 : i32 to vector<16xi32>
      %shift_right_arithmetic3A_115 = arith.shrsi %get3A_102, %shift_right_arithmetic3A_114 : vector<16xi32>
      %swap3A_116 = arith.constant 32 : index
      %swap3A_117 = tpu.vector_load %arg7[%swap3A_116] {strides = array<i32>} : memref<128xi32, #tpu.memory_space<vmem>>, vector<16xi32>,
      %swap3A_118 = vector.shape_cast %swap3A_117 : vector<16xi32> to vector<16xi32>
      %swap3A_119 = vector.shape_cast %shift_right_arithmetic3A_115 : vector<16xi32> to vector<16xi32>
      tpu.vector_store %arg7[%swap3A_116], %swap3A_119 {strides = array<i32>} : memref<128xi32, #tpu.memory_space<vmem>>, vector<16xi32>,
      %get3A_120 = arith.index_cast %scan3A_59 : i32 to index
      %get3A_121 = arith.constant 48 : index
      %get3A_122 = tpu.vector_load %arg5[%get3A_120, %get3A_121] {strides = array<i32>} : memref<80x128xi32, #tpu.memory_space<vmem>>, vector<1x16xi32>,
      %get3A_123 = vector.shape_cast %get3A_122 : vector<1x16xi32> to vector<16xi32>
      %and3A_124 = arith.constant 65535 : i32
      %and3A_125 = vector.broadcast %and3A_124 : i32 to vector<16xi32>
      %and3A_126 = arith.andi %get3A_123, %and3A_125 : vector<16xi32>
      %add3A_127 = arith.constant 0 : i32
      %add3A_128 = vector.broadcast %add3A_127 : i32 to vector<16xi32>
      %add3A_129 = arith.addi %and3A_126, %add3A_128 : vector<16xi32>
      %swap3A_130 = arith.constant 48 : index
      %swap3A_131 = tpu.vector_load %arg6[%swap3A_130] {strides = array<i32>} : memref<128xi32, #tpu.memory_space<vmem>>, vector<16xi32>,
      %swap3A_132 = vector.shape_cast %swap3A_131 : vector<16xi32> to vector<16xi32>
      %swap3A_133 = vector.shape_cast %add3A_129 : vector<16xi32> to vector<16xi32>
      tpu.vector_store %arg6[%swap3A_130], %swap3A_133 {strides = array<i32>} : memref<128xi32, #tpu.memory_space<vmem>>, vector<16xi32>,
      %shift_right_arithmetic3A_134 = arith.constant 16 : i32
      %shift_right_arithmetic3A_135 = vector.broadcast %shift_right_arithmetic3A_134 : i32 to vector<16xi32>
      %shift_right_arithmetic3A_136 = arith.shrsi %get3A_123, %shift_right_arithmetic3A_135 : vector<16xi32>
      %swap3A_137 = arith.constant 48 : index
      %swap3A_138 = tpu.vector_load %arg7[%swap3A_137] {strides = array<i32>} : memref<128xi32, #tpu.memory_space<vmem>>, vector<16xi32>,
      %swap3A_139 = vector.shape_cast %swap3A_138 : vector<16xi32> to vector<16xi32>
      %swap3A_140 = vector.shape_cast %shift_right_arithmetic3A_136 : vector<16xi32> to vector<16xi32>
      tpu.vector_store %arg7[%swap3A_137], %swap3A_140 {strides = array<i32>} : memref<128xi32, #tpu.memory_space<vmem>>, vector<16xi32>,
      %get3A_141 = arith.index_cast %scan3A_59 : i32 to index
      %get3A_142 = arith.constant 64 : index
      %get3A_143 = tpu.vector_load %arg5[%get3A_141, %get3A_142] {strides = array<i32>} : memref<80x128xi32, #tpu.memory_space<vmem>>, vector<1x16xi32>,
      %get3A_144 = vector.shape_cast %get3A_143 : vector<1x16xi32> to vector<16xi32>
      %and3A_145 = arith.constant 65535 : i32
      %and3A_146 = vector.broadcast %and3A_145 : i32 to vector<16xi32>
      %and3A_147 = arith.andi %get3A_144, %and3A_146 : vector<16xi32>
      %add3A_148 = arith.constant 0 : i32
      %add3A_149 = vector.broadcast %add3A_148 : i32 to vector<16xi32>
      %add3A_150 = arith.addi %and3A_147, %add3A_149 : vector<16xi32>
      %swap3A_151 = arith.constant 64 : index
      %swap3A_152 = tpu.vector_load %arg6[%swap3A_151] {strides = array<i32>} : memref<128xi32, #tpu.memory_space<vmem>>, vector<16xi32>,
      %swap3A_153 = vector.shape_cast %swap3A_152 : vector<16xi32> to vector<16xi32>
      %swap3A_154 = vector.shape_cast %add3A_150 : vector<16xi32> to vector<16xi32>
      tpu.vector_store %arg6[%swap3A_151], %swap3A_154 {strides = array<i32>} : memref<128xi32, #tpu.memory_space<vmem>>, vector<16xi32>,
      %shift_right_arithmetic3A_155 = arith.constant 16 : i32
      %shift_right_arithmetic3A_156 = vector.broadcast %shift_right_arithmetic3A_155 : i32 to vector<16xi32>
      %shift_right_arithmetic3A_157 = arith.shrsi %get3A_144, %shift_right_arithmetic3A_156 : vector<16xi32>
      %swap3A_158 = arith.constant 64 : index
      %swap3A_159 = tpu.vector_load %arg7[%swap3A_158] {strides = array<i32>} : memref<128xi32, #tpu.memory_space<vmem>>, vector<16xi32>,
      %swap3A_160 = vector.shape_cast %swap3A_159 : vector<16xi32> to vector<16xi32>
      %swap3A_161 = vector.shape_cast %shift_right_arithmetic3A_157 : vector<16xi32> to vector<16xi32>
      tpu.vector_store %arg7[%swap3A_158], %swap3A_161 {strides = array<i32>} : memref<128xi32, #tpu.memory_space<vmem>>, vector<16xi32>,
      %get3A_162 = arith.index_cast %scan3A_59 : i32 to index
      %get3A_163 = arith.constant 80 : index
      %get3A_164 = tpu.vector_load %arg5[%get3A_162, %get3A_163] {strides = array<i32>} : memref<80x128xi32, #tpu.memory_space<vmem>>, vector<1x16xi32>,
      %get3A_165 = vector.shape_cast %get3A_164 : vector<1x16xi32> to vector<16xi32>
      %and3A_166 = arith.constant 65535 : i32
      %and3A_167 = vector.broadcast %and3A_166 : i32 to vector<16xi32>
      %and3A_168 = arith.andi %get3A_165, %and3A_167 : vector<16xi32>
      %add3A_169 = arith.constant 0 : i32
      %add3A_170 = vector.broadcast %add3A_169 : i32 to vector<16xi32>
      %add3A_171 = arith.addi %and3A_168, %add3A_170 : vector<16xi32>
      %swap3A_172 = arith.constant 80 : index
      %swap3A_173 = tpu.vector_load %arg6[%swap3A_172] {strides = array<i32>} : memref<128xi32, #tpu.memory_space<vmem>>, vector<16xi32>,
      %swap3A_174 = vector.shape_cast %swap3A_173 : vector<16xi32> to vector<16xi32>
      %swap3A_175 = vector.shape_cast %add3A_171 : vector<16xi32> to vector<16xi32>
      tpu.vector_store %arg6[%swap3A_172], %swap3A_175 {strides = array<i32>} : memref<128xi32, #tpu.memory_space<vmem>>, vector<16xi32>,
      %shift_right_arithmetic3A_176 = arith.constant 16 : i32
      %shift_right_arithmetic3A_177 = vector.broadcast %shift_right_arithmetic3A_176 : i32 to vector<16xi32>
      %shift_right_arithmetic3A_178 = arith.shrsi %get3A_165, %shift_right_arithmetic3A_177 : vector<16xi32>
      %swap3A_179 = arith.constant 80 : index
      %swap3A_180 = tpu.vector_load %arg7[%swap3A_179] {strides = array<i32>} : memref<128xi32, #tpu.memory_space<vmem>>, vector<16xi32>,
      %swap3A_181 = vector.shape_cast %swap3A_180 : vector<16xi32> to vector<16xi32>
      %swap3A_182 = vector.shape_cast %shift_right_arithmetic3A_178 : vector<16xi32> to vector<16xi32>
      tpu.vector_store %arg7[%swap3A_179], %swap3A_182 {strides = array<i32>} : memref<128xi32, #tpu.memory_space<vmem>>, vector<16xi32>,
      %get3A_183 = arith.index_cast %scan3A_59 : i32 to index
      %get3A_184 = arith.constant 96 : index
      %get3A_185 = tpu.vector_load %arg5[%get3A_183, %get3A_184] {strides = array<i32>} : memref<80x128xi32, #tpu.memory_space<vmem>>, vector<1x16xi32>,
      %get3A_186 = vector.shape_cast %get3A_185 : vector<1x16xi32> to vector<16xi32>
      %and3A_187 = arith.constant 65535 : i32
      %and3A_188 = vector.broadcast %and3A_187 : i32 to vector<16xi32>
      %and3A_189 = arith.andi %get3A_186, %and3A_188 : vector<16xi32>
      %add3A_190 = arith.constant 0 : i32
      %add3A_191 = vector.broadcast %add3A_190 : i32 to vector<16xi32>
      %add3A_192 = arith.addi %and3A_189, %add3A_191 : vector<16xi32>
      %swap3A_193 = arith.constant 96 : index
      %swap3A_194 = tpu.vector_load %arg6[%swap3A_193] {strides = array<i32>} : memref<128xi32, #tpu.memory_space<vmem>>, vector<16xi32>,
      %swap3A_195 = vector.shape_cast %swap3A_194 : vector<16xi32> to vector<16xi32>
      %swap3A_196 = vector.shape_cast %add3A_192 : vector<16xi32> to vector<16xi32>
      tpu.vector_store %arg6[%swap3A_193], %swap3A_196 {strides = array<i32>} : memref<128xi32, #tpu.memory_space<vmem>>, vector<16xi32>,
      %shift_right_arithmetic3A_197 = arith.constant 16 : i32
      %shift_right_arithmetic3A_198 = vector.broadcast %shift_right_arithmetic3A_197 : i32 to vector<16xi32>
      %shift_right_arithmetic3A_199 = arith.shrsi %get3A_186, %shift_right_arithmetic3A_198 : vector<16xi32>
      %swap3A_200 = arith.constant 96 : index
      %swap3A_201 = tpu.vector_load %arg7[%swap3A_200] {strides = array<i32>} : memref<128xi32, #tpu.memory_space<vmem>>, vector<16xi32>,
      %swap3A_202 = vector.shape_cast %swap3A_201 : vector<16xi32> to vector<16xi32>
      %swap3A_203 = vector.shape_cast %shift_right_arithmetic3A_199 : vector<16xi32> to vector<16xi32>
      tpu.vector_store %arg7[%swap3A_200], %swap3A_203 {strides = array<i32>} : memref<128xi32, #tpu.memory_space<vmem>>, vector<16xi32>,
      %get3A_204 = arith.index_cast %scan3A_59 : i32 to index
      %get3A_205 = arith.constant 112 : index
      %get3A_206 = tpu.vector_load %arg5[%get3A_204, %get3A_205] {strides = array<i32>} : memref<80x128xi32, #tpu.memory_space<vmem>>, vector<1x16xi32>,
      %get3A_207 = vector.shape_cast %get3A_206 : vector<1x16xi32> to vector<16xi32>
      %and3A_208 = arith.constant 65535 : i32
      %and3A_209 = vector.broadcast %and3A_208 : i32 to vector<16xi32>
      %and3A_210 = arith.andi %get3A_207, %and3A_209 : vector<16xi32>
      %add3A_211 = arith.constant 0 : i32
      %add3A_212 = vector.broadcast %add3A_211 : i32 to vector<16xi32>
      %add3A_213 = arith.addi %and3A_210, %add3A_212 : vector<16xi32>
      %swap3A_214 = arith.constant 112 : index
      %swap3A_215 = tpu.vector_load %arg6[%swap3A_214] {strides = array<i32>} : memref<128xi32, #tpu.memory_space<vmem>>, vector<16xi32>,
      %swap3A_216 = vector.shape_cast %swap3A_215 : vector<16xi32> to vector<16xi32>
      %swap3A_217 = vector.shape_cast %add3A_213 : vector<16xi32> to vector<16xi32>
      tpu.vector_store %arg6[%swap3A_214], %swap3A_217 {strides = array<i32>} : memref<128xi32, #tpu.memory_space<vmem>>, vector<16xi32>,
      %shift_right_arithmetic3A_218 = arith.constant 16 : i32
      %shift_right_arithmetic3A_219 = vector.broadcast %shift_right_arithmetic3A_218 : i32 to vector<16xi32>
      %shift_right_arithmetic3A_220 = arith.shrsi %get3A_207, %shift_right_arithmetic3A_219 : vector<16xi32>
      %swap3A_221 = arith.constant 112 : index
      %swap3A_222 = tpu.vector_load %arg7[%swap3A_221] {strides = array<i32>} : memref<128xi32, #tpu.memory_space<vmem>>, vector<16xi32>,
      %swap3A_223 = vector.shape_cast %swap3A_222 : vector<16xi32> to vector<16xi32>
      %swap3A_224 = vector.shape_cast %shift_right_arithmetic3A_220 : vector<16xi32> to vector<16xi32>
      tpu.vector_store %arg7[%swap3A_221], %swap3A_224 {strides = array<i32>} : memref<128xi32, #tpu.memory_space<vmem>>, vector<16xi32>,
      "tpu.region"() ({
        %run_scoped3A = tpu.sem_alloc : memref<!tpu.dma_semaphore, #tpu.memory_space<semaphore_mem>>
        %dma_start3A = arith.constant 0 : i32
        %dma_start3A_225 = tpu.memref_slice %arg9[%dma_start3A] : memref<10240xf32, #tpu.memory_space<vmem_shared>> -> memref<10240xf32, #tpu.memory_space<vmem_shared>>
        tpu.enqueue_indirect_dma source(%arg8 : memref<128xf32, #tpu.memory_space<vmem>>) target(%dma_start3A_225 : memref<10240xf32, #tpu.memory_space<vmem_shared>>) offsets(%arg7 : memref<128xi32, #tpu.memory_space<vmem>>) semaphore(%run_scoped3A : memref<!tpu.dma_semaphore, #tpu.memory_space<semaphore_mem>>) {add = true}
        %dma_wait3A = arith.constant 0 : i32
        %dma_wait3A_226 = tpu.memref_slice %arg9[%dma_wait3A] : memref<10240xf32, #tpu.memory_space<vmem_shared>> -> memref<10240xf32, #tpu.memory_space<vmem_shared>>
        tpu.wait_indirect_dma semaphore(%run_scoped3A : memref<!tpu.dma_semaphore, #tpu.memory_space<semaphore_mem>>) src(%arg8 : memref<128xf32, #tpu.memory_space<vmem>>) dst(%dma_wait3A_226 : memref<10240xf32, #tpu.memory_space<vmem_shared>>)
        tpu.yield
      }) : () -> ()
    }
    %scan3A_53 = arith.constant 80 : i32
    %barrier3A_54 = arith.constant 0 : index
    tpu.barrier barrier_id(%barrier3A_54)
    %mul3A_55 = arith.constant 640 : i32
    %mul3A_56 = arith.muli %arg1, %mul3A_55 : i32
    %mul3A_57 = arith.constant 640 : i32
    %mul3A_58 = arith.muli %arg1, %mul3A_57 : i32
    "tpu.region"() ({
      %run_scoped3A = tpu.sem_alloc : memref<!tpu.dma_semaphore, #tpu.memory_space<semaphore_mem>>
      %dma_start3A = tpu.memref_slice %arg4[%arg0, %mul3A_58] : memref<2x10240xf32, #tpu.memory_space<hbm>> -> memref<1x640xf32, #tpu.memory_space<hbm>>
      %dma_start3A_59 = tpu.memref_squeeze %dma_start3A : memref<1x640xf32, #tpu.memory_space<hbm>> -> memref<640xf32, #tpu.memory_space<hbm>>
      %dma_start3A_60 = tpu.memref_slice %arg9[%mul3A_56] : memref<10240xf32, #tpu.memory_space<vmem_shared>> -> memref<640xf32, #tpu.memory_space<vmem_shared>>
      tpu.enqueue_dma source(%dma_start3A_60 : memref<640xf32, #tpu.memory_space<vmem_shared>>) target(%dma_start3A_59 : memref<640xf32, #tpu.memory_space<hbm>>) target_semaphore(%run_scoped3A : memref<!tpu.dma_semaphore, #tpu.memory_space<semaphore_mem>>)
      %dma_wait3A = tpu.memref_slice %arg4[%arg0, %mul3A_58] : memref<2x10240xf32, #tpu.memory_space<hbm>> -> memref<1x640xf32, #tpu.memory_space<hbm>>
      %dma_wait3A_61 = tpu.memref_squeeze %dma_wait3A : memref<1x640xf32, #tpu.memory_space<hbm>> -> memref<640xf32, #tpu.memory_space<hbm>>
      %dma_wait3A_62 = tpu.memref_slice %arg9[%mul3A_56] : memref<10240xf32, #tpu.memory_space<vmem_shared>> -> memref<640xf32, #tpu.memory_space<vmem_shared>>
      tpu.wait_dma2 semaphore(%run_scoped3A : memref<!tpu.dma_semaphore, #tpu.memory_space<semaphore_mem>>) src(%dma_wait3A_62 : memref<640xf32, #tpu.memory_space<vmem_shared>>) dst(%dma_wait3A_61 : memref<640xf32, #tpu.memory_space<hbm>>)
      tpu.yield
    }) : () -> ()
    return
  }
}

#map = affine_map<(d0, d1) -> (0, 0)>
#map1 = affine_map<(d0, d1) -> (0, 0, 0)>
module attributes {stable_mosaic.version = 14 : i64} {
  func.func @agg_kernel(%arg0: i32, %arg1: i32, %arg2: memref<10000x128xf32, #tpu.memory_space<hbm>>, %arg3: memref<32x128x80xi32, #tpu.memory_space<hbm>>, %arg4: memref<640x128xf32, #tpu.memory_space<hbm>>, %arg5: memref<2x10240x128xf32, #tpu.memory_space<hbm>>, %arg6: memref<128x80xi32, #tpu.memory_space<vmem>>, %arg7: memref<80xi32, #tpu.memory_space<vmem>>, %arg8: memref<80xi32, #tpu.memory_space<vmem>>, %arg9: memref<80xi32, #tpu.memory_space<vmem>>, %arg10: memref<80xi32, #tpu.memory_space<vmem>>, %arg11: memref<80x128xf32, #tpu.memory_space<vmem>>, %arg12: memref<80x128xf32, #tpu.memory_space<vmem>>, %arg13: memref<10240x128xf32, #tpu.memory_space<vmem_shared>>, %arg14: memref<!tpu.dma_semaphore, #tpu.memory_space<semaphore_mem>>, %arg15: memref<!tpu.dma_semaphore, #tpu.memory_space<semaphore_mem>>) attributes {dimension_semantics = [#tpu.dimension_semantics<core_parallel>, #tpu.dimension_semantics<subcore_parallel>], iteration_bounds = array<i64: 2, 16>, scalar_prefetch = 0 : i64, scratch_operands = 10 : i64, tpu.core_type = #tpu.core_type<sc_vector_subcore>, window_params = [{transform_indices = #map}, {transform_indices = #map1}, {transform_indices = #map}, {transform_indices = #map1}]} {
    %mul3A = arith.constant 16 : i32
    %mul3A_0 = arith.muli %arg0, %mul3A : i32
    %add3A = arith.addi %mul3A_0, %arg1 : i32
    "tpu.region"() ({
      %run_scoped3A = tpu.sem_alloc : memref<!tpu.dma_semaphore, #tpu.memory_space<semaphore_mem>>
      %dma_start3A_249 = arith.constant 0 : i32
      %dma_start3A_250 = arith.constant 0 : i32
      %dma_start3A_251 = tpu.memref_slice %arg3[%add3A, %dma_start3A_249, %dma_start3A_250] : memref<32x128x80xi32, #tpu.memory_space<hbm>> -> memref<1x128x80xi32, #tpu.memory_space<hbm>>
      %dma_start3A_252 = tpu.memref_squeeze %dma_start3A_251 : memref<1x128x80xi32, #tpu.memory_space<hbm>> -> memref<128x80xi32, #tpu.memory_space<hbm>>
      %dma_start3A_253 = arith.constant 0 : i32
      %dma_start3A_254 = arith.constant 0 : i32
      %dma_start3A_255 = tpu.memref_slice %arg3[%add3A, %dma_start3A_253, %dma_start3A_254] : memref<32x128x80xi32, #tpu.memory_space<hbm>> -> memref<1x128x80xi32, #tpu.memory_space<hbm>>
      %dma_start3A_256 = tpu.memref_squeeze %dma_start3A_255 : memref<1x128x80xi32, #tpu.memory_space<hbm>> -> memref<128x80xi32, #tpu.memory_space<hbm>>
      tpu.enqueue_dma source(%dma_start3A_256 : memref<128x80xi32, #tpu.memory_space<hbm>>) target(%arg6 : memref<128x80xi32, #tpu.memory_space<vmem>>) target_semaphore(%run_scoped3A : memref<!tpu.dma_semaphore, #tpu.memory_space<semaphore_mem>>)
      %dma_wait3A = arith.constant 0 : i32
      %dma_wait3A_257 = arith.constant 0 : i32
      %dma_wait3A_258 = tpu.memref_slice %arg3[%add3A, %dma_wait3A, %dma_wait3A_257] : memref<32x128x80xi32, #tpu.memory_space<hbm>> -> memref<1x128x80xi32, #tpu.memory_space<hbm>>
      %dma_wait3A_259 = tpu.memref_squeeze %dma_wait3A_258 : memref<1x128x80xi32, #tpu.memory_space<hbm>> -> memref<128x80xi32, #tpu.memory_space<hbm>>
      %dma_wait3A_260 = arith.constant 0 : i32
      %dma_wait3A_261 = arith.constant 0 : i32
      %dma_wait3A_262 = tpu.memref_slice %arg3[%add3A, %dma_wait3A_260, %dma_wait3A_261] : memref<32x128x80xi32, #tpu.memory_space<hbm>> -> memref<1x128x80xi32, #tpu.memory_space<hbm>>
      %dma_wait3A_263 = tpu.memref_squeeze %dma_wait3A_262 : memref<1x128x80xi32, #tpu.memory_space<hbm>> -> memref<128x80xi32, #tpu.memory_space<hbm>>
      tpu.wait_dma2 semaphore(%run_scoped3A : memref<!tpu.dma_semaphore, #tpu.memory_space<semaphore_mem>>) src(%dma_wait3A_263 : memref<128x80xi32, #tpu.memory_space<hbm>>) dst(%arg6 : memref<128x80xi32, #tpu.memory_space<vmem>>)
      tpu.yield
    }) : () -> ()
    %get3A = arith.constant 0 : i32
    %get3A_1 = arith.index_cast %get3A : i32 to index
    %get3A_2 = arith.constant 0 : index
    %get3A_3 = tpu.vector_load %arg6[%get3A_1, %get3A_2] {strides = array<i32>} : memref<128x80xi32, #tpu.memory_space<vmem>>, vector<1x16xi32>,
    %get3A_4 = vector.shape_cast %get3A_3 : vector<1x16xi32> to vector<16xi32>
    %and3A = arith.constant 65535 : i32
    %and3A_5 = vector.broadcast %and3A : i32 to vector<16xi32>
    %and3A_6 = arith.andi %get3A_4, %and3A_5 : vector<16xi32>
    %add3A_7 = arith.constant 0 : i32
    %add3A_8 = vector.broadcast %add3A_7 : i32 to vector<16xi32>
    %add3A_9 = arith.addi %and3A_6, %add3A_8 : vector<16xi32>
    %swap3A = arith.constant 0 : index
    %swap3A_10 = tpu.vector_load %arg7[%swap3A] {strides = array<i32>} : memref<80xi32, #tpu.memory_space<vmem>>, vector<16xi32>,
    %swap3A_11 = vector.shape_cast %swap3A_10 : vector<16xi32> to vector<16xi32>
    %swap3A_12 = vector.shape_cast %add3A_9 : vector<16xi32> to vector<16xi32>
    tpu.vector_store %arg7[%swap3A], %swap3A_12 {strides = array<i32>} : memref<80xi32, #tpu.memory_space<vmem>>, vector<16xi32>,
    %shift_right_arithmetic3A = arith.constant 16 : i32
    %shift_right_arithmetic3A_13 = vector.broadcast %shift_right_arithmetic3A : i32 to vector<16xi32>
    %shift_right_arithmetic3A_14 = arith.shrsi %get3A_4, %shift_right_arithmetic3A_13 : vector<16xi32>
    %swap3A_15 = arith.constant 0 : index
    %swap3A_16 = tpu.vector_load %arg8[%swap3A_15] {strides = array<i32>} : memref<80xi32, #tpu.memory_space<vmem>>, vector<16xi32>,
    %swap3A_17 = vector.shape_cast %swap3A_16 : vector<16xi32> to vector<16xi32>
    %swap3A_18 = vector.shape_cast %shift_right_arithmetic3A_14 : vector<16xi32> to vector<16xi32>
    tpu.vector_store %arg8[%swap3A_15], %swap3A_18 {strides = array<i32>} : memref<80xi32, #tpu.memory_space<vmem>>, vector<16xi32>,
    %get3A_19 = arith.constant 0 : i32
    %get3A_20 = arith.index_cast %get3A_19 : i32 to index
    %get3A_21 = arith.constant 16 : index
    %get3A_22 = tpu.vector_load %arg6[%get3A_20, %get3A_21] {strides = array<i32>} : memref<128x80xi32, #tpu.memory_space<vmem>>, vector<1x16xi32>,
    %get3A_23 = vector.shape_cast %get3A_22 : vector<1x16xi32> to vector<16xi32>
    %and3A_24 = arith.constant 65535 : i32
    %and3A_25 = vector.broadcast %and3A_24 : i32 to vector<16xi32>
    %and3A_26 = arith.andi %get3A_23, %and3A_25 : vector<16xi32>
    %add3A_27 = arith.constant 0 : i32
    %add3A_28 = vector.broadcast %add3A_27 : i32 to vector<16xi32>
    %add3A_29 = arith.addi %and3A_26, %add3A_28 : vector<16xi32>
    %swap3A_30 = arith.constant 16 : index
    %swap3A_31 = tpu.vector_load %arg7[%swap3A_30] {strides = array<i32>} : memref<80xi32, #tpu.memory_space<vmem>>, vector<16xi32>,
    %swap3A_32 = vector.shape_cast %swap3A_31 : vector<16xi32> to vector<16xi32>
    %swap3A_33 = vector.shape_cast %add3A_29 : vector<16xi32> to vector<16xi32>
    tpu.vector_store %arg7[%swap3A_30], %swap3A_33 {strides = array<i32>} : memref<80xi32, #tpu.memory_space<vmem>>, vector<16xi32>,
    %shift_right_arithmetic3A_34 = arith.constant 16 : i32
    %shift_right_arithmetic3A_35 = vector.broadcast %shift_right_arithmetic3A_34 : i32 to vector<16xi32>
    %shift_right_arithmetic3A_36 = arith.shrsi %get3A_23, %shift_right_arithmetic3A_35 : vector<16xi32>
    %swap3A_37 = arith.constant 16 : index
    %swap3A_38 = tpu.vector_load %arg8[%swap3A_37] {strides = array<i32>} : memref<80xi32, #tpu.memory_space<vmem>>, vector<16xi32>,
    %swap3A_39 = vector.shape_cast %swap3A_38 : vector<16xi32> to vector<16xi32>
    %swap3A_40 = vector.shape_cast %shift_right_arithmetic3A_36 : vector<16xi32> to vector<16xi32>
    tpu.vector_store %arg8[%swap3A_37], %swap3A_40 {strides = array<i32>} : memref<80xi32, #tpu.memory_space<vmem>>, vector<16xi32>,
    %get3A_41 = arith.constant 0 : i32
    %get3A_42 = arith.index_cast %get3A_41 : i32 to index
    %get3A_43 = arith.constant 32 : index
    %get3A_44 = tpu.vector_load %arg6[%get3A_42, %get3A_43] {strides = array<i32>} : memref<128x80xi32, #tpu.memory_space<vmem>>, vector<1x16xi32>,
    %get3A_45 = vector.shape_cast %get3A_44 : vector<1x16xi32> to vector<16xi32>
    %and3A_46 = arith.constant 65535 : i32
    %and3A_47 = vector.broadcast %and3A_46 : i32 to vector<16xi32>
    %and3A_48 = arith.andi %get3A_45, %and3A_47 : vector<16xi32>
    %add3A_49 = arith.constant 0 : i32
    %add3A_50 = vector.broadcast %add3A_49 : i32 to vector<16xi32>
    %add3A_51 = arith.addi %and3A_48, %add3A_50 : vector<16xi32>
    %swap3A_52 = arith.constant 32 : index
    %swap3A_53 = tpu.vector_load %arg7[%swap3A_52] {strides = array<i32>} : memref<80xi32, #tpu.memory_space<vmem>>, vector<16xi32>,
    %swap3A_54 = vector.shape_cast %swap3A_53 : vector<16xi32> to vector<16xi32>
    %swap3A_55 = vector.shape_cast %add3A_51 : vector<16xi32> to vector<16xi32>
    tpu.vector_store %arg7[%swap3A_52], %swap3A_55 {strides = array<i32>} : memref<80xi32, #tpu.memory_space<vmem>>, vector<16xi32>,
    %shift_right_arithmetic3A_56 = arith.constant 16 : i32
    %shift_right_arithmetic3A_57 = vector.broadcast %shift_right_arithmetic3A_56 : i32 to vector<16xi32>
    %shift_right_arithmetic3A_58 = arith.shrsi %get3A_45, %shift_right_arithmetic3A_57 : vector<16xi32>
    %swap3A_59 = arith.constant 32 : index
    %swap3A_60 = tpu.vector_load %arg8[%swap3A_59] {strides = array<i32>} : memref<80xi32, #tpu.memory_space<vmem>>, vector<16xi32>,
    %swap3A_61 = vector.shape_cast %swap3A_60 : vector<16xi32> to vector<16xi32>
    %swap3A_62 = vector.shape_cast %shift_right_arithmetic3A_58 : vector<16xi32> to vector<16xi32>
    tpu.vector_store %arg8[%swap3A_59], %swap3A_62 {strides = array<i32>} : memref<80xi32, #tpu.memory_space<vmem>>, vector<16xi32>,
    %get3A_63 = arith.constant 0 : i32
    %get3A_64 = arith.index_cast %get3A_63 : i32 to index
    %get3A_65 = arith.constant 48 : index
    %get3A_66 = tpu.vector_load %arg6[%get3A_64, %get3A_65] {strides = array<i32>} : memref<128x80xi32, #tpu.memory_space<vmem>>, vector<1x16xi32>,
    %get3A_67 = vector.shape_cast %get3A_66 : vector<1x16xi32> to vector<16xi32>
    %and3A_68 = arith.constant 65535 : i32
    %and3A_69 = vector.broadcast %and3A_68 : i32 to vector<16xi32>
    %and3A_70 = arith.andi %get3A_67, %and3A_69 : vector<16xi32>
    %add3A_71 = arith.constant 0 : i32
    %add3A_72 = vector.broadcast %add3A_71 : i32 to vector<16xi32>
    %add3A_73 = arith.addi %and3A_70, %add3A_72 : vector<16xi32>
    %swap3A_74 = arith.constant 48 : index
    %swap3A_75 = tpu.vector_load %arg7[%swap3A_74] {strides = array<i32>} : memref<80xi32, #tpu.memory_space<vmem>>, vector<16xi32>,
    %swap3A_76 = vector.shape_cast %swap3A_75 : vector<16xi32> to vector<16xi32>
    %swap3A_77 = vector.shape_cast %add3A_73 : vector<16xi32> to vector<16xi32>
    tpu.vector_store %arg7[%swap3A_74], %swap3A_77 {strides = array<i32>} : memref<80xi32, #tpu.memory_space<vmem>>, vector<16xi32>,
    %shift_right_arithmetic3A_78 = arith.constant 16 : i32
    %shift_right_arithmetic3A_79 = vector.broadcast %shift_right_arithmetic3A_78 : i32 to vector<16xi32>
    %shift_right_arithmetic3A_80 = arith.shrsi %get3A_67, %shift_right_arithmetic3A_79 : vector<16xi32>
    %swap3A_81 = arith.constant 48 : index
    %swap3A_82 = tpu.vector_load %arg8[%swap3A_81] {strides = array<i32>} : memref<80xi32, #tpu.memory_space<vmem>>, vector<16xi32>,
    %swap3A_83 = vector.shape_cast %swap3A_82 : vector<16xi32> to vector<16xi32>
    %swap3A_84 = vector.shape_cast %shift_right_arithmetic3A_80 : vector<16xi32> to vector<16xi32>
    tpu.vector_store %arg8[%swap3A_81], %swap3A_84 {strides = array<i32>} : memref<80xi32, #tpu.memory_space<vmem>>, vector<16xi32>,
    %get3A_85 = arith.constant 0 : i32
    %get3A_86 = arith.index_cast %get3A_85 : i32 to index
    %get3A_87 = arith.constant 64 : index
    %get3A_88 = tpu.vector_load %arg6[%get3A_86, %get3A_87] {strides = array<i32>} : memref<128x80xi32, #tpu.memory_space<vmem>>, vector<1x16xi32>,
    %get3A_89 = vector.shape_cast %get3A_88 : vector<1x16xi32> to vector<16xi32>
    %and3A_90 = arith.constant 65535 : i32
    %and3A_91 = vector.broadcast %and3A_90 : i32 to vector<16xi32>
    %and3A_92 = arith.andi %get3A_89, %and3A_91 : vector<16xi32>
    %add3A_93 = arith.constant 0 : i32
    %add3A_94 = vector.broadcast %add3A_93 : i32 to vector<16xi32>
    %add3A_95 = arith.addi %and3A_92, %add3A_94 : vector<16xi32>
    %swap3A_96 = arith.constant 64 : index
    %swap3A_97 = tpu.vector_load %arg7[%swap3A_96] {strides = array<i32>} : memref<80xi32, #tpu.memory_space<vmem>>, vector<16xi32>,
    %swap3A_98 = vector.shape_cast %swap3A_97 : vector<16xi32> to vector<16xi32>
    %swap3A_99 = vector.shape_cast %add3A_95 : vector<16xi32> to vector<16xi32>
    tpu.vector_store %arg7[%swap3A_96], %swap3A_99 {strides = array<i32>} : memref<80xi32, #tpu.memory_space<vmem>>, vector<16xi32>,
    %shift_right_arithmetic3A_100 = arith.constant 16 : i32
    %shift_right_arithmetic3A_101 = vector.broadcast %shift_right_arithmetic3A_100 : i32 to vector<16xi32>
    %shift_right_arithmetic3A_102 = arith.shrsi %get3A_89, %shift_right_arithmetic3A_101 : vector<16xi32>
    %swap3A_103 = arith.constant 64 : index
    %swap3A_104 = tpu.vector_load %arg8[%swap3A_103] {strides = array<i32>} : memref<80xi32, #tpu.memory_space<vmem>>, vector<16xi32>,
    %swap3A_105 = vector.shape_cast %swap3A_104 : vector<16xi32> to vector<16xi32>
    %swap3A_106 = vector.shape_cast %shift_right_arithmetic3A_102 : vector<16xi32> to vector<16xi32>
    tpu.vector_store %arg8[%swap3A_103], %swap3A_106 {strides = array<i32>} : memref<80xi32, #tpu.memory_space<vmem>>, vector<16xi32>,
    %dma_start3A = arith.constant 0 : i32
    %dma_start3A_107 = arith.constant 0 : i32
    %dma_start3A_108 = tpu.memref_slice %arg2[%dma_start3A, %dma_start3A_107] : memref<10000x128xf32, #tpu.memory_space<hbm>> -> memref<10000x128xf32, #tpu.memory_space<hbm>>
    tpu.enqueue_indirect_dma source(%dma_start3A_108 : memref<10000x128xf32, #tpu.memory_space<hbm>>) target(%arg11 : memref<80x128xf32, #tpu.memory_space<vmem>>) offsets(%arg7 : memref<80xi32, #tpu.memory_space<vmem>>) semaphore(%arg14 : memref<!tpu.dma_semaphore, #tpu.memory_space<semaphore_mem>>)
    %get3A_109 = arith.constant 1 : i32
    %get3A_110 = arith.index_cast %get3A_109 : i32 to index
    %get3A_111 = arith.constant 0 : index
    %get3A_112 = tpu.vector_load %arg6[%get3A_110, %get3A_111] {strides = array<i32>} : memref<128x80xi32, #tpu.memory_space<vmem>>, vector<1x16xi32>,
    %get3A_113 = vector.shape_cast %get3A_112 : vector<1x16xi32> to vector<16xi32>
    %and3A_114 = arith.constant 65535 : i32
    %and3A_115 = vector.broadcast %and3A_114 : i32 to vector<16xi32>
    %and3A_116 = arith.andi %get3A_113, %and3A_115 : vector<16xi32>
    %add3A_117 = arith.constant 0 : i32
    %add3A_118 = vector.broadcast %add3A_117 : i32 to vector<16xi32>
    %add3A_119 = arith.addi %and3A_116, %add3A_118 : vector<16xi32>
    %swap3A_120 = arith.constant 0 : index
    %swap3A_121 = tpu.vector_load %arg9[%swap3A_120] {strides = array<i32>} : memref<80xi32, #tpu.memory_space<vmem>>, vector<16xi32>,
    %swap3A_122 = vector.shape_cast %swap3A_121 : vector<16xi32> to vector<16xi32>
    %swap3A_123 = vector.shape_cast %add3A_119 : vector<16xi32> to vector<16xi32>
    tpu.vector_store %arg9[%swap3A_120], %swap3A_123 {strides = array<i32>} : memref<80xi32, #tpu.memory_space<vmem>>, vector<16xi32>,
    %shift_right_arithmetic3A_124 = arith.constant 16 : i32
    %shift_right_arithmetic3A_125 = vector.broadcast %shift_right_arithmetic3A_124 : i32 to vector<16xi32>
    %shift_right_arithmetic3A_126 = arith.shrsi %get3A_113, %shift_right_arithmetic3A_125 : vector<16xi32>
    %swap3A_127 = arith.constant 0 : index
    %swap3A_128 = tpu.vector_load %arg10[%swap3A_127] {strides = array<i32>} : memref<80xi32, #tpu.memory_space<vmem>>, vector<16xi32>,
    %swap3A_129 = vector.shape_cast %swap3A_128 : vector<16xi32> to vector<16xi32>
    %swap3A_130 = vector.shape_cast %shift_right_arithmetic3A_126 : vector<16xi32> to vector<16xi32>
    tpu.vector_store %arg10[%swap3A_127], %swap3A_130 {strides = array<i32>} : memref<80xi32, #tpu.memory_space<vmem>>, vector<16xi32>,
    %get3A_131 = arith.constant 1 : i32
    %get3A_132 = arith.index_cast %get3A_131 : i32 to index
    %get3A_133 = arith.constant 16 : index
    %get3A_134 = tpu.vector_load %arg6[%get3A_132, %get3A_133] {strides = array<i32>} : memref<128x80xi32, #tpu.memory_space<vmem>>, vector<1x16xi32>,
    %get3A_135 = vector.shape_cast %get3A_134 : vector<1x16xi32> to vector<16xi32>
    %and3A_136 = arith.constant 65535 : i32
    %and3A_137 = vector.broadcast %and3A_136 : i32 to vector<16xi32>
    %and3A_138 = arith.andi %get3A_135, %and3A_137 : vector<16xi32>
    %add3A_139 = arith.constant 0 : i32
    %add3A_140 = vector.broadcast %add3A_139 : i32 to vector<16xi32>
    %add3A_141 = arith.addi %and3A_138, %add3A_140 : vector<16xi32>
    %swap3A_142 = arith.constant 16 : index
    %swap3A_143 = tpu.vector_load %arg9[%swap3A_142] {strides = array<i32>} : memref<80xi32, #tpu.memory_space<vmem>>, vector<16xi32>,
    %swap3A_144 = vector.shape_cast %swap3A_143 : vector<16xi32> to vector<16xi32>
    %swap3A_145 = vector.shape_cast %add3A_141 : vector<16xi32> to vector<16xi32>
    tpu.vector_store %arg9[%swap3A_142], %swap3A_145 {strides = array<i32>} : memref<80xi32, #tpu.memory_space<vmem>>, vector<16xi32>,
    %shift_right_arithmetic3A_146 = arith.constant 16 : i32
    %shift_right_arithmetic3A_147 = vector.broadcast %shift_right_arithmetic3A_146 : i32 to vector<16xi32>
    %shift_right_arithmetic3A_148 = arith.shrsi %get3A_135, %shift_right_arithmetic3A_147 : vector<16xi32>
    %swap3A_149 = arith.constant 16 : index
    %swap3A_150 = tpu.vector_load %arg10[%swap3A_149] {strides = array<i32>} : memref<80xi32, #tpu.memory_space<vmem>>, vector<16xi32>,
    %swap3A_151 = vector.shape_cast %swap3A_150 : vector<16xi32> to vector<16xi32>
    %swap3A_152 = vector.shape_cast %shift_right_arithmetic3A_148 : vector<16xi32> to vector<16xi32>
    tpu.vector_store %arg10[%swap3A_149], %swap3A_152 {strides = array<i32>} : memref<80xi32, #tpu.memory_space<vmem>>, vector<16xi32>,
    %get3A_153 = arith.constant 1 : i32
    %get3A_154 = arith.index_cast %get3A_153 : i32 to index
    %get3A_155 = arith.constant 32 : index
    %get3A_156 = tpu.vector_load %arg6[%get3A_154, %get3A_155] {strides = array<i32>} : memref<128x80xi32, #tpu.memory_space<vmem>>, vector<1x16xi32>,
    %get3A_157 = vector.shape_cast %get3A_156 : vector<1x16xi32> to vector<16xi32>
    %and3A_158 = arith.constant 65535 : i32
    %and3A_159 = vector.broadcast %and3A_158 : i32 to vector<16xi32>
    %and3A_160 = arith.andi %get3A_157, %and3A_159 : vector<16xi32>
    %add3A_161 = arith.constant 0 : i32
    %add3A_162 = vector.broadcast %add3A_161 : i32 to vector<16xi32>
    %add3A_163 = arith.addi %and3A_160, %add3A_162 : vector<16xi32>
    %swap3A_164 = arith.constant 32 : index
    %swap3A_165 = tpu.vector_load %arg9[%swap3A_164] {strides = array<i32>} : memref<80xi32, #tpu.memory_space<vmem>>, vector<16xi32>,
    %swap3A_166 = vector.shape_cast %swap3A_165 : vector<16xi32> to vector<16xi32>
    %swap3A_167 = vector.shape_cast %add3A_163 : vector<16xi32> to vector<16xi32>
    tpu.vector_store %arg9[%swap3A_164], %swap3A_167 {strides = array<i32>} : memref<80xi32, #tpu.memory_space<vmem>>, vector<16xi32>,
    %shift_right_arithmetic3A_168 = arith.constant 16 : i32
    %shift_right_arithmetic3A_169 = vector.broadcast %shift_right_arithmetic3A_168 : i32 to vector<16xi32>
    %shift_right_arithmetic3A_170 = arith.shrsi %get3A_157, %shift_right_arithmetic3A_169 : vector<16xi32>
    %swap3A_171 = arith.constant 32 : index
    %swap3A_172 = tpu.vector_load %arg10[%swap3A_171] {strides = array<i32>} : memref<80xi32, #tpu.memory_space<vmem>>, vector<16xi32>,
    %swap3A_173 = vector.shape_cast %swap3A_172 : vector<16xi32> to vector<16xi32>
    %swap3A_174 = vector.shape_cast %shift_right_arithmetic3A_170 : vector<16xi32> to vector<16xi32>
    tpu.vector_store %arg10[%swap3A_171], %swap3A_174 {strides = array<i32>} : memref<80xi32, #tpu.memory_space<vmem>>, vector<16xi32>,
    %get3A_175 = arith.constant 1 : i32
    %get3A_176 = arith.index_cast %get3A_175 : i32 to index
    %get3A_177 = arith.constant 48 : index
    %get3A_178 = tpu.vector_load %arg6[%get3A_176, %get3A_177] {strides = array<i32>} : memref<128x80xi32, #tpu.memory_space<vmem>>, vector<1x16xi32>,
    %get3A_179 = vector.shape_cast %get3A_178 : vector<1x16xi32> to vector<16xi32>
    %and3A_180 = arith.constant 65535 : i32
    %and3A_181 = vector.broadcast %and3A_180 : i32 to vector<16xi32>
    %and3A_182 = arith.andi %get3A_179, %and3A_181 : vector<16xi32>
    %add3A_183 = arith.constant 0 : i32
    %add3A_184 = vector.broadcast %add3A_183 : i32 to vector<16xi32>
    %add3A_185 = arith.addi %and3A_182, %add3A_184 : vector<16xi32>
    %swap3A_186 = arith.constant 48 : index
    %swap3A_187 = tpu.vector_load %arg9[%swap3A_186] {strides = array<i32>} : memref<80xi32, #tpu.memory_space<vmem>>, vector<16xi32>,
    %swap3A_188 = vector.shape_cast %swap3A_187 : vector<16xi32> to vector<16xi32>
    %swap3A_189 = vector.shape_cast %add3A_185 : vector<16xi32> to vector<16xi32>
    tpu.vector_store %arg9[%swap3A_186], %swap3A_189 {strides = array<i32>} : memref<80xi32, #tpu.memory_space<vmem>>, vector<16xi32>,
    %shift_right_arithmetic3A_190 = arith.constant 16 : i32
    %shift_right_arithmetic3A_191 = vector.broadcast %shift_right_arithmetic3A_190 : i32 to vector<16xi32>
    %shift_right_arithmetic3A_192 = arith.shrsi %get3A_179, %shift_right_arithmetic3A_191 : vector<16xi32>
    %swap3A_193 = arith.constant 48 : index
    %swap3A_194 = tpu.vector_load %arg10[%swap3A_193] {strides = array<i32>} : memref<80xi32, #tpu.memory_space<vmem>>, vector<16xi32>,
    %swap3A_195 = vector.shape_cast %swap3A_194 : vector<16xi32> to vector<16xi32>
    %swap3A_196 = vector.shape_cast %shift_right_arithmetic3A_192 : vector<16xi32> to vector<16xi32>
    tpu.vector_store %arg10[%swap3A_193], %swap3A_196 {strides = array<i32>} : memref<80xi32, #tpu.memory_space<vmem>>, vector<16xi32>,
    %get3A_197 = arith.constant 1 : i32
    %get3A_198 = arith.index_cast %get3A_197 : i32 to index
    %get3A_199 = arith.constant 64 : index
    %get3A_200 = tpu.vector_load %arg6[%get3A_198, %get3A_199] {strides = array<i32>} : memref<128x80xi32, #tpu.memory_space<vmem>>, vector<1x16xi32>,
    %get3A_201 = vector.shape_cast %get3A_200 : vector<1x16xi32> to vector<16xi32>
    %and3A_202 = arith.constant 65535 : i32
    %and3A_203 = vector.broadcast %and3A_202 : i32 to vector<16xi32>
    %and3A_204 = arith.andi %get3A_201, %and3A_203 : vector<16xi32>
    %add3A_205 = arith.constant 0 : i32
    %add3A_206 = vector.broadcast %add3A_205 : i32 to vector<16xi32>
    %add3A_207 = arith.addi %and3A_204, %add3A_206 : vector<16xi32>
    %swap3A_208 = arith.constant 64 : index
    %swap3A_209 = tpu.vector_load %arg9[%swap3A_208] {strides = array<i32>} : memref<80xi32, #tpu.memory_space<vmem>>, vector<16xi32>,
    %swap3A_210 = vector.shape_cast %swap3A_209 : vector<16xi32> to vector<16xi32>
    %swap3A_211 = vector.shape_cast %add3A_207 : vector<16xi32> to vector<16xi32>
    tpu.vector_store %arg9[%swap3A_208], %swap3A_211 {strides = array<i32>} : memref<80xi32, #tpu.memory_space<vmem>>, vector<16xi32>,
    %shift_right_arithmetic3A_212 = arith.constant 16 : i32
    %shift_right_arithmetic3A_213 = vector.broadcast %shift_right_arithmetic3A_212 : i32 to vector<16xi32>
    %shift_right_arithmetic3A_214 = arith.shrsi %get3A_201, %shift_right_arithmetic3A_213 : vector<16xi32>
    %swap3A_215 = arith.constant 64 : index
    %swap3A_216 = tpu.vector_load %arg10[%swap3A_215] {strides = array<i32>} : memref<80xi32, #tpu.memory_space<vmem>>, vector<16xi32>,
    %swap3A_217 = vector.shape_cast %swap3A_216 : vector<16xi32> to vector<16xi32>
    %swap3A_218 = vector.shape_cast %shift_right_arithmetic3A_214 : vector<16xi32> to vector<16xi32>
    tpu.vector_store %arg10[%swap3A_215], %swap3A_218 {strides = array<i32>} : memref<80xi32, #tpu.memory_space<vmem>>, vector<16xi32>,
    %dma_start3A_219 = arith.constant 0 : i32
    %dma_start3A_220 = arith.constant 0 : i32
    %dma_start3A_221 = tpu.memref_slice %arg2[%dma_start3A_219, %dma_start3A_220] : memref<10000x128xf32, #tpu.memory_space<hbm>> -> memref<10000x128xf32, #tpu.memory_space<hbm>>
    tpu.enqueue_indirect_dma source(%dma_start3A_221 : memref<10000x128xf32, #tpu.memory_space<hbm>>) target(%arg12 : memref<80x128xf32, #tpu.memory_space<vmem>>) offsets(%arg9 : memref<80xi32, #tpu.memory_space<vmem>>) semaphore(%arg15 : memref<!tpu.dma_semaphore, #tpu.memory_space<semaphore_mem>>)
    %eq3A = arith.constant 0 : i32
    %eq3A_222 = arith.cmpi eq, %arg0, %eq3A : i32
    %lt3A = arith.constant 15 : i32
    %lt3A_223 = arith.cmpi slt, %arg1, %lt3A : i32
    %and3A_224 = arith.andi %eq3A_222, %lt3A_223 : i1
    %convert_element_type3A = arith.extui %and3A_224 : i1 to i32
    %cond3A = arith.constant 0 : i32
    %cond3A_225 = arith.cmpi ne, %convert_element_type3A, %cond3A : i32
    scf.if %cond3A_225 {
      %mul3A_249 = arith.constant 640 : i32
      %mul3A_250 = arith.muli %arg1, %mul3A_249 : i32
      %mul3A_251 = arith.constant 640 : i32
      %mul3A_252 = arith.muli %arg1, %mul3A_251 : i32
      "tpu.region"() ({
        %run_scoped3A = tpu.sem_alloc : memref<!tpu.dma_semaphore, #tpu.memory_space<semaphore_mem>>
        %dma_start3A_253 = arith.constant 0 : i32
        %dma_start3A_254 = tpu.memref_slice %arg13[%mul3A_252, %dma_start3A_253] : memref<10240x128xf32, #tpu.memory_space<vmem_shared>> -> memref<640x128xf32, #tpu.memory_space<vmem_shared>>
        %dma_start3A_255 = arith.constant 0 : i32
        %dma_start3A_256 = tpu.memref_slice %arg2[%mul3A_250, %dma_start3A_255] : memref<10000x128xf32, #tpu.memory_space<hbm>> -> memref<640x128xf32, #tpu.memory_space<hbm>>
        tpu.enqueue_dma source(%dma_start3A_256 : memref<640x128xf32, #tpu.memory_space<hbm>>) target(%dma_start3A_254 : memref<640x128xf32, #tpu.memory_space<vmem_shared>>) target_semaphore(%run_scoped3A : memref<!tpu.dma_semaphore, #tpu.memory_space<semaphore_mem>>)
        %dma_wait3A = arith.constant 0 : i32
        %dma_wait3A_257 = tpu.memref_slice %arg13[%mul3A_252, %dma_wait3A] : memref<10240x128xf32, #tpu.memory_space<vmem_shared>> -> memref<640x128xf32, #tpu.memory_space<vmem_shared>>
        %dma_wait3A_258 = arith.constant 0 : i32
        %dma_wait3A_259 = tpu.memref_slice %arg2[%mul3A_250, %dma_wait3A_258] : memref<10000x128xf32, #tpu.memory_space<hbm>> -> memref<640x128xf32, #tpu.memory_space<hbm>>
        tpu.wait_dma2 semaphore(%run_scoped3A : memref<!tpu.dma_semaphore, #tpu.memory_space<semaphore_mem>>) src(%dma_wait3A_259 : memref<640x128xf32, #tpu.memory_space<hbm>>) dst(%dma_wait3A_257 : memref<640x128xf32, #tpu.memory_space<vmem_shared>>)
        tpu.yield
      }) : () -> ()
    } else {
    }
    %eq3A_226 = arith.constant 0 : i32
    %eq3A_227 = arith.cmpi eq, %arg0, %eq3A_226 : i32
    %eq3A_228 = arith.constant 15 : i32
    %eq3A_229 = arith.cmpi eq, %arg1, %eq3A_228 : i32
    %and3A_230 = arith.andi %eq3A_227, %eq3A_229 : i1
    %convert_element_type3A_231 = arith.extui %and3A_230 : i1 to i32
    %cond3A_232 = arith.constant 0 : i32
    %cond3A_233 = arith.cmpi ne, %convert_element_type3A_231, %cond3A_232 : i32
    scf.if %cond3A_233 {
      "tpu.region"() ({
        %run_scoped3A = tpu.sem_alloc : memref<!tpu.dma_semaphore, #tpu.memory_space<semaphore_mem>>
        %dma_start3A_249 = arith.constant 9600 : i32
        %dma_start3A_250 = arith.constant 0 : i32
        %dma_start3A_251 = tpu.memref_slice %arg13[%dma_start3A_249, %dma_start3A_250] : memref<10240x128xf32, #tpu.memory_space<vmem_shared>> -> memref<400x128xf32, #tpu.memory_space<vmem_shared>>
        %dma_start3A_252 = arith.constant 9600 : i32
        %dma_start3A_253 = arith.constant 0 : i32
        %dma_start3A_254 = tpu.memref_slice %arg2[%dma_start3A_252, %dma_start3A_253] : memref<10000x128xf32, #tpu.memory_space<hbm>> -> memref<400x128xf32, #tpu.memory_space<hbm>>
        tpu.enqueue_dma source(%dma_start3A_254 : memref<400x128xf32, #tpu.memory_space<hbm>>) target(%dma_start3A_251 : memref<400x128xf32, #tpu.memory_space<vmem_shared>>) target_semaphore(%run_scoped3A : memref<!tpu.dma_semaphore, #tpu.memory_space<semaphore_mem>>)
        %dma_wait3A = arith.constant 9600 : i32
        %dma_wait3A_255 = arith.constant 0 : i32
        %dma_wait3A_256 = tpu.memref_slice %arg13[%dma_wait3A, %dma_wait3A_255] : memref<10240x128xf32, #tpu.memory_space<vmem_shared>> -> memref<400x128xf32, #tpu.memory_space<vmem_shared>>
        %dma_wait3A_257 = arith.constant 9600 : i32
        %dma_wait3A_258 = arith.constant 0 : i32
        %dma_wait3A_259 = tpu.memref_slice %arg2[%dma_wait3A_257, %dma_wait3A_258] : memref<10000x128xf32, #tpu.memory_space<hbm>> -> memref<400x128xf32, #tpu.memory_space<hbm>>
        tpu.wait_dma2 semaphore(%run_scoped3A : memref<!tpu.dma_semaphore, #tpu.memory_space<semaphore_mem>>) src(%dma_wait3A_259 : memref<400x128xf32, #tpu.memory_space<hbm>>) dst(%dma_wait3A_256 : memref<400x128xf32, #tpu.memory_space<vmem_shared>>)
        tpu.yield
      }) : () -> ()
      "tpu.region"() ({
        %run_scoped3A = tpu.sem_alloc : memref<!tpu.dma_semaphore, #tpu.memory_space<semaphore_mem>>
        %dma_start3A_249 = arith.constant 10000 : i32
        %dma_start3A_250 = arith.constant 0 : i32
        %dma_start3A_251 = tpu.memref_slice %arg13[%dma_start3A_249, %dma_start3A_250] : memref<10240x128xf32, #tpu.memory_space<vmem_shared>> -> memref<240x128xf32, #tpu.memory_space<vmem_shared>>
        %dma_start3A_252 = arith.constant 0 : i32
        %dma_start3A_253 = arith.constant 0 : i32
        %dma_start3A_254 = tpu.memref_slice %arg4[%dma_start3A_252, %dma_start3A_253] : memref<640x128xf32, #tpu.memory_space<hbm>> -> memref<240x128xf32, #tpu.memory_space<hbm>>
        tpu.enqueue_dma source(%dma_start3A_254 : memref<240x128xf32, #tpu.memory_space<hbm>>) target(%dma_start3A_251 : memref<240x128xf32, #tpu.memory_space<vmem_shared>>) target_semaphore(%run_scoped3A : memref<!tpu.dma_semaphore, #tpu.memory_space<semaphore_mem>>)
        %dma_wait3A = arith.constant 10000 : i32
        %dma_wait3A_255 = arith.constant 0 : i32
        %dma_wait3A_256 = tpu.memref_slice %arg13[%dma_wait3A, %dma_wait3A_255] : memref<10240x128xf32, #tpu.memory_space<vmem_shared>> -> memref<240x128xf32, #tpu.memory_space<vmem_shared>>
        %dma_wait3A_257 = arith.constant 0 : i32
        %dma_wait3A_258 = arith.constant 0 : i32
        %dma_wait3A_259 = tpu.memref_slice %arg4[%dma_wait3A_257, %dma_wait3A_258] : memref<640x128xf32, #tpu.memory_space<hbm>> -> memref<240x128xf32, #tpu.memory_space<hbm>>
        tpu.wait_dma2 semaphore(%run_scoped3A : memref<!tpu.dma_semaphore, #tpu.memory_space<semaphore_mem>>) src(%dma_wait3A_259 : memref<240x128xf32, #tpu.memory_space<hbm>>) dst(%dma_wait3A_256 : memref<240x128xf32, #tpu.memory_space<vmem_shared>>)
        tpu.yield
      }) : () -> ()
    } else {
    }
    %eq3A_234 = arith.constant 1 : i32
    %eq3A_235 = arith.cmpi eq, %arg0, %eq3A_234 : i32
    %convert_element_type3A_236 = arith.extui %eq3A_235 : i1 to i32
    %cond3A_237 = arith.constant 0 : i32
    %cond3A_238 = arith.cmpi ne, %convert_element_type3A_236, %cond3A_237 : i32
    scf.if %cond3A_238 {
      %mul3A_249 = arith.constant 640 : i32
      %mul3A_250 = arith.muli %arg1, %mul3A_249 : i32
      "tpu.region"() ({
        %run_scoped3A = tpu.sem_alloc : memref<!tpu.dma_semaphore, #tpu.memory_space<semaphore_mem>>
        %dma_start3A_251 = arith.constant 0 : i32
        %dma_start3A_252 = tpu.memref_slice %arg13[%mul3A_250, %dma_start3A_251] : memref<10240x128xf32, #tpu.memory_space<vmem_shared>> -> memref<640x128xf32, #tpu.memory_space<vmem_shared>>
        tpu.enqueue_dma source(%arg4 : memref<640x128xf32, #tpu.memory_space<hbm>>) target(%dma_start3A_252 : memref<640x128xf32, #tpu.memory_space<vmem_shared>>) target_semaphore(%run_scoped3A : memref<!tpu.dma_semaphore, #tpu.memory_space<semaphore_mem>>)
        %dma_wait3A = arith.constant 0 : i32
        %dma_wait3A_253 = tpu.memref_slice %arg13[%mul3A_250, %dma_wait3A] : memref<10240x128xf32, #tpu.memory_space<vmem_shared>> -> memref<640x128xf32, #tpu.memory_space<vmem_shared>>
        tpu.wait_dma2 semaphore(%run_scoped3A : memref<!tpu.dma_semaphore, #tpu.memory_space<semaphore_mem>>) src(%arg4 : memref<640x128xf32, #tpu.memory_space<hbm>>) dst(%dma_wait3A_253 : memref<640x128xf32, #tpu.memory_space<vmem_shared>>)
        tpu.yield
      }) : () -> ()
    } else {
    }
    %barrier3A = arith.constant 0 : index
    tpu.barrier barrier_id(%barrier3A)
    %scan3A = arith.constant 0 : i32
    %scan3A_239 = arith.constant 0 : i32
    %scan3A_240 = arith.constant 64 : i32
    %scan3A_241 = arith.addi %scan3A_239, %scan3A_240 : i32
    %scan3A_242 = arith.constant 1 : i32
    scf.for %scan3A_249 = %scan3A_239 to %scan3A_241 step %scan3A_242  : i32 {
      %mul3A_250 = arith.constant 2 : i32
      %mul3A_251 = arith.muli %mul3A_250, %scan3A_249 : i32
      %dma_wait3A = arith.constant 0 : i32
      %dma_wait3A_252 = arith.constant 0 : i32
      %dma_wait3A_253 = tpu.memref_slice %arg2[%dma_wait3A, %dma_wait3A_252] : memref<10000x128xf32, #tpu.memory_space<hbm>> -> memref<10000x128xf32, #tpu.memory_space<hbm>>
      tpu.wait_indirect_dma semaphore(%arg14 : memref<!tpu.dma_semaphore, #tpu.memory_space<semaphore_mem>>) src(%dma_wait3A_253 : memref<10000x128xf32, #tpu.memory_space<hbm>>) dst(%arg11 : memref<80x128xf32, #tpu.memory_space<vmem>>)
      "tpu.region"() ({
        %run_scoped3A = tpu.sem_alloc : memref<!tpu.dma_semaphore, #tpu.memory_space<semaphore_mem>>
        %dma_start3A_267 = arith.constant 0 : i32
        %dma_start3A_268 = arith.constant 0 : i32
        %dma_start3A_269 = tpu.memref_slice %arg13[%dma_start3A_267, %dma_start3A_268] : memref<10240x128xf32, #tpu.memory_space<vmem_shared>> -> memref<10240x128xf32, #tpu.memory_space<vmem_shared>>
        tpu.enqueue_indirect_dma source(%arg11 : memref<80x128xf32, #tpu.memory_space<vmem>>) target(%dma_start3A_269 : memref<10240x128xf32, #tpu.memory_space<vmem_shared>>) offsets(%arg8 : memref<80xi32, #tpu.memory_space<vmem>>) semaphore(%run_scoped3A : memref<!tpu.dma_semaphore, #tpu.memory_space<semaphore_mem>>) {add = true}
        %dma_wait3A_270 = arith.constant 0 : i32
        %dma_wait3A_271 = arith.constant 0 : i32
        %dma_wait3A_272 = tpu.memref_slice %arg13[%dma_wait3A_270, %dma_wait3A_271] : memref<10240x128xf32, #tpu.memory_space<vmem_shared>> -> memref<10240x128xf32, #tpu.memory_space<vmem_shared>>
        tpu.wait_indirect_dma semaphore(%run_scoped3A : memref<!tpu.dma_semaphore, #tpu.memory_space<semaphore_mem>>) src(%arg11 : memref<80x128xf32, #tpu.memory_space<vmem>>) dst(%dma_wait3A_272 : memref<10240x128xf32, #tpu.memory_space<vmem_shared>>)
        tpu.yield
      }) : () -> ()
      %lt3A_254 = arith.constant 63 : i32
      %lt3A_255 = arith.cmpi slt, %scan3A_249, %lt3A_254 : i32
      %convert_element_type3A_256 = arith.extui %lt3A_255 : i1 to i32
      %cond3A_257 = arith.constant 0 : i32
      %cond3A_258 = arith.cmpi ne, %convert_element_type3A_256, %cond3A_257 : i32
      scf.if %cond3A_258 {
        %add3A_267 = arith.constant 2 : i32
        %add3A_268 = arith.addi %mul3A_251, %add3A_267 : i32
        %get3A_269 = arith.index_cast %add3A_268 : i32 to index
        %get3A_270 = arith.constant 0 : index
        %get3A_271 = tpu.vector_load %arg6[%get3A_269, %get3A_270] {strides = array<i32>} : memref<128x80xi32, #tpu.memory_space<vmem>>, vector<1x16xi32>,
        %get3A_272 = vector.shape_cast %get3A_271 : vector<1x16xi32> to vector<16xi32>
        %and3A_273 = arith.constant 65535 : i32
        %and3A_274 = vector.broadcast %and3A_273 : i32 to vector<16xi32>
        %and3A_275 = arith.andi %get3A_272, %and3A_274 : vector<16xi32>
        %add3A_276 = arith.constant 0 : i32
        %add3A_277 = vector.broadcast %add3A_276 : i32 to vector<16xi32>
        %add3A_278 = arith.addi %and3A_275, %add3A_277 : vector<16xi32>
        %swap3A_279 = arith.constant 0 : index
        %swap3A_280 = tpu.vector_load %arg7[%swap3A_279] {strides = array<i32>} : memref<80xi32, #tpu.memory_space<vmem>>, vector<16xi32>,
        %swap3A_281 = vector.shape_cast %swap3A_280 : vector<16xi32> to vector<16xi32>
        %swap3A_282 = vector.shape_cast %add3A_278 : vector<16xi32> to vector<16xi32>
        tpu.vector_store %arg7[%swap3A_279], %swap3A_282 {strides = array<i32>} : memref<80xi32, #tpu.memory_space<vmem>>, vector<16xi32>,
        %shift_right_arithmetic3A_283 = arith.constant 16 : i32
        %shift_right_arithmetic3A_284 = vector.broadcast %shift_right_arithmetic3A_283 : i32 to vector<16xi32>
        %shift_right_arithmetic3A_285 = arith.shrsi %get3A_272, %shift_right_arithmetic3A_284 : vector<16xi32>
        %swap3A_286 = arith.constant 0 : index
        %swap3A_287 = tpu.vector_load %arg8[%swap3A_286] {strides = array<i32>} : memref<80xi32, #tpu.memory_space<vmem>>, vector<16xi32>,
        %swap3A_288 = vector.shape_cast %swap3A_287 : vector<16xi32> to vector<16xi32>
        %swap3A_289 = vector.shape_cast %shift_right_arithmetic3A_285 : vector<16xi32> to vector<16xi32>
        tpu.vector_store %arg8[%swap3A_286], %swap3A_289 {strides = array<i32>} : memref<80xi32, #tpu.memory_space<vmem>>, vector<16xi32>,
        %get3A_290 = arith.index_cast %add3A_268 : i32 to index
        %get3A_291 = arith.constant 16 : index
        %get3A_292 = tpu.vector_load %arg6[%get3A_290, %get3A_291] {strides = array<i32>} : memref<128x80xi32, #tpu.memory_space<vmem>>, vector<1x16xi32>,
        %get3A_293 = vector.shape_cast %get3A_292 : vector<1x16xi32> to vector<16xi32>
        %and3A_294 = arith.constant 65535 : i32
        %and3A_295 = vector.broadcast %and3A_294 : i32 to vector<16xi32>
        %and3A_296 = arith.andi %get3A_293, %and3A_295 : vector<16xi32>
        %add3A_297 = arith.constant 0 : i32
        %add3A_298 = vector.broadcast %add3A_297 : i32 to vector<16xi32>
        %add3A_299 = arith.addi %and3A_296, %add3A_298 : vector<16xi32>
        %swap3A_300 = arith.constant 16 : index
        %swap3A_301 = tpu.vector_load %arg7[%swap3A_300] {strides = array<i32>} : memref<80xi32, #tpu.memory_space<vmem>>, vector<16xi32>,
        %swap3A_302 = vector.shape_cast %swap3A_301 : vector<16xi32> to vector<16xi32>
        %swap3A_303 = vector.shape_cast %add3A_299 : vector<16xi32> to vector<16xi32>
        tpu.vector_store %arg7[%swap3A_300], %swap3A_303 {strides = array<i32>} : memref<80xi32, #tpu.memory_space<vmem>>, vector<16xi32>,
        %shift_right_arithmetic3A_304 = arith.constant 16 : i32
        %shift_right_arithmetic3A_305 = vector.broadcast %shift_right_arithmetic3A_304 : i32 to vector<16xi32>
        %shift_right_arithmetic3A_306 = arith.shrsi %get3A_293, %shift_right_arithmetic3A_305 : vector<16xi32>
        %swap3A_307 = arith.constant 16 : index
        %swap3A_308 = tpu.vector_load %arg8[%swap3A_307] {strides = array<i32>} : memref<80xi32, #tpu.memory_space<vmem>>, vector<16xi32>,
        %swap3A_309 = vector.shape_cast %swap3A_308 : vector<16xi32> to vector<16xi32>
        %swap3A_310 = vector.shape_cast %shift_right_arithmetic3A_306 : vector<16xi32> to vector<16xi32>
        tpu.vector_store %arg8[%swap3A_307], %swap3A_310 {strides = array<i32>} : memref<80xi32, #tpu.memory_space<vmem>>, vector<16xi32>,
        %get3A_311 = arith.index_cast %add3A_268 : i32 to index
        %get3A_312 = arith.constant 32 : index
        %get3A_313 = tpu.vector_load %arg6[%get3A_311, %get3A_312] {strides = array<i32>} : memref<128x80xi32, #tpu.memory_space<vmem>>, vector<1x16xi32>,
        %get3A_314 = vector.shape_cast %get3A_313 : vector<1x16xi32> to vector<16xi32>
        %and3A_315 = arith.constant 65535 : i32
        %and3A_316 = vector.broadcast %and3A_315 : i32 to vector<16xi32>
        %and3A_317 = arith.andi %get3A_314, %and3A_316 : vector<16xi32>
        %add3A_318 = arith.constant 0 : i32
        %add3A_319 = vector.broadcast %add3A_318 : i32 to vector<16xi32>
        %add3A_320 = arith.addi %and3A_317, %add3A_319 : vector<16xi32>
        %swap3A_321 = arith.constant 32 : index
        %swap3A_322 = tpu.vector_load %arg7[%swap3A_321] {strides = array<i32>} : memref<80xi32, #tpu.memory_space<vmem>>, vector<16xi32>,
        %swap3A_323 = vector.shape_cast %swap3A_322 : vector<16xi32> to vector<16xi32>
        %swap3A_324 = vector.shape_cast %add3A_320 : vector<16xi32> to vector<16xi32>
        tpu.vector_store %arg7[%swap3A_321], %swap3A_324 {strides = array<i32>} : memref<80xi32, #tpu.memory_space<vmem>>, vector<16xi32>,
        %shift_right_arithmetic3A_325 = arith.constant 16 : i32
        %shift_right_arithmetic3A_326 = vector.broadcast %shift_right_arithmetic3A_325 : i32 to vector<16xi32>
        %shift_right_arithmetic3A_327 = arith.shrsi %get3A_314, %shift_right_arithmetic3A_326 : vector<16xi32>
        %swap3A_328 = arith.constant 32 : index
        %swap3A_329 = tpu.vector_load %arg8[%swap3A_328] {strides = array<i32>} : memref<80xi32, #tpu.memory_space<vmem>>, vector<16xi32>,
        %swap3A_330 = vector.shape_cast %swap3A_329 : vector<16xi32> to vector<16xi32>
        %swap3A_331 = vector.shape_cast %shift_right_arithmetic3A_327 : vector<16xi32> to vector<16xi32>
        tpu.vector_store %arg8[%swap3A_328], %swap3A_331 {strides = array<i32>} : memref<80xi32, #tpu.memory_space<vmem>>, vector<16xi32>,
        %get3A_332 = arith.index_cast %add3A_268 : i32 to index
        %get3A_333 = arith.constant 48 : index
        %get3A_334 = tpu.vector_load %arg6[%get3A_332, %get3A_333] {strides = array<i32>} : memref<128x80xi32, #tpu.memory_space<vmem>>, vector<1x16xi32>,
        %get3A_335 = vector.shape_cast %get3A_334 : vector<1x16xi32> to vector<16xi32>
        %and3A_336 = arith.constant 65535 : i32
        %and3A_337 = vector.broadcast %and3A_336 : i32 to vector<16xi32>
        %and3A_338 = arith.andi %get3A_335, %and3A_337 : vector<16xi32>
        %add3A_339 = arith.constant 0 : i32
        %add3A_340 = vector.broadcast %add3A_339 : i32 to vector<16xi32>
        %add3A_341 = arith.addi %and3A_338, %add3A_340 : vector<16xi32>
        %swap3A_342 = arith.constant 48 : index
        %swap3A_343 = tpu.vector_load %arg7[%swap3A_342] {strides = array<i32>} : memref<80xi32, #tpu.memory_space<vmem>>, vector<16xi32>,
        %swap3A_344 = vector.shape_cast %swap3A_343 : vector<16xi32> to vector<16xi32>
        %swap3A_345 = vector.shape_cast %add3A_341 : vector<16xi32> to vector<16xi32>
        tpu.vector_store %arg7[%swap3A_342], %swap3A_345 {strides = array<i32>} : memref<80xi32, #tpu.memory_space<vmem>>, vector<16xi32>,
        %shift_right_arithmetic3A_346 = arith.constant 16 : i32
        %shift_right_arithmetic3A_347 = vector.broadcast %shift_right_arithmetic3A_346 : i32 to vector<16xi32>
        %shift_right_arithmetic3A_348 = arith.shrsi %get3A_335, %shift_right_arithmetic3A_347 : vector<16xi32>
        %swap3A_349 = arith.constant 48 : index
        %swap3A_350 = tpu.vector_load %arg8[%swap3A_349] {strides = array<i32>} : memref<80xi32, #tpu.memory_space<vmem>>, vector<16xi32>,
        %swap3A_351 = vector.shape_cast %swap3A_350 : vector<16xi32> to vector<16xi32>
        %swap3A_352 = vector.shape_cast %shift_right_arithmetic3A_348 : vector<16xi32> to vector<16xi32>
        tpu.vector_store %arg8[%swap3A_349], %swap3A_352 {strides = array<i32>} : memref<80xi32, #tpu.memory_space<vmem>>, vector<16xi32>,
        %get3A_353 = arith.index_cast %add3A_268 : i32 to index
        %get3A_354 = arith.constant 64 : index
        %get3A_355 = tpu.vector_load %arg6[%get3A_353, %get3A_354] {strides = array<i32>} : memref<128x80xi32, #tpu.memory_space<vmem>>, vector<1x16xi32>,
        %get3A_356 = vector.shape_cast %get3A_355 : vector<1x16xi32> to vector<16xi32>
        %and3A_357 = arith.constant 65535 : i32
        %and3A_358 = vector.broadcast %and3A_357 : i32 to vector<16xi32>
        %and3A_359 = arith.andi %get3A_356, %and3A_358 : vector<16xi32>
        %add3A_360 = arith.constant 0 : i32
        %add3A_361 = vector.broadcast %add3A_360 : i32 to vector<16xi32>
        %add3A_362 = arith.addi %and3A_359, %add3A_361 : vector<16xi32>
        %swap3A_363 = arith.constant 64 : index
        %swap3A_364 = tpu.vector_load %arg7[%swap3A_363] {strides = array<i32>} : memref<80xi32, #tpu.memory_space<vmem>>, vector<16xi32>,
        %swap3A_365 = vector.shape_cast %swap3A_364 : vector<16xi32> to vector<16xi32>
        %swap3A_366 = vector.shape_cast %add3A_362 : vector<16xi32> to vector<16xi32>
        tpu.vector_store %arg7[%swap3A_363], %swap3A_366 {strides = array<i32>} : memref<80xi32, #tpu.memory_space<vmem>>, vector<16xi32>,
        %shift_right_arithmetic3A_367 = arith.constant 16 : i32
        %shift_right_arithmetic3A_368 = vector.broadcast %shift_right_arithmetic3A_367 : i32 to vector<16xi32>
        %shift_right_arithmetic3A_369 = arith.shrsi %get3A_356, %shift_right_arithmetic3A_368 : vector<16xi32>
        %swap3A_370 = arith.constant 64 : index
        %swap3A_371 = tpu.vector_load %arg8[%swap3A_370] {strides = array<i32>} : memref<80xi32, #tpu.memory_space<vmem>>, vector<16xi32>,
        %swap3A_372 = vector.shape_cast %swap3A_371 : vector<16xi32> to vector<16xi32>
        %swap3A_373 = vector.shape_cast %shift_right_arithmetic3A_369 : vector<16xi32> to vector<16xi32>
        tpu.vector_store %arg8[%swap3A_370], %swap3A_373 {strides = array<i32>} : memref<80xi32, #tpu.memory_space<vmem>>, vector<16xi32>,
        %dma_start3A_374 = arith.constant 0 : i32
        %dma_start3A_375 = arith.constant 0 : i32
        %dma_start3A_376 = tpu.memref_slice %arg2[%dma_start3A_374, %dma_start3A_375] : memref<10000x128xf32, #tpu.memory_space<hbm>> -> memref<10000x128xf32, #tpu.memory_space<hbm>>
        tpu.enqueue_indirect_dma source(%dma_start3A_376 : memref<10000x128xf32, #tpu.memory_space<hbm>>) target(%arg11 : memref<80x128xf32, #tpu.memory_space<vmem>>) offsets(%arg7 : memref<80xi32, #tpu.memory_space<vmem>>) semaphore(%arg14 : memref<!tpu.dma_semaphore, #tpu.memory_space<semaphore_mem>>)
      } else {
      }
      %dma_wait3A_259 = arith.constant 0 : i32
      %dma_wait3A_260 = arith.constant 0 : i32
      %dma_wait3A_261 = tpu.memref_slice %arg2[%dma_wait3A_259, %dma_wait3A_260] : memref<10000x128xf32, #tpu.memory_space<hbm>> -> memref<10000x128xf32, #tpu.memory_space<hbm>>
      tpu.wait_indirect_dma semaphore(%arg15 : memref<!tpu.dma_semaphore, #tpu.memory_space<semaphore_mem>>) src(%dma_wait3A_261 : memref<10000x128xf32, #tpu.memory_space<hbm>>) dst(%arg12 : memref<80x128xf32, #tpu.memory_space<vmem>>)
      "tpu.region"() ({
        %run_scoped3A = tpu.sem_alloc : memref<!tpu.dma_semaphore, #tpu.memory_space<semaphore_mem>>
        %dma_start3A_267 = arith.constant 0 : i32
        %dma_start3A_268 = arith.constant 0 : i32
        %dma_start3A_269 = tpu.memref_slice %arg13[%dma_start3A_267, %dma_start3A_268] : memref<10240x128xf32, #tpu.memory_space<vmem_shared>> -> memref<10240x128xf32, #tpu.memory_space<vmem_shared>>
        tpu.enqueue_indirect_dma source(%arg12 : memref<80x128xf32, #tpu.memory_space<vmem>>) target(%dma_start3A_269 : memref<10240x128xf32, #tpu.memory_space<vmem_shared>>) offsets(%arg10 : memref<80xi32, #tpu.memory_space<vmem>>) semaphore(%run_scoped3A : memref<!tpu.dma_semaphore, #tpu.memory_space<semaphore_mem>>) {add = true}
        %dma_wait3A_270 = arith.constant 0 : i32
        %dma_wait3A_271 = arith.constant 0 : i32
        %dma_wait3A_272 = tpu.memref_slice %arg13[%dma_wait3A_270, %dma_wait3A_271] : memref<10240x128xf32, #tpu.memory_space<vmem_shared>> -> memref<10240x128xf32, #tpu.memory_space<vmem_shared>>
        tpu.wait_indirect_dma semaphore(%run_scoped3A : memref<!tpu.dma_semaphore, #tpu.memory_space<semaphore_mem>>) src(%arg12 : memref<80x128xf32, #tpu.memory_space<vmem>>) dst(%dma_wait3A_272 : memref<10240x128xf32, #tpu.memory_space<vmem_shared>>)
        tpu.yield
      }) : () -> ()
      %lt3A_262 = arith.constant 63 : i32
      %lt3A_263 = arith.cmpi slt, %scan3A_249, %lt3A_262 : i32
      %convert_element_type3A_264 = arith.extui %lt3A_263 : i1 to i32
      %cond3A_265 = arith.constant 0 : i32
      %cond3A_266 = arith.cmpi ne, %convert_element_type3A_264, %cond3A_265 : i32
      scf.if %cond3A_266 {
        %add3A_267 = arith.constant 3 : i32
        %add3A_268 = arith.addi %mul3A_251, %add3A_267 : i32
        %get3A_269 = arith.index_cast %add3A_268 : i32 to index
        %get3A_270 = arith.constant 0 : index
        %get3A_271 = tpu.vector_load %arg6[%get3A_269, %get3A_270] {strides = array<i32>} : memref<128x80xi32, #tpu.memory_space<vmem>>, vector<1x16xi32>,
        %get3A_272 = vector.shape_cast %get3A_271 : vector<1x16xi32> to vector<16xi32>
        %and3A_273 = arith.constant 65535 : i32
        %and3A_274 = vector.broadcast %and3A_273 : i32 to vector<16xi32>
        %and3A_275 = arith.andi %get3A_272, %and3A_274 : vector<16xi32>
        %add3A_276 = arith.constant 0 : i32
        %add3A_277 = vector.broadcast %add3A_276 : i32 to vector<16xi32>
        %add3A_278 = arith.addi %and3A_275, %add3A_277 : vector<16xi32>
        %swap3A_279 = arith.constant 0 : index
        %swap3A_280 = tpu.vector_load %arg9[%swap3A_279] {strides = array<i32>} : memref<80xi32, #tpu.memory_space<vmem>>, vector<16xi32>,
        %swap3A_281 = vector.shape_cast %swap3A_280 : vector<16xi32> to vector<16xi32>
        %swap3A_282 = vector.shape_cast %add3A_278 : vector<16xi32> to vector<16xi32>
        tpu.vector_store %arg9[%swap3A_279], %swap3A_282 {strides = array<i32>} : memref<80xi32, #tpu.memory_space<vmem>>, vector<16xi32>,
        %shift_right_arithmetic3A_283 = arith.constant 16 : i32
        %shift_right_arithmetic3A_284 = vector.broadcast %shift_right_arithmetic3A_283 : i32 to vector<16xi32>
        %shift_right_arithmetic3A_285 = arith.shrsi %get3A_272, %shift_right_arithmetic3A_284 : vector<16xi32>
        %swap3A_286 = arith.constant 0 : index
        %swap3A_287 = tpu.vector_load %arg10[%swap3A_286] {strides = array<i32>} : memref<80xi32, #tpu.memory_space<vmem>>, vector<16xi32>,
        %swap3A_288 = vector.shape_cast %swap3A_287 : vector<16xi32> to vector<16xi32>
        %swap3A_289 = vector.shape_cast %shift_right_arithmetic3A_285 : vector<16xi32> to vector<16xi32>
        tpu.vector_store %arg10[%swap3A_286], %swap3A_289 {strides = array<i32>} : memref<80xi32, #tpu.memory_space<vmem>>, vector<16xi32>,
        %get3A_290 = arith.index_cast %add3A_268 : i32 to index
        %get3A_291 = arith.constant 16 : index
        %get3A_292 = tpu.vector_load %arg6[%get3A_290, %get3A_291] {strides = array<i32>} : memref<128x80xi32, #tpu.memory_space<vmem>>, vector<1x16xi32>,
        %get3A_293 = vector.shape_cast %get3A_292 : vector<1x16xi32> to vector<16xi32>
        %and3A_294 = arith.constant 65535 : i32
        %and3A_295 = vector.broadcast %and3A_294 : i32 to vector<16xi32>
        %and3A_296 = arith.andi %get3A_293, %and3A_295 : vector<16xi32>
        %add3A_297 = arith.constant 0 : i32
        %add3A_298 = vector.broadcast %add3A_297 : i32 to vector<16xi32>
        %add3A_299 = arith.addi %and3A_296, %add3A_298 : vector<16xi32>
        %swap3A_300 = arith.constant 16 : index
        %swap3A_301 = tpu.vector_load %arg9[%swap3A_300] {strides = array<i32>} : memref<80xi32, #tpu.memory_space<vmem>>, vector<16xi32>,
        %swap3A_302 = vector.shape_cast %swap3A_301 : vector<16xi32> to vector<16xi32>
        %swap3A_303 = vector.shape_cast %add3A_299 : vector<16xi32> to vector<16xi32>
        tpu.vector_store %arg9[%swap3A_300], %swap3A_303 {strides = array<i32>} : memref<80xi32, #tpu.memory_space<vmem>>, vector<16xi32>,
        %shift_right_arithmetic3A_304 = arith.constant 16 : i32
        %shift_right_arithmetic3A_305 = vector.broadcast %shift_right_arithmetic3A_304 : i32 to vector<16xi32>
        %shift_right_arithmetic3A_306 = arith.shrsi %get3A_293, %shift_right_arithmetic3A_305 : vector<16xi32>
        %swap3A_307 = arith.constant 16 : index
        %swap3A_308 = tpu.vector_load %arg10[%swap3A_307] {strides = array<i32>} : memref<80xi32, #tpu.memory_space<vmem>>, vector<16xi32>,
        %swap3A_309 = vector.shape_cast %swap3A_308 : vector<16xi32> to vector<16xi32>
        %swap3A_310 = vector.shape_cast %shift_right_arithmetic3A_306 : vector<16xi32> to vector<16xi32>
        tpu.vector_store %arg10[%swap3A_307], %swap3A_310 {strides = array<i32>} : memref<80xi32, #tpu.memory_space<vmem>>, vector<16xi32>,
        %get3A_311 = arith.index_cast %add3A_268 : i32 to index
        %get3A_312 = arith.constant 32 : index
        %get3A_313 = tpu.vector_load %arg6[%get3A_311, %get3A_312] {strides = array<i32>} : memref<128x80xi32, #tpu.memory_space<vmem>>, vector<1x16xi32>,
        %get3A_314 = vector.shape_cast %get3A_313 : vector<1x16xi32> to vector<16xi32>
        %and3A_315 = arith.constant 65535 : i32
        %and3A_316 = vector.broadcast %and3A_315 : i32 to vector<16xi32>
        %and3A_317 = arith.andi %get3A_314, %and3A_316 : vector<16xi32>
        %add3A_318 = arith.constant 0 : i32
        %add3A_319 = vector.broadcast %add3A_318 : i32 to vector<16xi32>
        %add3A_320 = arith.addi %and3A_317, %add3A_319 : vector<16xi32>
        %swap3A_321 = arith.constant 32 : index
        %swap3A_322 = tpu.vector_load %arg9[%swap3A_321] {strides = array<i32>} : memref<80xi32, #tpu.memory_space<vmem>>, vector<16xi32>,
        %swap3A_323 = vector.shape_cast %swap3A_322 : vector<16xi32> to vector<16xi32>
        %swap3A_324 = vector.shape_cast %add3A_320 : vector<16xi32> to vector<16xi32>
        tpu.vector_store %arg9[%swap3A_321], %swap3A_324 {strides = array<i32>} : memref<80xi32, #tpu.memory_space<vmem>>, vector<16xi32>,
        %shift_right_arithmetic3A_325 = arith.constant 16 : i32
        %shift_right_arithmetic3A_326 = vector.broadcast %shift_right_arithmetic3A_325 : i32 to vector<16xi32>
        %shift_right_arithmetic3A_327 = arith.shrsi %get3A_314, %shift_right_arithmetic3A_326 : vector<16xi32>
        %swap3A_328 = arith.constant 32 : index
        %swap3A_329 = tpu.vector_load %arg10[%swap3A_328] {strides = array<i32>} : memref<80xi32, #tpu.memory_space<vmem>>, vector<16xi32>,
        %swap3A_330 = vector.shape_cast %swap3A_329 : vector<16xi32> to vector<16xi32>
        %swap3A_331 = vector.shape_cast %shift_right_arithmetic3A_327 : vector<16xi32> to vector<16xi32>
        tpu.vector_store %arg10[%swap3A_328], %swap3A_331 {strides = array<i32>} : memref<80xi32, #tpu.memory_space<vmem>>, vector<16xi32>,
        %get3A_332 = arith.index_cast %add3A_268 : i32 to index
        %get3A_333 = arith.constant 48 : index
        %get3A_334 = tpu.vector_load %arg6[%get3A_332, %get3A_333] {strides = array<i32>} : memref<128x80xi32, #tpu.memory_space<vmem>>, vector<1x16xi32>,
        %get3A_335 = vector.shape_cast %get3A_334 : vector<1x16xi32> to vector<16xi32>
        %and3A_336 = arith.constant 65535 : i32
        %and3A_337 = vector.broadcast %and3A_336 : i32 to vector<16xi32>
        %and3A_338 = arith.andi %get3A_335, %and3A_337 : vector<16xi32>
        %add3A_339 = arith.constant 0 : i32
        %add3A_340 = vector.broadcast %add3A_339 : i32 to vector<16xi32>
        %add3A_341 = arith.addi %and3A_338, %add3A_340 : vector<16xi32>
        %swap3A_342 = arith.constant 48 : index
        %swap3A_343 = tpu.vector_load %arg9[%swap3A_342] {strides = array<i32>} : memref<80xi32, #tpu.memory_space<vmem>>, vector<16xi32>,
        %swap3A_344 = vector.shape_cast %swap3A_343 : vector<16xi32> to vector<16xi32>
        %swap3A_345 = vector.shape_cast %add3A_341 : vector<16xi32> to vector<16xi32>
        tpu.vector_store %arg9[%swap3A_342], %swap3A_345 {strides = array<i32>} : memref<80xi32, #tpu.memory_space<vmem>>, vector<16xi32>,
        %shift_right_arithmetic3A_346 = arith.constant 16 : i32
        %shift_right_arithmetic3A_347 = vector.broadcast %shift_right_arithmetic3A_346 : i32 to vector<16xi32>
        %shift_right_arithmetic3A_348 = arith.shrsi %get3A_335, %shift_right_arithmetic3A_347 : vector<16xi32>
        %swap3A_349 = arith.constant 48 : index
        %swap3A_350 = tpu.vector_load %arg10[%swap3A_349] {strides = array<i32>} : memref<80xi32, #tpu.memory_space<vmem>>, vector<16xi32>,
        %swap3A_351 = vector.shape_cast %swap3A_350 : vector<16xi32> to vector<16xi32>
        %swap3A_352 = vector.shape_cast %shift_right_arithmetic3A_348 : vector<16xi32> to vector<16xi32>
        tpu.vector_store %arg10[%swap3A_349], %swap3A_352 {strides = array<i32>} : memref<80xi32, #tpu.memory_space<vmem>>, vector<16xi32>,
        %get3A_353 = arith.index_cast %add3A_268 : i32 to index
        %get3A_354 = arith.constant 64 : index
        %get3A_355 = tpu.vector_load %arg6[%get3A_353, %get3A_354] {strides = array<i32>} : memref<128x80xi32, #tpu.memory_space<vmem>>, vector<1x16xi32>,
        %get3A_356 = vector.shape_cast %get3A_355 : vector<1x16xi32> to vector<16xi32>
        %and3A_357 = arith.constant 65535 : i32
        %and3A_358 = vector.broadcast %and3A_357 : i32 to vector<16xi32>
        %and3A_359 = arith.andi %get3A_356, %and3A_358 : vector<16xi32>
        %add3A_360 = arith.constant 0 : i32
        %add3A_361 = vector.broadcast %add3A_360 : i32 to vector<16xi32>
        %add3A_362 = arith.addi %and3A_359, %add3A_361 : vector<16xi32>
        %swap3A_363 = arith.constant 64 : index
        %swap3A_364 = tpu.vector_load %arg9[%swap3A_363] {strides = array<i32>} : memref<80xi32, #tpu.memory_space<vmem>>, vector<16xi32>,
        %swap3A_365 = vector.shape_cast %swap3A_364 : vector<16xi32> to vector<16xi32>
        %swap3A_366 = vector.shape_cast %add3A_362 : vector<16xi32> to vector<16xi32>
        tpu.vector_store %arg9[%swap3A_363], %swap3A_366 {strides = array<i32>} : memref<80xi32, #tpu.memory_space<vmem>>, vector<16xi32>,
        %shift_right_arithmetic3A_367 = arith.constant 16 : i32
        %shift_right_arithmetic3A_368 = vector.broadcast %shift_right_arithmetic3A_367 : i32 to vector<16xi32>
        %shift_right_arithmetic3A_369 = arith.shrsi %get3A_356, %shift_right_arithmetic3A_368 : vector<16xi32>
        %swap3A_370 = arith.constant 64 : index
        %swap3A_371 = tpu.vector_load %arg10[%swap3A_370] {strides = array<i32>} : memref<80xi32, #tpu.memory_space<vmem>>, vector<16xi32>,
        %swap3A_372 = vector.shape_cast %swap3A_371 : vector<16xi32> to vector<16xi32>
        %swap3A_373 = vector.shape_cast %shift_right_arithmetic3A_369 : vector<16xi32> to vector<16xi32>
        tpu.vector_store %arg10[%swap3A_370], %swap3A_373 {strides = array<i32>} : memref<80xi32, #tpu.memory_space<vmem>>, vector<16xi32>,
        %dma_start3A_374 = arith.constant 0 : i32
        %dma_start3A_375 = arith.constant 0 : i32
        %dma_start3A_376 = tpu.memref_slice %arg2[%dma_start3A_374, %dma_start3A_375] : memref<10000x128xf32, #tpu.memory_space<hbm>> -> memref<10000x128xf32, #tpu.memory_space<hbm>>
        tpu.enqueue_indirect_dma source(%dma_start3A_376 : memref<10000x128xf32, #tpu.memory_space<hbm>>) target(%arg12 : memref<80x128xf32, #tpu.memory_space<vmem>>) offsets(%arg9 : memref<80xi32, #tpu.memory_space<vmem>>) semaphore(%arg15 : memref<!tpu.dma_semaphore, #tpu.memory_space<semaphore_mem>>)
      } else {
      }
    }
    %scan3A_243 = arith.constant 64 : i32
    %barrier3A_244 = arith.constant 0 : index
    tpu.barrier barrier_id(%barrier3A_244)
    %mul3A_245 = arith.constant 640 : i32
    %mul3A_246 = arith.muli %arg1, %mul3A_245 : i32
    %mul3A_247 = arith.constant 640 : i32
    %mul3A_248 = arith.muli %arg1, %mul3A_247 : i32
    "tpu.region"() ({
      %run_scoped3A = tpu.sem_alloc : memref<!tpu.dma_semaphore, #tpu.memory_space<semaphore_mem>>
      %dma_start3A_249 = arith.constant 0 : i32
      %dma_start3A_250 = tpu.memref_slice %arg5[%arg0, %mul3A_248, %dma_start3A_249] : memref<2x10240x128xf32, #tpu.memory_space<hbm>> -> memref<1x640x128xf32, #tpu.memory_space<hbm>>
      %dma_start3A_251 = tpu.memref_squeeze %dma_start3A_250 : memref<1x640x128xf32, #tpu.memory_space<hbm>> -> memref<640x128xf32, #tpu.memory_space<hbm>>
      %dma_start3A_252 = arith.constant 0 : i32
      %dma_start3A_253 = tpu.memref_slice %arg13[%mul3A_246, %dma_start3A_252] : memref<10240x128xf32, #tpu.memory_space<vmem_shared>> -> memref<640x128xf32, #tpu.memory_space<vmem_shared>>
      tpu.enqueue_dma source(%dma_start3A_253 : memref<640x128xf32, #tpu.memory_space<vmem_shared>>) target(%dma_start3A_251 : memref<640x128xf32, #tpu.memory_space<hbm>>) target_semaphore(%run_scoped3A : memref<!tpu.dma_semaphore, #tpu.memory_space<semaphore_mem>>)
      %dma_wait3A = arith.constant 0 : i32
      %dma_wait3A_254 = tpu.memref_slice %arg5[%arg0, %mul3A_248, %dma_wait3A] : memref<2x10240x128xf32, #tpu.memory_space<hbm>> -> memref<1x640x128xf32, #tpu.memory_space<hbm>>
      %dma_wait3A_255 = tpu.memref_squeeze %dma_wait3A_254 : memref<1x640x128xf32, #tpu.memory_space<hbm>> -> memref<640x128xf32, #tpu.memory_space<hbm>>
      %dma_wait3A_256 = arith.constant 0 : i32
      %dma_wait3A_257 = tpu.memref_slice %arg13[%mul3A_246, %dma_wait3A_256] : memref<10240x128xf32, #tpu.memory_space<vmem_shared>> -> memref<640x128xf32, #tpu.memory_space<vmem_shared>>
      tpu.wait_dma2 semaphore(%run_scoped3A : memref<!tpu.dma_semaphore, #tpu.memory_space<semaphore_mem>>) src(%dma_wait3A_257 : memref<640x128xf32, #tpu.memory_space<vmem_shared>>) dst(%dma_wait3A_255 : memref<640x128xf32, #tpu.memory_space<hbm>>)
      tpu.yield
    }) : () -> ()
    return
  }
}

module attributes {stable_mosaic.version = 14 : i64} {
  func.func @body(%arg0: i32, %arg1: memref<5000x128xf32, #tpu.memory_space<vmem>>, %arg2: memref<128x128xf32, #tpu.memory_space<vmem>>, %arg3: memref<5000x128xf32, #tpu.memory_space<vmem>>) attributes {dimension_semantics = [#tpu.dimension_semantics<arbitrary>], iteration_bounds = array<i64: 2>, scalar_prefetch = 0 : i64, scratch_operands = 0 : i64, tpu.core_type = #tpu.core_type<tc>, window_params = [{transform_indices = @transform_0, window_bounds = array<i64: 5000, 128>}, {pipeline_mode = #tpu.pipeline_mode<synchronous>, transform_indices = @transform_1, window_bounds = array<i64: 128, 128>}, {transform_indices = @transform_2, window_bounds = array<i64: 5000, 128>}]} {
    %get3A = arith.constant 0 : index
    %get3A_0 = arith.constant 0 : index
    %get3A_1 = vector.load %arg1[%get3A, %get3A_0] : memref<5000x128xf32, #tpu.memory_space<vmem>>, vector<5000x128xf32>
    %get3A_2 = arith.constant 0 : index
    %get3A_3 = arith.constant 0 : index
    %get3A_4 = vector.load %arg2[%get3A_2, %get3A_3] : memref<128x128xf32, #tpu.memory_space<vmem>>, vector<128x128xf32>
    %dot_general3A = arith.constant dense<0.000000e+00> : vector<5000x128xf32>
    %dot_general3A_5 = tpu.matmul %get3A_1, %get3A_4, %dot_general3A {dimension_numbers = #tpu.dot_dimension_numbers<[1], [0], [0], [1], [0, 0, 1, 1], [], []>, transpose_lhs_hint = false} : vector<5000x128xf32>, vector<128x128xf32>, vector<5000x128xf32> -> vector<5000x128xf32>
    %swap3A = arith.constant 0 : index
    %swap3A_6 = arith.constant 0 : index
    %swap3A_7 = vector.load %arg3[%swap3A, %swap3A_6] : memref<5000x128xf32, #tpu.memory_space<vmem>>, vector<5000x128xf32>
    tpu.vector_store %arg3[%swap3A, %swap3A_6], %dot_general3A_5 {strides = array<i32>} : memref<5000x128xf32, #tpu.memory_space<vmem>>, vector<5000x128xf32>,
    return
  }
  func.func @transform_0(%arg0: i32) -> (i32, i32) {
    %c0_i32 = arith.constant 0 : i32
    %c0_i32_0 = arith.constant 0 : i32
    return %arg0, %c0_i32 : i32, i32
  }
  func.func @transform_1(%arg0: i32) -> (i32, i32) {
    %c0_i32 = arith.constant 0 : i32
    %c0_i32_0 = arith.constant 0 : i32
    %c0_i32_1 = arith.constant 0 : i32
    return %c0_i32, %c0_i32_0 : i32, i32
  }
  func.func @transform_2(%arg0: i32) -> (i32, i32) {
    %c0_i32 = arith.constant 0 : i32
    %c0_i32_0 = arith.constant 0 : i32
    return %arg0, %c0_i32 : i32, i32
  }
}

module attributes {stable_mosaic.version = 14 : i64} {
  func.func @body(%arg0: i32, %arg1: memref<5000x128xf32, #tpu.memory_space<vmem>>, %arg2: memref<5000x2xf32, #tpu.memory_space<vmem>>, %arg3: memref<5000x128xf32, #tpu.memory_space<vmem>>) attributes {dimension_semantics = [#tpu.dimension_semantics<arbitrary>], iteration_bounds = array<i64: 2>, scalar_prefetch = 0 : i64, scratch_operands = 0 : i64, tpu.core_type = #tpu.core_type<tc>, window_params = [{transform_indices = @transform_0, window_bounds = array<i64: 5000, 128>}, {transform_indices = @transform_1, window_bounds = array<i64: 5000, 2>}, {transform_indices = @transform_2, window_bounds = array<i64: 5000, 128>}]} {
    %get3A = arith.constant 0 : index
    %get3A_0 = arith.constant 0 : index
    %get3A_1 = vector.load %arg2[%get3A, %get3A_0] : memref<5000x2xf32, #tpu.memory_space<vmem>>, vector<5000x1xf32>
    %get3A_2 = arith.constant 0 : index
    %get3A_3 = arith.constant 1 : index
    %get3A_4 = vector.load %arg2[%get3A_2, %get3A_3] : memref<5000x2xf32, #tpu.memory_space<vmem>>, vector<5000x1xf32>
    %add3A = arith.addf %get3A_1, %get3A_4 : vector<5000x1xf32>
    %add3A_5 = arith.constant 1.000000e+00 : f32
    %add3A_6 = vector.broadcast %add3A_5 : f32 to vector<5000x1xf32>
    %add3A_7 = arith.addf %add3A, %add3A_6 : vector<5000x1xf32>
    %rsqrt3A = math.rsqrt %add3A_7 : vector<5000x1xf32>
    %get3A_8 = arith.constant 0 : index
    %get3A_9 = arith.constant 0 : index
    %get3A_10 = vector.load %arg1[%get3A_8, %get3A_9] : memref<5000x128xf32, #tpu.memory_space<vmem>>, vector<5000x128xf32>
    %mul3A = vector.broadcast %rsqrt3A : vector<5000x1xf32> to vector<5000x128xf32>
    %mul3A_11 = arith.mulf %mul3A, %get3A_10 : vector<5000x128xf32>
    %swap3A = arith.constant 0 : index
    %swap3A_12 = arith.constant 0 : index
    %swap3A_13 = vector.load %arg3[%swap3A, %swap3A_12] : memref<5000x128xf32, #tpu.memory_space<vmem>>, vector<5000x128xf32>
    tpu.vector_store %arg3[%swap3A, %swap3A_12], %mul3A_11 {strides = array<i32>} : memref<5000x128xf32, #tpu.memory_space<vmem>>, vector<5000x128xf32>,
    return
  }
  func.func @transform_0(%arg0: i32) -> (i32, i32) {
    %c0_i32 = arith.constant 0 : i32
    %c0_i32_0 = arith.constant 0 : i32
    return %arg0, %c0_i32 : i32, i32
  }
  func.func @transform_1(%arg0: i32) -> (i32, i32) {
    %c0_i32 = arith.constant 0 : i32
    %c0_i32_0 = arith.constant 0 : i32
    return %arg0, %c0_i32 : i32, i32
  }
  func.func @transform_2(%arg0: i32) -> (i32, i32) {
    %c0_i32 = arith.constant 0 : i32
    %c0_i32_0 = arith.constant 0 : i32
    return %arg0, %c0_i32 : i32, i32
  }
}

module attributes {stable_mosaic.version = 14 : i64} {
  func.func @body(%arg0: i32, %arg1: memref<2x5000x128xf32, #tpu.memory_space<vmem>>, %arg2: memref<5000x2xf32, #tpu.memory_space<vmem>>, %arg3: memref<1x128xf32, #tpu.memory_space<vmem>>, %arg4: memref<128x128xf32, #tpu.memory_space<vmem>>, %arg5: memref<5000x128xf32, #tpu.memory_space<vmem>>) attributes {dimension_semantics = [#tpu.dimension_semantics<arbitrary>], iteration_bounds = array<i64: 2>, scalar_prefetch = 0 : i64, scratch_operands = 0 : i64, tpu.core_type = #tpu.core_type<tc>, window_params = [{transform_indices = @transform_0, window_bounds = array<i64: 2, 5000, 128>}, {transform_indices = @transform_1, window_bounds = array<i64: 5000, 2>}, {pipeline_mode = #tpu.pipeline_mode<synchronous>, transform_indices = @transform_2, window_bounds = array<i64: 1, 128>}, {pipeline_mode = #tpu.pipeline_mode<synchronous>, transform_indices = @transform_3, window_bounds = array<i64: 128, 128>}, {transform_indices = @transform_4, window_bounds = array<i64: 5000, 128>}]} {
    %get3A = arith.constant 0 : index
    %get3A_0 = arith.constant 0 : index
    %get3A_1 = vector.load %arg2[%get3A, %get3A_0] : memref<5000x2xf32, #tpu.memory_space<vmem>>, vector<5000x1xf32>
    %get3A_2 = arith.constant 0 : index
    %get3A_3 = arith.constant 1 : index
    %get3A_4 = vector.load %arg2[%get3A_2, %get3A_3] : memref<5000x2xf32, #tpu.memory_space<vmem>>, vector<5000x1xf32>
    %add3A = arith.addf %get3A_1, %get3A_4 : vector<5000x1xf32>
    %add3A_5 = arith.constant 1.000000e+00 : f32
    %add3A_6 = vector.broadcast %add3A_5 : f32 to vector<5000x1xf32>
    %add3A_7 = arith.addf %add3A, %add3A_6 : vector<5000x1xf32>
    %rsqrt3A = math.rsqrt %add3A_7 : vector<5000x1xf32>
    %get3A_8 = arith.constant 0 : index
    %get3A_9 = arith.constant 0 : index
    %get3A_10 = arith.constant 0 : index
    %get3A_11 = vector.load %arg1[%get3A_8, %get3A_9, %get3A_10] : memref<2x5000x128xf32, #tpu.memory_space<vmem>>, vector<1x5000x128xf32>
    %get3A_12 = vector.shape_cast %get3A_11 : vector<1x5000x128xf32> to vector<5000x128xf32>
    %get3A_13 = arith.constant 1 : index
    %get3A_14 = arith.constant 0 : index
    %get3A_15 = arith.constant 0 : index
    %get3A_16 = vector.load %arg1[%get3A_13, %get3A_14, %get3A_15] : memref<2x5000x128xf32, #tpu.memory_space<vmem>>, vector<1x5000x128xf32>
    %get3A_17 = vector.shape_cast %get3A_16 : vector<1x5000x128xf32> to vector<5000x128xf32>
    %add3A_18 = arith.addf %get3A_12, %get3A_17 : vector<5000x128xf32>
    %mul3A = vector.broadcast %rsqrt3A : vector<5000x1xf32> to vector<5000x128xf32>
    %mul3A_19 = arith.mulf %mul3A, %add3A_18 : vector<5000x128xf32>
    %get3A_20 = arith.constant 0 : index
    %get3A_21 = arith.constant 0 : index
    %get3A_22 = vector.load %arg3[%get3A_20, %get3A_21] : memref<1x128xf32, #tpu.memory_space<vmem>>, vector<1x128xf32>
    %add3A_23 = vector.broadcast %get3A_22 : vector<1x128xf32> to vector<5000x128xf32>
    %add3A_24 = arith.addf %mul3A_19, %add3A_23 : vector<5000x128xf32>
    %get3A_25 = arith.constant 0 : index
    %get3A_26 = arith.constant 0 : index
    %get3A_27 = vector.load %arg4[%get3A_25, %get3A_26] : memref<128x128xf32, #tpu.memory_space<vmem>>, vector<128x128xf32>
    %dot_general3A = arith.constant dense<0.000000e+00> : vector<5000x128xf32>
    %dot_general3A_28 = tpu.matmul %add3A_24, %get3A_27, %dot_general3A {dimension_numbers = #tpu.dot_dimension_numbers<[1], [0], [0], [1], [0, 0, 1, 1], [], []>, transpose_lhs_hint = false} : vector<5000x128xf32>, vector<128x128xf32>, vector<5000x128xf32> -> vector<5000x128xf32>
    %mul3A_29 = vector.broadcast %rsqrt3A : vector<5000x1xf32> to vector<5000x128xf32>
    %mul3A_30 = arith.mulf %mul3A_29, %dot_general3A_28 : vector<5000x128xf32>
    %swap3A = arith.constant 0 : index
    %swap3A_31 = arith.constant 0 : index
    %swap3A_32 = vector.load %arg5[%swap3A, %swap3A_31] : memref<5000x128xf32, #tpu.memory_space<vmem>>, vector<5000x128xf32>
    tpu.vector_store %arg5[%swap3A, %swap3A_31], %mul3A_30 {strides = array<i32>} : memref<5000x128xf32, #tpu.memory_space<vmem>>, vector<5000x128xf32>,
    return
  }
  func.func @transform_0(%arg0: i32) -> (i32, i32, i32) {
    %c0_i32 = arith.constant 0 : i32
    %c0_i32_0 = arith.constant 0 : i32
    %c0_i32_1 = arith.constant 0 : i32
    return %c0_i32, %arg0, %c0_i32_0 : i32, i32, i32
  }
  func.func @transform_1(%arg0: i32) -> (i32, i32) {
    %c0_i32 = arith.constant 0 : i32
    %c0_i32_0 = arith.constant 0 : i32
    return %arg0, %c0_i32 : i32, i32
  }
  func.func @transform_2(%arg0: i32) -> (i32, i32) {
    %c0_i32 = arith.constant 0 : i32
    %c0_i32_0 = arith.constant 0 : i32
    %c0_i32_1 = arith.constant 0 : i32
    return %c0_i32, %c0_i32_0 : i32, i32
  }
  func.func @transform_3(%arg0: i32) -> (i32, i32) {
    %c0_i32 = arith.constant 0 : i32
    %c0_i32_0 = arith.constant 0 : i32
    %c0_i32_1 = arith.constant 0 : i32
    return %c0_i32, %c0_i32_0 : i32, i32
  }
  func.func @transform_4(%arg0: i32) -> (i32, i32) {
    %c0_i32 = arith.constant 0 : i32
    %c0_i32_0 = arith.constant 0 : i32
    return %arg0, %c0_i32 : i32, i32
  }
}

module attributes {stable_mosaic.version = 14 : i64} {
  func.func @body(%arg0: i32, %arg1: memref<2x5000x128xf32, #tpu.memory_space<vmem>>, %arg2: memref<5000x2xf32, #tpu.memory_space<vmem>>, %arg3: memref<1x128xf32, #tpu.memory_space<vmem>>, %arg4: memref<1x128xf32, #tpu.memory_space<vmem>>, %arg5: memref<5000x128xf32, #tpu.memory_space<vmem>>) attributes {dimension_semantics = [#tpu.dimension_semantics<arbitrary>], iteration_bounds = array<i64: 2>, scalar_prefetch = 0 : i64, scratch_operands = 0 : i64, tpu.core_type = #tpu.core_type<tc>, window_params = [{transform_indices = @transform_0, window_bounds = array<i64: 2, 5000, 128>}, {transform_indices = @transform_1, window_bounds = array<i64: 5000, 2>}, {pipeline_mode = #tpu.pipeline_mode<synchronous>, transform_indices = @transform_2, window_bounds = array<i64: 1, 128>}, {pipeline_mode = #tpu.pipeline_mode<synchronous>, transform_indices = @transform_3, window_bounds = array<i64: 1, 128>}, {transform_indices = @transform_4, window_bounds = array<i64: 5000, 128>}]} {
    %get3A = arith.constant 0 : index
    %get3A_0 = arith.constant 0 : index
    %get3A_1 = vector.load %arg2[%get3A, %get3A_0] : memref<5000x2xf32, #tpu.memory_space<vmem>>, vector<5000x1xf32>
    %get3A_2 = arith.constant 0 : index
    %get3A_3 = arith.constant 1 : index
    %get3A_4 = vector.load %arg2[%get3A_2, %get3A_3] : memref<5000x2xf32, #tpu.memory_space<vmem>>, vector<5000x1xf32>
    %add3A = arith.addf %get3A_1, %get3A_4 : vector<5000x1xf32>
    %add3A_5 = arith.constant 1.000000e+00 : f32
    %add3A_6 = vector.broadcast %add3A_5 : f32 to vector<5000x1xf32>
    %add3A_7 = arith.addf %add3A, %add3A_6 : vector<5000x1xf32>
    %rsqrt3A = math.rsqrt %add3A_7 : vector<5000x1xf32>
    %get3A_8 = arith.constant 0 : index
    %get3A_9 = arith.constant 0 : index
    %get3A_10 = arith.constant 0 : index
    %get3A_11 = vector.load %arg1[%get3A_8, %get3A_9, %get3A_10] : memref<2x5000x128xf32, #tpu.memory_space<vmem>>, vector<1x5000x128xf32>
    %get3A_12 = vector.shape_cast %get3A_11 : vector<1x5000x128xf32> to vector<5000x128xf32>
    %get3A_13 = arith.constant 1 : index
    %get3A_14 = arith.constant 0 : index
    %get3A_15 = arith.constant 0 : index
    %get3A_16 = vector.load %arg1[%get3A_13, %get3A_14, %get3A_15] : memref<2x5000x128xf32, #tpu.memory_space<vmem>>, vector<1x5000x128xf32>
    %get3A_17 = vector.shape_cast %get3A_16 : vector<1x5000x128xf32> to vector<5000x128xf32>
    %add3A_18 = arith.addf %get3A_12, %get3A_17 : vector<5000x128xf32>
    %mul3A = vector.broadcast %rsqrt3A : vector<5000x1xf32> to vector<5000x128xf32>
    %mul3A_19 = arith.mulf %mul3A, %add3A_18 : vector<5000x128xf32>
    %get3A_20 = arith.constant 0 : index
    %get3A_21 = arith.constant 0 : index
    %get3A_22 = vector.load %arg3[%get3A_20, %get3A_21] : memref<1x128xf32, #tpu.memory_space<vmem>>, vector<1x128xf32>
    %add3A_23 = vector.broadcast %get3A_22 : vector<1x128xf32> to vector<5000x128xf32>
    %add3A_24 = arith.addf %mul3A_19, %add3A_23 : vector<5000x128xf32>
    %ge3A = arith.constant 0.000000e+00 : f32
    %ge3A_25 = vector.broadcast %ge3A : f32 to vector<5000x128xf32>
    %ge3A_26 = arith.cmpf oge, %add3A_24, %ge3A_25 : vector<5000x128xf32>
    %get3A_27 = arith.constant 0 : index
    %get3A_28 = arith.constant 0 : index
    %get3A_29 = vector.load %arg4[%get3A_27, %get3A_28] : memref<1x128xf32, #tpu.memory_space<vmem>>, vector<1x128xf32>
    %mul3A_30 = vector.broadcast %get3A_29 : vector<1x128xf32> to vector<5000x128xf32>
    %mul3A_31 = arith.mulf %mul3A_30, %add3A_24 : vector<5000x128xf32>
    %select_n3A = arith.select %ge3A_26, %add3A_24, %mul3A_31 : vector<5000x128xi1>, vector<5000x128xf32>
    %swap3A = arith.constant 0 : index
    %swap3A_32 = arith.constant 0 : index
    %swap3A_33 = vector.load %arg5[%swap3A, %swap3A_32] : memref<5000x128xf32, #tpu.memory_space<vmem>>, vector<5000x128xf32>
    tpu.vector_store %arg5[%swap3A, %swap3A_32], %select_n3A {strides = array<i32>} : memref<5000x128xf32, #tpu.memory_space<vmem>>, vector<5000x128xf32>,
    return
  }
  func.func @transform_0(%arg0: i32) -> (i32, i32, i32) {
    %c0_i32 = arith.constant 0 : i32
    %c0_i32_0 = arith.constant 0 : i32
    %c0_i32_1 = arith.constant 0 : i32
    return %c0_i32, %arg0, %c0_i32_0 : i32, i32, i32
  }
  func.func @transform_1(%arg0: i32) -> (i32, i32) {
    %c0_i32 = arith.constant 0 : i32
    %c0_i32_0 = arith.constant 0 : i32
    return %arg0, %c0_i32 : i32, i32
  }
  func.func @transform_2(%arg0: i32) -> (i32, i32) {
    %c0_i32 = arith.constant 0 : i32
    %c0_i32_0 = arith.constant 0 : i32
    %c0_i32_1 = arith.constant 0 : i32
    return %c0_i32, %c0_i32_0 : i32, i32
  }
  func.func @transform_3(%arg0: i32) -> (i32, i32) {
    %c0_i32 = arith.constant 0 : i32
    %c0_i32_0 = arith.constant 0 : i32
    %c0_i32_1 = arith.constant 0 : i32
    return %c0_i32, %c0_i32_0 : i32, i32
  }
  func.func @transform_4(%arg0: i32) -> (i32, i32) {
    %c0_i32 = arith.constant 0 : i32
    %c0_i32_0 = arith.constant 0 : i32
    return %arg0, %c0_i32 : i32, i32
  }
}

</mosaic_0001>

<sc_bundles>
// kernel: kernel.12.cloned.1.call-start
scs
__scs_entry_jumppad:
0x0: {  	(pc) =	sbr.rel $0x88, $3  }
0x1: {  	(tag) =	ssettag $0x0;
	lr =	simm.s32 $0x1  }
0x2: {  	[smem:$0x3F9A] =	sst lr;
	_ =	strace $0xD0000000  }
0x3: {  	_ = 	snop  }
0x4: {  	_ = 	snop  }
0x5: {  	_ = 	snop  }
0x6: {  	_ = 	snop  }
0x7: {  	_ = 	snop  }
__scs_overlays_trampoline_lowered:
0x8: {  	[smem:$0x3FA9] =	sst s0  }
0x9: {  	[smem:$0x3FAA] =	sst s1  }
0xa: {  	[smem:$0x3FAB] =	sst s2  }
0xb: {  	[smem:$0x3FAC] =	sst s3  }
0xc: {  	[smem:$0x3FAD] =	sst s4  }
0xd: {  	[smem:$0x3FAE] =	sst s5  }
0xe: {  	[smem:$0x3FAF] =	sst s6  }
0xf: {  	[smem:$0x3FB0] =	sst s7  }
0x10: {  	[smem:$0x3FB1] =	sst s8  }
0x11: {  	[smem:$0x3FB2] =	sst s9;
	s0 =	simm.s32 @!p0 $0x0  }
0x12: {  	s1 =	sld [smem:$0x3F98];
	s0 =	simm.s32 @p0 $0x1  }
0x13: {  	[smem:$0x3FB3] =	sst s0;
	s0 =	simm.s32 @!p1 $0x0  }
0x14: {  	s2 =	sld [smem:$0x3F97];
	s0 =	simm.s32 @p1 $0x1  }
0x15: {  	[smem:$0x3FB4] =	sst s0;
	s0 =	simm.s32 @!p2 $0x0  }
0x16: {  	s3 =	sld [smem:$0x3FDB];
	s0 =	simm.s32 @p2 $0x1  }
0x17: {  	s4 =	simm.s32 $0x1BF5;
	[smem:$0x3FB6] =	sst s0  }
0x18: {  	s0 =	sld [smem:$0x3F99];
	_ =	swait.ge [sflag:s4], $0x0  }
0x19: {  	s7 =	sld [smem:$0x3F9A]  }
0x1a: {  	s8 =	sadd.s32 $0xFFFFE003, lr  }
0x1b: {  	s9 =	sadd.s32 $0xFFFFFEF7, lr;
	s5 =	simm.s32 $0xFFFFFFFF;
	p2 =	slt.u32 s8, $0xFFFFF086  }
0x1c: {  	p1 =	slt.u32 s9, $0xF7A;
	s5 =	simm.s32 @!p2 $0x0  }
0x1d: {  	s5 =	simm.s32 @p1 $0x1;
	p0 =	seq.s32 s7, s2  }
0x1e: {  	s7 =	smul.u32 @!p0 $0xF7A, s2;
	p2 =	seq.s32 @!p0 s5, $0x0  }
0x1f: {  	s9 =	smul.u32 $0xF7A, s1;
	s8 =	simm.s32 @!p0 $0x1BF5;
	p2 =	por !p2, p0  }
0x20: {  	[sflag:s8] =	ssyncset.s32 @!p0 $0xFFFFF086;
	s6 =	sadd.s32 @!p0 s3, s7;
	s7 =	simm.s32 @!p0 $0x108  }
0x21: {  	s3 =	sadd.s32 s3, s9;
	s6 =	sadd.s32 @!p0 $0x88, s6;
	s7 =	simm.s32 @p2 $0x1082  }
0x22: {  	[simem:s7], [sflag:s8] =	dma.local @!p0 [hbm:s6], $0xF7A  }
0x23: {  	s9 =	sor.u32 $0xD0000000, s2;
	s6 =	simm.s32 $0x108;
	_ =	swait.ge @!p0 [sflag:s8], $0x0  }
0x24: {  	s3 =	sadd.s32 $0x88, s3;
	s6 =	simm.s32 @!p1 $0x1082;
	[sflag:s4] =	ssyncset.s32 $0xFFFFF086  }
0x25: {  	[simem:s6], [sflag:s4] =	dma.local [hbm:s3], $0xF7A  }
0x26: {  	[smem:$0x3F9A] =	sst s1;
	(tag) =	ssettag s2;
	_ =	strace s9  }
0x27: {  	s1 =	sld [smem:$0x3FAA]  }
0x28: {  	s2 =	sld [smem:$0x3FAB]  }
0x29: {  	s4 =	sld [smem:$0x3FAD]  }
0x2a: {  	p0 =	seq.s32 s5, $0x0;
	s5 =	sld [smem:$0x3FAE]  }
0x2b: {  	s6 =	sld [smem:$0x3FAF]  }
0x2c: {  	s7 =	sld [smem:$0x3FB0]  }
0x2d: {  	s3 =	simm.s32 $0x108;
	s8 =	sld [smem:$0x3FB1]  }
0x2e: {  	s3 =	simm.s32 @!p0 $0x1082;
	s9 =	sld [smem:$0x3FB2]  }
0x2f: {  	lr =	sadd.s32 s0, s3;
	s0 =	sld [smem:$0x3FA9]  }
0x30: {  	s3 =	sld [smem:$0x3FAC]  }
0x31: {  	[smem:$0x3FB5] =	sst s10  }
0x32: {  	s10 =	sld [smem:$0x3FB3];
	_ =	sdelay $0x3  }
0x33: {  	p0 =	seq.s32 s10, $0x1;
	s10 =	sld [smem:$0x3FB5];
	_ =	sdelay $0x3  }
0x34: {  	[smem:$0x3FB5] =	sst s10  }
0x35: {  	s10 =	sld [smem:$0x3FB4];
	_ =	sdelay $0x3  }
0x36: {  	p1 =	seq.s32 s10, $0x1;
	s10 =	sld [smem:$0x3FB5];
	_ =	sdelay $0x3  }
0x37: {  	[smem:$0x3FB5] =	sst s10  }
0x38: {  	s10 =	sld [smem:$0x3FB6]  }
0x39: {  	_ = 	snop;
	(pc) =	sbr.ind lr, $3  }
0x3a: {  	_ = 	snop  }
0x3b: {  	_ = 	snop  }
0x3c: {  	p2 =	seq.s32 s10, $0x1;
	s10 =	sld [smem:$0x3FB5]  }
0x3d: {  	_ =	shalt  }
0x3e: {  	_ =	shalt  }
0x3f: {  	_ =	shalt  }
0x40: {  	_ =	shalt  }
0x41: {  	_ =	shalt  }
0x42: {  	_ =	shalt  }
0x43: {  	_ =	shalt  }
0x44: {  	_ =	shalt  }
0x45: {  	_ =	shalt  }
0x46: {  	_ =	shalt  }
0x47: {  	_ =	shalt  }
0x48: {  	_ =	shalt  }
0x49: {  	_ =	shalt  }
0x4a: {  	_ =	shalt  }
0x4b: {  	_ =	shalt  }
0x4c: {  	_ =	shalt  }
0x4d: {  	_ =	shalt  }
0x4e: {  	_ =	shalt  }
0x4f: {  	_ =	shalt  }
0x50: {  	_ =	shalt  }
0x51: {  	_ =	shalt  }
0x52: {  	_ =	shalt  }
0x53: {  	_ =	shalt  }
0x54: {  	_ =	shalt  }
0x55: {  	_ =	shalt  }
0x56: {  	_ =	shalt  }
0x57: {  	_ =	shalt  }
0x58: {  	_ =	shalt  }
0x59: {  	_ =	shalt  }
0x5a: {  	_ =	shalt  }
0x5b: {  	_ =	shalt  }
0x5c: {  	_ =	shalt  }
0x5d: {  	_ =	shalt  }
0x5e: {  	_ =	shalt  }
0x5f: {  	_ =	shalt  }
0x60: {  	_ =	shalt  }
0x61: {  	_ =	shalt  }
0x62: {  	_ =	shalt  }
0x63: {  	_ =	shalt  }
0x64: {  	_ =	shalt  }
0x65: {  	_ =	shalt  }
0x66: {  	_ =	shalt  }
0x67: {  	_ =	shalt  }
0x68: {  	_ =	shalt  }
0x69: {  	_ =	shalt  }
0x6a: {  	_ =	shalt  }
0x6b: {  	_ =	shalt  }
0x6c: {  	_ =	shalt  }
0x6d: {  	_ =	shalt  }
0x6e: {  	_ =	shalt  }
0x6f: {  	_ =	shalt  }
0x70: {  	_ =	shalt  }
0x71: {  	_ =	shalt  }
0x72: {  	_ =	shalt  }
0x73: {  	_ =	shalt  }
0x74: {  	_ =	shalt  }
0x75: {  	_ =	shalt  }
0x76: {  	_ =	shalt  }
0x77: {  	_ =	shalt  }
0x78: {  	_ =	shalt  }
0x79: {  	_ =	shalt  }
0x7a: {  	_ =	shalt  }
0x7b: {  	_ =	shalt  }
0x7c: {  	_ =	shalt  }
0x7d: {  	_ =	shalt  }
0x7e: {  	_ =	shalt  }
0x7f: {  	_ =	shalt  }
0x80: {  	_ =	shalt  }
0x81: {  	_ =	shalt  }
0x82: {  	_ =	shalt  }
0x83: {  	_ =	shalt  }
0x84: {  	_ =	shalt  }
0x85: {  	_ =	shalt  }
0x86: {  	_ =	shalt  }
0x87: {  	_ =	shalt  }
.Lfunc_end0:
.L_simem_size_0:
called_computation.1_lowered:
.L_overlay_start_0:
0x88: {  	s2 =	sld [smem:$0x3FD9]  }
0x89: {  	s3 =	sld [smem:$0x3FFE];
	_ =	sdelay $0x1  }
0x8a: {  	s1 =	srdreg.scid  }
0x8b: {  	s0 =	sand.u32 $0x1, s1  }
0x8c: {  	s17 =	sshll.u32 s0, $0xA;
	s2 =	sadd.s32 s3, s2  }
0x8d: {  	s2 =	sadd.s32 s2, s17  }
0x8e: {  	[smem:$0x3FC1] =	sst s2  }
0x8f: {  	_ = 	snop  }
0x90: {  	s2 =	sld [smem:$0x3FD0];
	(tm) =	ssettm $0x1  }
0x91: {  	s18 =	sld [smem:$0x3FFB];
	_ =	sdelay $0x3  }
0x92: {  	_ =	strace s18  }
0x93: {  	s3 =	sld [smem:$0x3FFC];
	_ =	sdelay $0x3  }
0x94: {  	_ =	strace s3  }
0x95: {  	s3 =	sld [smem:$0x3FFD];
	_ =	sdelay $0x3  }
0x96: {  	_ =	strace s3  }
0x97: {  	_ =	strace $0x8FFFFFFF  }
0x98: {  	s19 =	sld [smem:$0x3FDB];
	_ =	sdelay $0x1  }
0x99: {  	s4 =	simm.s32 $_scs_section_size  }
0x9a: {  	s5 =	simm.s32 $_size__tile_overlayer_lowered;
	s6 =	simm.s32 $_tile_overlayer_lowered  }
0x9b: {  	s22 =	simm.s32 $0x1BFF;
	s21 =	sshll.u32 s6, $0x1;
	s3 =	sadd.s32 s4, s19  }
0x9c: {  	s7 =	simm.s32 $0x0;
	s20 =	sshll.u32 s5, $0x1;
	s5 =	sadd.s32 s21, s3  }
0x9d: {  	[timem:s7], [sflag:s22] =	dma.local [hbm:s5], s20  }
0x9e: {  	_ =	swait.ge [sflag:s22], s20  }
0x9f: {  	s4 =	ssub.s32 $0x0, s20;
	[sflag:s22] =	ssyncset.done $0x0  }
0xa0: {  	[sflag:s22] =	ssyncadd.s32 s4;
	_ =	sdelay $0x1  }
0xa1: {  	s23 =	simm.s32 $0x1B8B  }
0xa2: {  	_ =	swait.ge [sflag:s23], $0x1  }
0xa3: {  	[sflag:s23] =	ssyncset.done $0x0  }
0xa4: {  	s25 =	simm.s32 $0x1B8E;
	s24 =	sld [smem:$0x3FFE];
	[sflag:s23] =	ssyncadd.s32 $0xFFFFFFFF  }
0xa5: {  	s26 =	simm.s32 $execute0_lowered;
	[smem:$0x3FD2] =	sst s25  }
0xa6: {  	s5 =	sshll.u32 s26, $0x1;
	_ =	strace $0x80000049;
	[dreg:$0x1] =	wrdreg $0xFFFFFFFF  }
0xa7: {  	s28 =	simm.s32 $_size_execute0_lowered;
	s3 =	sadd.s32 s3, s5;
	[dreg:$0x0] =	wrdreg $0x0  }
0xa8: {  	s5 =	sshll.u32 s28, $0x1;
	[dreg:$0x2] =	wrdreg s3  }
0xa9: {  	[dreg:$0x3] =	wrdreg s5  }
0xaa: {  	[dreg:$0x4] =	wrdreg $0xC0  }
0xab: {  	_ =	task [dreg:s7], $0x5FFFF  }
0xac: {  	[dreg:$0x1] =	wrdreg $0xFFFFFFFF  }
0xad: {  	[dreg:$0x0] =	wrdreg $0x60  }
0xae: {  	[dreg:$0x2] =	wrdreg s2  }
0xaf: {  	[dreg:$0x3] =	wrdreg s24  }
0xb0: {  	[dreg:$0x4] =	wrdreg $0x92000  }
0xb1: {  	[dreg:$0x5] =	wrdreg $0x9  }
0xb2: {  	_ =	task.clear_ibuf [dreg:s7], $0x6FFFF;
	_ =	strace $0x90000049  }
0xb3: {  	s29 =	simm.s32 $0x9;
	_ =	strace $0x8000004B  }
0xb4: {  	_ =	swait.ge [sflag:s29], $0x1  }
0xb5: {  	[sflag:s29] =	ssyncadd.s32 $0xFFFFFFFF  }
0xb6: {  	_ =	strace $0x9000004B  }
0xb7: {  	_ =	sfence  }
0xb8: {  	s30 =	sld [smem:$0x0];
	_ =	sdelay $0x2  }
0xb9: {  	s31 =	sshll.u32 s1, $0xD;
	s1 =	sshrl.u32 s1, $0x2  }
0xba: {  	s3 =	sand.u32 $0x4000, s31;
	s1 =	sadd.s32 s1, s30  }
0xbb: {  	s0 =	sor.u32 s3, s0;
	s1 =	sshll.u32 s1, $0x11  }
0xbc: {  	s0 =	sor.u32 s1, s0  }
0xbd: {  	s0 =	sadd.s32 $0x8F2B, s0  }
0xbe: {  	[sflag:s0] =	ssyncadd.remote.s32 $0x1  }
0xbf: {  	_ =	sfence.sel $0xFFFF  }
0xc0: {  	[dreg:$0x0] =	wrdreg $0xFFFFFFFF;
	(pc) =	sbr.abs _section_cstart, $3  }
0xc1: {  	[dreg:$0x1] =	wrdreg $0xFFFFFFFF  }
0xc2: {  	_ =	task.clear_ibuf [dreg:s7], $0x2FFFF;
	_ =	strace $0x9FFFFFFF  }
0xc3: {  	(tm) =	ssettm $0x7FFFFFFF  }
tec
execute0_lowered:
.L_overlay_start_1:
0x0: {  	(tag) =	ssettag $0x1  }
0x1: {  	s1 =	rddreg [dreg:$0x0]  }
0x2: {  	s6 =	rddreg [dreg:$0x1]  }
0x3: {  	s2 =	rddreg [dreg:$0x2]  }
0x4: {  	s3 =	srdreg.scid;
	s0 =	rddreg [dreg:$0x3]  }
0x5: {  	s4 =	simm.s32 $0x0;
	s14 =	simm.s32 $0x4000;
	s15 =	simm.s32 $0x4200  }
0x6: {  	s16 =	simm.s32 $0x4100;
	s17 =	simm.s32 $0x6A00;
	s24 =	simm.s32 $0x1  }
0x7: {  	s28 =	simm.s32 $0x4180;
	s29 =	simm.s32 $0x0;
	s10 =	sand.u32 $0x1, s3  }
0x8: {  	s3 =	stileid.u32;
	[smem:$0x7FF] =	sst s4;
	s20 =	sadd.s32 $0x12C000, s2  }
0x9: {  	s21 =	sadd.s32 $0x138800, s2;
	s7 =	smul.u32 $0x140000, s10;
	s5 =	sshll.u32 s3, $0xB  }
0xa: {  	s8 =	smul.u32 $0x14000, s3;
	_ =	strace $0x8000004A;
	s25 =	ssub.s32 $0x2, s10  }
0xb: {  	s12 =	sshll.u32 s10, $0xF;
	p1 =	seq.s32 s10, $0x0;
	s30 =	smul.u32 $0x50000, s3  }
0xc: {  	p0 =	sne.s32 s3, $0xF;
	p2 =	seq.s32 s3, $0xF;
	s31 =	smul.u32 $0x2800, s3  }
0xd: {  	s9 =	sadd.s32 s5, s6;
	s5 =	sadd.s32 $0x12E00, s6;
	s11 =	sshrl.u32 s25, $0x1  }
0xe: {  	p0 =	por !p1, !p0;
	p1 =	por !p1, !p2;
	s7 =	sadd.s32 s8, s7  }
0xf: {  	s11 =	ssub.s32 s25, s11;
	s26 =	sadd.s32 s12, s9;
	p0 =	por !p0, !p0  }
0x10: {  	p2 =	por !p1, !p1;
	s8 =	sadd.s32 $0x25800, s1;
	s9 =	sadd.s32 s1, s31  }
0x11: {  	s12 =	simm.s32 $0x3;
	s25 =	simm.s32 $0x4080;
	s7 =	sshrl.u32 s7, $0x3  }
0x12: {  	p1 =	por p2, p0;
	s11 =	smax.u32 s11, $0x1;
	s22 =	sshll.u32 @p0 s3, $0x6  }
0x13: {  	s13 =	sadd.s32 s7, s6;
	s6 =	sadd.s32 $0x2E00, s26;
	s7 =	sshrl.u32 s30, $0x2  }
0x14: {  	p1 =	seq.s32 @!p1 s10, $0x0;
	s22 =	sor.u32 @p0 $0x1C03, s22;
	s26 =	simm.s32 $0x2  }
0x15: {  	s7 =	sadd.s32 s7, s2;
	s10 =	sadd.s32 $0x15600, s13;
	p1 =	por @!p0 p1, p2  }
0x16: {  	s13 =	simm.s32 $0x50;
	p2 =	por !p2, p0;
	p1 =	por p1, p0  }
0x17: {  	s20 =	sshrl.u32 @!p2 s20, $0x3;
	s21 =	sshrl.u32 @!p2 s21, $0x3;
	s18 =	sshll.u32 @!p1 s3, $0x6  }
0x18: {  	s23 =	sshrl.u32 @p0 s7, $0x3;
	s19 =	sshrl.u32 @!p1 s7, $0x3;
	s18 =	sor.u32 @!p1 $0x1C03, s18  }
.LBB2_1:
0x19: {  	[tilespmem:s4], [sflag:$0x3] =	stream.linear.gather [hbm4b:s6+s4], $0x4000, $0x38;
	[tilespmem:$0x1D200] =	vst v63  }
0x1a: {  	_ =	swait.ge [sflag:s12], $0x4000  }
0x1b: {  	[sflag:s12] =	ssyncset.done $0x0  }
0x1c: {  	[sflag:s12] =	ssyncadd.s32 $0xFFFFC000  }
0x1d: {  	v0 =	vld [tilespmem:$0x0];
	_ =	sdelay $0x1  }
0x1e: {  	v1 =	vld [tilespmem:$0x10];
	_ =	sdelay $0x1  }
0x1f: {  	v2 =	vld [tilespmem:$0x20]  }
0x20: {  	v3 =	vand.u32 $0xFFFF, v0  }
0x21: {  	v0 =	vshra.s32 v0, $0x10;
	[tilespmem:$0x4000] =	vst v3;
	v3 =	vld [tilespmem:$0x30]  }
0x22: {  	[tilespmem:$0x4080] =	vst v0;
	v0 =	vand.u32 $0xFFFF, v1  }
0x23: {  	[tilespmem:$0x4010] =	vst v0;
	v0 =	vshra.s32 v1, $0x10;
	v1 =	vld [tilespmem:$0x40]  }
0x24: {  	[tilespmem:$0x4090] =	vst v0;
	v0 =	vand.u32 $0xFFFF, v2  }
0x25: {  	[tilespmem:$0x4020] =	vst v0;
	v0 =	vshra.s32 v2, $0x10  }
0x26: {  	[tilespmem:$0x40A0] =	vst v0;
	v0 =	vand.u32 $0xFFFF, v3  }
0x27: {  	[tilespmem:$0x4030] =	vst v0;
	v0 =	vshra.s32 v3, $0x10  }
0x28: {  	[tilespmem:$0x40B0] =	vst v0;
	v0 =	vand.u32 $0xFFFF, v1  }
0x29: {  	[tilespmem:$0x4040] =	vst v0;
	v0 =	vshra.s32 v1, $0x10  }
0x2a: {  	[tilespmem:$0x40C0] =	vst v0  }
0x2b: {  	[tilespmem:s15], [sflag:$0x1] =	stream.indirect.gather [hbm4b:s1+s13], $0x80, s14, s13, $0xb8;
	[tilespmem:$0x1D200] =	vst v63  }
0x2c: {  	v0 =	vld [tilespmem:$0x80];
	_ =	sdelay $0x1  }
0x2d: {  	v1 =	vld [tilespmem:$0x90];
	_ =	sdelay $0x1  }
0x2e: {  	v2 =	vld [tilespmem:$0xA0]  }
0x2f: {  	v3 =	vand.u32 $0xFFFF, v0  }
0x30: {  	v0 =	vshra.s32 v0, $0x10;
	[tilespmem:$0x4100] =	vst v3;
	v3 =	vld [tilespmem:$0xB0]  }
0x31: {  	[tilespmem:$0x4180] =	vst v0;
	v0 =	vand.u32 $0xFFFF, v1  }
0x32: {  	[tilespmem:$0x4110] =	vst v0;
	v0 =	vshra.s32 v1, $0x10;
	v1 =	vld [tilespmem:$0xC0]  }
0x33: {  	[tilespmem:$0x4190] =	vst v0;
	v0 =	vand.u32 $0xFFFF, v2  }
0x34: {  	[tilespmem:$0x4120] =	vst v0;
	v0 =	vshra.s32 v2, $0x10  }
0x35: {  	[tilespmem:$0x41A0] =	vst v0;
	v0 =	vand.u32 $0xFFFF, v3  }
0x36: {  	[tilespmem:$0x4130] =	vst v0;
	v0 =	vshra.s32 v3, $0x10  }
0x37: {  	[tilespmem:$0x41B0] =	vst v0;
	v0 =	vand.u32 $0xFFFF, v1  }
0x38: {  	[tilespmem:$0x4140] =	vst v0;
	v0 =	vshra.s32 v1, $0x10  }
0x39: {  	s30 =	simm.s32 @!p1 $0x3;
	[tilespmem:$0x41C0] =	vst v0  }
0x3a: {  	[tilespmem:s17], [sflag:$0x2] =	stream.indirect.gather [hbm4b:s1+s13], $0x80, s16, s13, $0xb8;
	[tilespmem:$0x1D200] =	vst v63  }
0x3b: {  	[spmem:s19], [sflag:s18] =	dma.local @!p1 [hbm:s5], $0x2800  }
0x3c: {  	_ =	swait.ge @!p1 [sflag:s30], $0x2800  }
0x3d: {  	[sflag:s30] =	ssyncset.done @!p1 $0x0  }
0x3e: {  	s31 =	simm.s32 @!p2 $0x3;
	[sflag:s30] =	ssyncadd.s32 @!p1 $0xFFFFD800;
	s30 =	simm.s32 @!p2 $0x1FC3  }
0x3f: {  	[spmem:s20], [sflag:s30] =	dma.local @!p2 [hbm:s8], $0x1900  }
0x40: {  	_ =	swait.ge @!p2 [sflag:s31], $0x1900  }
0x41: {  	[sflag:s31] =	ssyncset.done @!p2 $0x0  }
0x42: {  	[sflag:s31] =	ssyncadd.s32 @!p2 $0xFFFFE700  }
0x43: {  	[spmem:s21], [sflag:s30] =	dma.local @!p2 [hbm:s5], $0xF00  }
0x44: {  	_ =	swait.ge @!p2 [sflag:s31], $0xF00  }
0x45: {  	[sflag:s31] =	ssyncset.done @!p2 $0x0  }
0x46: {  	s30 =	simm.s32 @p0 $0x3;
	[sflag:s31] =	ssyncadd.s32 @!p2 $0xFFFFF100  }
0x47: {  	[spmem:s23], [sflag:s22] =	dma.local @p0 [hbm:s9], $0x2800  }
0x48: {  	_ =	swait.ge @p0 [sflag:s30], $0x2800  }
0x49: {  	[sflag:s30] =	ssyncset.done @p0 $0x0  }
0x4a: {  	[sflag:s30] =	ssyncadd.s32 @p0 $0xFFFFD800  }
0x4b: {  	[bflag:$0x0] =	sbarrier.arrive $0xFFFF  }
0x4c: {  	_ =	swait.ge [sflag:s24], $0x2800  }
0x4d: {  	[sflag:s24] =	ssyncset.done $0x0  }
0x4e: {  	[sflag:s24] =	ssyncadd.s32 $0xFFFFD800  }
0x4f: {  	[spmem:s2] =	stream.indirect.scatter.add.f32 [tilespmem:s15], [sflag:$0x3], $0x80, s25, s13, $0xb8;
	[tilespmem:$0x1D200] =	vst v63  }
0x50: {  	_ =	swait.ge [sflag:s12], $0x2800  }
0x51: {  	[sflag:s12] =	ssyncset.done $0x0  }
0x52: {  	s31 =	simm.s32 $0x0;
	[sflag:s12] =	ssyncadd.s32 $0xFFFFD800  }
0x53: {  	v0 =	vld [tilespmem:s31+$0x100];
	_ =	sdelay $0x4  }
0x54: {  	v1 =	vand.u32 $0xFFFF, v0  }
0x55: {  	v0 =	vshra.s32 v0, $0x10;
	[tilespmem:$0x4000] =	vst v1  }
0x56: {  	[tilespmem:$0x4080] =	vst v0  }
0x57: {  	v0 =	vld [tilespmem:s31+$0x110];
	_ =	sdelay $0x4  }
0x58: {  	v1 =	vand.u32 $0xFFFF, v0  }
0x59: {  	v0 =	vshra.s32 v0, $0x10;
	[tilespmem:$0x4010] =	vst v1  }
0x5a: {  	[tilespmem:$0x4090] =	vst v0  }
0x5b: {  	v0 =	vld [tilespmem:s31+$0x120];
	_ =	sdelay $0x4  }
0x5c: {  	v1 =	vand.u32 $0xFFFF, v0  }
0x5d: {  	v0 =	vshra.s32 v0, $0x10;
	[tilespmem:$0x4020] =	vst v1  }
0x5e: {  	[tilespmem:$0x40A0] =	vst v0  }
0x5f: {  	v0 =	vld [tilespmem:s31+$0x130];
	_ =	sdelay $0x4  }
0x60: {  	v1 =	vand.u32 $0xFFFF, v0  }
0x61: {  	v0 =	vshra.s32 v0, $0x10;
	[tilespmem:$0x4030] =	vst v1  }
0x62: {  	[tilespmem:$0x40B0] =	vst v0  }
0x63: {  	v0 =	vld [tilespmem:s31+$0x140];
	_ =	sdelay $0x4  }
0x64: {  	v1 =	vand.u32 $0xFFFF, v0  }
0x65: {  	v0 =	vshra.s32 v0, $0x10;
	[tilespmem:$0x4040] =	vst v1  }
0x66: {  	[tilespmem:$0x40C0] =	vst v0  }
0x67: {  	[tilespmem:s15], [sflag:$0x1] =	stream.indirect.gather [hbm4b:s1+s13], $0x80, s14, s13, $0xb8;
	[tilespmem:$0x1D200] =	vst v63  }
0x68: {  	_ =	swait.ge [sflag:s26], $0x2800  }
0x69: {  	[sflag:s26] =	ssyncset.done $0x0  }
0x6a: {  	[sflag:s26] =	ssyncadd.s32 $0xFFFFD800  }
0x6b: {  	[spmem:s2] =	stream.indirect.scatter.add.f32 [tilespmem:s17], [sflag:$0x3], $0x80, s28, s13, $0xb8;
	[tilespmem:$0x1D200] =	vst v63  }
0x6c: {  	_ =	swait.ge [sflag:s12], $0x2800  }
0x6d: {  	[sflag:s12] =	ssyncset.done $0x0  }
0x6e: {  	[sflag:s12] =	ssyncadd.s32 $0xFFFFD800  }
0x6f: {  	v0 =	vld [tilespmem:s31+$0x180];
	_ =	sdelay $0x4  }
0x70: {  	v1 =	vand.u32 $0xFFFF, v0  }
0x71: {  	v0 =	vshra.s32 v0, $0x10;
	[tilespmem:$0x4100] =	vst v1  }
0x72: {  	[tilespmem:$0x4180] =	vst v0  }
0x73: {  	v0 =	vld [tilespmem:s31+$0x190];
	_ =	sdelay $0x4  }
0x74: {  	v1 =	vand.u32 $0xFFFF, v0  }
0x75: {  	v0 =	vshra.s32 v0, $0x10;
	[tilespmem:$0x4110] =	vst v1  }
0x76: {  	[tilespmem:$0x4190] =	vst v0  }
0x77: {  	v0 =	vld [tilespmem:s31+$0x1A0];
	_ =	sdelay $0x4  }
0x78: {  	v1 =	vand.u32 $0xFFFF, v0  }
0x79: {  	v0 =	vshra.s32 v0, $0x10;
	[tilespmem:$0x4120] =	vst v1  }
0x7a: {  	[tilespmem:$0x41A0] =	vst v0  }
0x7b: {  	v0 =	vld [tilespmem:s31+$0x1B0];
	_ =	sdelay $0x4  }
0x7c: {  	v1 =	vand.u32 $0xFFFF, v0  }
0x7d: {  	v0 =	vshra.s32 v0, $0x10;
	[tilespmem:$0x4130] =	vst v1  }
0x7e: {  	[tilespmem:$0x41B0] =	vst v0  }
0x7f: {  	s30 =	simm.s32 $0x400;
	v0 =	vld [tilespmem:s31+$0x1C0]  }
.LBB2_2:
0x80: {  	_ =	sdelay $0x3  }
0x81: {  	p3 =	sne.s32 s30, $0xF800;
	s31 =	smov.u32 s30;
	s30 =	sadd.s32 $0x400, s30;
	v1 =	vand.u32 $0xFFFF, v0;
	v0 =	vshra.s32 v0, $0x10  }
0x82: {  	[tilespmem:$0x4140] =	vst v1  }
0x83: {  	[tilespmem:$0x41C0] =	vst v0  }
0x84: {  	[tilespmem:s17], [sflag:$0x2] =	stream.indirect.gather [hbm4b:s1+s13], $0x80, s16, s13, $0xb8;
	[tilespmem:$0x1D200] =	vst v63  }
0x85: {  	_ =	swait.ge [sflag:s24], $0x2800  }
0x86: {  	[sflag:s24] =	ssyncset.done $0x0  }
0x87: {  	[sflag:s24] =	ssyncadd.s32 $0xFFFFD800  }
0x88: {  	[spmem:s2] =	stream.indirect.scatter.add.f32 [tilespmem:s15], [sflag:$0x3], $0x80, s25, s13, $0xb8;
	[tilespmem:$0x1D200] =	vst v63  }
0x89: {  	_ =	swait.ge [sflag:s12], $0x2800  }
0x8a: {  	[sflag:s12] =	ssyncset.done $0x0  }
0x8b: {  	s31 =	sshra.s32 s31, $0x2;
	[sflag:s12] =	ssyncadd.s32 $0xFFFFD800  }
0x8c: {  	v0 =	vld [tilespmem:s31+$0x100];
	_ =	sdelay $0x4  }
0x8d: {  	v1 =	vand.u32 $0xFFFF, v0;
	v0 =	vshra.s32 v0, $0x10  }
0x8e: {  	[tilespmem:$0x4000] =	vst v1  }
0x8f: {  	[tilespmem:$0x4080] =	vst v0  }
0x90: {  	v0 =	vld [tilespmem:s31+$0x110];
	_ =	sdelay $0x4  }
0x91: {  	v1 =	vand.u32 $0xFFFF, v0;
	v0 =	vshra.s32 v0, $0x10  }
0x92: {  	[tilespmem:$0x4010] =	vst v1  }
0x93: {  	[tilespmem:$0x4090] =	vst v0  }
0x94: {  	v0 =	vld [tilespmem:s31+$0x120];
	_ =	sdelay $0x4  }
0x95: {  	v1 =	vand.u32 $0xFFFF, v0;
	v0 =	vshra.s32 v0, $0x10  }
0x96: {  	[tilespmem:$0x4020] =	vst v1  }
0x97: {  	[tilespmem:$0x40A0] =	vst v0  }
0x98: {  	v0 =	vld [tilespmem:s31+$0x130];
	_ =	sdelay $0x4  }
0x99: {  	v1 =	vand.u32 $0xFFFF, v0;
	v0 =	vshra.s32 v0, $0x10  }
0x9a: {  	[tilespmem:$0x4030] =	vst v1  }
0x9b: {  	[tilespmem:$0x40B0] =	vst v0  }
0x9c: {  	v0 =	vld [tilespmem:s31+$0x140];
	_ =	sdelay $0x4  }
0x9d: {  	v1 =	vand.u32 $0xFFFF, v0;
	v0 =	vshra.s32 v0, $0x10  }
0x9e: {  	[tilespmem:$0x4040] =	vst v1  }
0x9f: {  	[tilespmem:$0x40C0] =	vst v0  }
0xa0: {  	[tilespmem:s15], [sflag:$0x1] =	stream.indirect.gather [hbm4b:s1+s13], $0x80, s14, s13, $0xb8;
	[tilespmem:$0x1D200] =	vst v63  }
0xa1: {  	_ =	swait.ge [sflag:s26], $0x2800  }
0xa2: {  	[sflag:s26] =	ssyncset.done $0x0  }
0xa3: {  	[sflag:s26] =	ssyncadd.s32 $0xFFFFD800  }
0xa4: {  	[spmem:s2] =	stream.indirect.scatter.add.f32 [tilespmem:s17], [sflag:$0x3], $0x80, s28, s13, $0xb8;
	[tilespmem:$0x1D200] =	vst v63  }
0xa5: {  	_ =	swait.ge [sflag:s12], $0x2800  }
0xa6: {  	[sflag:s12] =	ssyncset.done $0x0  }
0xa7: {  	[sflag:s12] =	ssyncadd.s32 $0xFFFFD800  }
0xa8: {  	v0 =	vld [tilespmem:s31+$0x180];
	_ =	sdelay $0x4  }
0xa9: {  	v1 =	vand.u32 $0xFFFF, v0;
	v0 =	vshra.s32 v0, $0x10  }
0xaa: {  	[tilespmem:$0x4100] =	vst v1  }
0xab: {  	[tilespmem:$0x4180] =	vst v0  }
0xac: {  	v0 =	vld [tilespmem:s31+$0x190];
	_ =	sdelay $0x4  }
0xad: {  	v1 =	vand.u32 $0xFFFF, v0;
	v0 =	vshra.s32 v0, $0x10  }
0xae: {  	[tilespmem:$0x4110] =	vst v1  }
0xaf: {  	[tilespmem:$0x4190] =	vst v0  }
0xb0: {  	v0 =	vld [tilespmem:s31+$0x1A0];
	_ =	sdelay $0x4  }
0xb1: {  	v1 =	vand.u32 $0xFFFF, v0;
	v0 =	vshra.s32 v0, $0x10  }
0xb2: {  	[tilespmem:$0x4120] =	vst v1  }
0xb3: {  	[tilespmem:$0x41A0] =	vst v0  }
0xb4: {  	v0 =	vld [tilespmem:s31+$0x1B0];
	_ =	sdelay $0x3  }
.Ltmp0:
0xb5: {  	(pc) =	sbr.rel @p3 .LBB2_2-.Ltmp0, $4  }
0xb6: {  	v1 =	vand.u32 $0xFFFF, v0;
	v0 =	vshra.s32 v0, $0x10  }
0xb7: {  	[tilespmem:$0x4130] =	vst v1  }
0xb8: {  	[tilespmem:$0x41B0] =	vst v0  }
0xb9: {  	v0 =	vld [tilespmem:s31+$0x1C0]  }
0xba: {  	_ =	sdelay $0x3  }
0xbb: {  	v1 =	vand.u32 $0xFFFF, v0  }
0xbc: {  	v63 =	vshra.s32 v0, $0x10;
	[tilespmem:$0x4140] =	vst v1  }
0xbd: {  	[tilespmem:$0x41C0] =	vst v63  }
0xbe: {  	[tilespmem:s17], [sflag:$0x2] =	stream.indirect.gather [hbm4b:s1+s13], $0x80, s16, s13, $0xb8;
	[tilespmem:$0x1D200] =	vst v63  }
0xbf: {  	_ =	swait.ge [sflag:s24], $0x2800  }
0xc0: {  	[sflag:s24] =	ssyncset.done $0x0  }
0xc1: {  	[sflag:s24] =	ssyncadd.s32 $0xFFFFD800  }
0xc2: {  	[spmem:s2] =	stream.indirect.scatter.add.f32 [tilespmem:s15], [sflag:$0x3], $0x80, s25, s13, $0xb8;
	[tilespmem:$0x1D200] =	vst v63  }
0xc3: {  	_ =	swait.ge [sflag:s12], $0x2800  }
0xc4: {  	[sflag:s12] =	ssyncset.done $0x0  }
0xc5: {  	[sflag:s12] =	ssyncadd.s32 $0xFFFFD800  }
0xc6: {  	_ =	swait.ge [sflag:s26], $0x2800  }
0xc7: {  	[sflag:s26] =	ssyncset.done $0x0  }
0xc8: {  	[sflag:s26] =	ssyncadd.s32 $0xFFFFD800  }
0xc9: {  	[spmem:s2] =	stream.indirect.scatter.add.f32 [tilespmem:s17], [sflag:$0x3], $0x80, s28, s13, $0xb8;
	[tilespmem:$0x1D200] =	vst v63  }
0xca: {  	_ =	swait.ge [sflag:s12], $0x2800  }
0xcb: {  	s30 =	sshll.u32 s3, $0x6;
	s29 =	sadd.s32 $0x1, s29;
	[sflag:s12] =	ssyncset.done $0x0  }
0xcc: {  	s31 =	sshrl.u32 s7, $0x3;
	p3 =	sne.s32 s29, s11;
	[sflag:s12] =	ssyncadd.s32 $0xFFFFD800  }
.Ltmp1:
0xcd: {  	s30 =	sor.u32 $0x1C03, s30;
	[bflag:$0x0] =	sbarrier.arrive $0xFFFF;
	(pc) =	sbr.rel @p3 .LBB2_1-.Ltmp1, $4  }
0xce: {  	[hbm:s10], [sflag:s30] =	dma.local [spmem:s31], $0x2800  }
0xcf: {  	_ =	swait.ge [sflag:s12], $0x2800  }
0xd0: {  	[sflag:s12] =	ssyncset.done $0x0  }
0xd1: {  	[sflag:s12] =	ssyncadd.s32 $0xFFFFD800  }
0xd2: {  	_ =	sfence.sel $0x180000  }
0xd3: {  	[bflag:$0x0] =	sbarrier.arrive $0xFFFF  }
0xd4: {  	p0 =	sne.s32 s3, $0x0;
	_ =	strace $0x9000004A  }
0xd5: {  	s0 =	sadd.s32 @!p0 $0x100000, s0;
	[bflag:$0x2] =	sbarrier.arrive $0xFFFF  }
0xd6: {  	[sflag:s0] =	ssyncadd.tile.s32 @!p0 $0x1;
	_ =	shalt  }
.Lfunc_end2:
_tile_overlayer_lowered:
.L_overlay_start_2:
0xd7: {  	(tag) =	ssettag $0x2  }
0xd8: {  	s0 =	rddreg [dreg:$0x0];
	s2 =	stileid.u32  }
0xd9: {  	s1 =	rddreg [dreg:$0x1];
	p0 =	sne.s32 s2, $0x0  }
0xda: {  	s3 =	rddreg [dreg:$0x2];
	[bflag:$0x3] =	sbarrier.arrive $0xFFFF;
	s2 =	simm.s32 @!p0 $0x1C03  }
0xdb: {  	[timem:s3], [sflag:s2] =	dma.local @!p0 [hbm:s0], s1  }
0xdc: {  	s0 =	simm.s32 @!p0 $0x3  }
0xdd: {  	_ =	swait.ge @!p0 [sflag:s0], s1  }
0xde: {  	s1 =	ssub.s32 @!p0 $0x0, s1;
	[sflag:s0] =	ssyncset.done @!p0 $0x0  }
0xdf: {  	[sflag:s0] =	ssyncadd.s32 @!p0 s1  }
0xe0: {  	[bflag:$0x3] =	sbarrier.arrive $0xFFFF  }
0xe1: {  	_ =	shalt  }

// kernel: kernel.15.cloned.1.call-start
scs
__scs_entry_jumppad:
0x0: {  	(pc) =	sbr.rel $0x88, $3  }
0x1: {  	(tag) =	ssettag $0x0;
	lr =	simm.s32 $0x1  }
0x2: {  	[smem:$0x3F9A] =	sst lr;
	_ =	strace $0xD0000000  }
0x3: {  	_ = 	snop  }
0x4: {  	_ = 	snop  }
0x5: {  	_ = 	snop  }
0x6: {  	_ = 	snop  }
0x7: {  	_ = 	snop  }
__scs_overlays_trampoline_lowered:
0x8: {  	[smem:$0x3FA9] =	sst s0  }
0x9: {  	[smem:$0x3FAA] =	sst s1  }
0xa: {  	[smem:$0x3FAB] =	sst s2  }
0xb: {  	[smem:$0x3FAC] =	sst s3  }
0xc: {  	[smem:$0x3FAD] =	sst s4  }
0xd: {  	[smem:$0x3FAE] =	sst s5  }
0xe: {  	[smem:$0x3FAF] =	sst s6  }
0xf: {  	[smem:$0x3FB0] =	sst s7  }
0x10: {  	[smem:$0x3FB1] =	sst s8  }
0x11: {  	[smem:$0x3FB2] =	sst s9;
	s0 =	simm.s32 @!p0 $0x0  }
0x12: {  	s1 =	sld [smem:$0x3F98];
	s0 =	simm.s32 @p0 $0x1  }
0x13: {  	[smem:$0x3FB3] =	sst s0;
	s0 =	simm.s32 @!p1 $0x0  }
0x14: {  	s2 =	sld [smem:$0x3F97];
	s0 =	simm.s32 @p1 $0x1  }
0x15: {  	[smem:$0x3FB4] =	sst s0;
	s0 =	simm.s32 @!p2 $0x0  }
0x16: {  	s3 =	sld [smem:$0x3FDB];
	s0 =	simm.s32 @p2 $0x1  }
0x17: {  	s4 =	simm.s32 $0x1BF5;
	[smem:$0x3FB6] =	sst s0  }
0x18: {  	s0 =	sld [smem:$0x3F99];
	_ =	swait.ge [sflag:s4], $0x0  }
0x19: {  	s7 =	sld [smem:$0x3F9A]  }
0x1a: {  	s8 =	sadd.s32 $0xFFFFE003, lr  }
0x1b: {  	s9 =	sadd.s32 $0xFFFFFEF7, lr;
	s5 =	simm.s32 $0xFFFFFFFF;
	p2 =	slt.u32 s8, $0xFFFFF086  }
0x1c: {  	p1 =	slt.u32 s9, $0xF7A;
	s5 =	simm.s32 @!p2 $0x0  }
0x1d: {  	s5 =	simm.s32 @p1 $0x1;
	p0 =	seq.s32 s7, s2  }
0x1e: {  	s7 =	smul.u32 @!p0 $0xF7A, s2;
	p2 =	seq.s32 @!p0 s5, $0x0  }
0x1f: {  	s9 =	smul.u32 $0xF7A, s1;
	s8 =	simm.s32 @!p0 $0x1BF5;
	p2 =	por !p2, p0  }
0x20: {  	[sflag:s8] =	ssyncset.s32 @!p0 $0xFFFFF086;
	s6 =	sadd.s32 @!p0 s3, s7;
	s7 =	simm.s32 @!p0 $0x108  }
0x21: {  	s3 =	sadd.s32 s3, s9;
	s6 =	sadd.s32 @!p0 $0x88, s6;
	s7 =	simm.s32 @p2 $0x1082  }
0x22: {  	[simem:s7], [sflag:s8] =	dma.local @!p0 [hbm:s6], $0xF7A  }
0x23: {  	s9 =	sor.u32 $0xD0000000, s2;
	s6 =	simm.s32 $0x108;
	_ =	swait.ge @!p0 [sflag:s8], $0x0  }
0x24: {  	s3 =	sadd.s32 $0x88, s3;
	s6 =	simm.s32 @!p1 $0x1082;
	[sflag:s4] =	ssyncset.s32 $0xFFFFF086  }
0x25: {  	[simem:s6], [sflag:s4] =	dma.local [hbm:s3], $0xF7A  }
0x26: {  	[smem:$0x3F9A] =	sst s1;
	(tag) =	ssettag s2;
	_ =	strace s9  }
0x27: {  	s1 =	sld [smem:$0x3FAA]  }
0x28: {  	s2 =	sld [smem:$0x3FAB]  }
0x29: {  	s4 =	sld [smem:$0x3FAD]  }
0x2a: {  	p0 =	seq.s32 s5, $0x0;
	s5 =	sld [smem:$0x3FAE]  }
0x2b: {  	s6 =	sld [smem:$0x3FAF]  }
0x2c: {  	s7 =	sld [smem:$0x3FB0]  }
0x2d: {  	s3 =	simm.s32 $0x108;
	s8 =	sld [smem:$0x3FB1]  }
0x2e: {  	s3 =	simm.s32 @!p0 $0x1082;
	s9 =	sld [smem:$0x3FB2]  }
0x2f: {  	lr =	sadd.s32 s0, s3;
	s0 =	sld [smem:$0x3FA9]  }
0x30: {  	s3 =	sld [smem:$0x3FAC]  }
0x31: {  	[smem:$0x3FB5] =	sst s10  }
0x32: {  	s10 =	sld [smem:$0x3FB3];
	_ =	sdelay $0x3  }
0x33: {  	p0 =	seq.s32 s10, $0x1;
	s10 =	sld [smem:$0x3FB5];
	_ =	sdelay $0x3  }
0x34: {  	[smem:$0x3FB5] =	sst s10  }
0x35: {  	s10 =	sld [smem:$0x3FB4];
	_ =	sdelay $0x3  }
0x36: {  	p1 =	seq.s32 s10, $0x1;
	s10 =	sld [smem:$0x3FB5];
	_ =	sdelay $0x3  }
0x37: {  	[smem:$0x3FB5] =	sst s10  }
0x38: {  	s10 =	sld [smem:$0x3FB6]  }
0x39: {  	_ = 	snop;
	(pc) =	sbr.ind lr, $3  }
0x3a: {  	_ = 	snop  }
0x3b: {  	_ = 	snop  }
0x3c: {  	p2 =	seq.s32 s10, $0x1;
	s10 =	sld [smem:$0x3FB5]  }
0x3d: {  	_ =	shalt  }
0x3e: {  	_ =	shalt  }
0x3f: {  	_ =	shalt  }
0x40: {  	_ =	shalt  }
0x41: {  	_ =	shalt  }
0x42: {  	_ =	shalt  }
0x43: {  	_ =	shalt  }
0x44: {  	_ =	shalt  }
0x45: {  	_ =	shalt  }
0x46: {  	_ =	shalt  }
0x47: {  	_ =	shalt  }
0x48: {  	_ =	shalt  }
0x49: {  	_ =	shalt  }
0x4a: {  	_ =	shalt  }
0x4b: {  	_ =	shalt  }
0x4c: {  	_ =	shalt  }
0x4d: {  	_ =	shalt  }
0x4e: {  	_ =	shalt  }
0x4f: {  	_ =	shalt  }
0x50: {  	_ =	shalt  }
0x51: {  	_ =	shalt  }
0x52: {  	_ =	shalt  }
0x53: {  	_ =	shalt  }
0x54: {  	_ =	shalt  }
0x55: {  	_ =	shalt  }
0x56: {  	_ =	shalt  }
0x57: {  	_ =	shalt  }
0x58: {  	_ =	shalt  }
0x59: {  	_ =	shalt  }
0x5a: {  	_ =	shalt  }
0x5b: {  	_ =	shalt  }
0x5c: {  	_ =	shalt  }
0x5d: {  	_ =	shalt  }
0x5e: {  	_ =	shalt  }
0x5f: {  	_ =	shalt  }
0x60: {  	_ =	shalt  }
0x61: {  	_ =	shalt  }
0x62: {  	_ =	shalt  }
0x63: {  	_ =	shalt  }
0x64: {  	_ =	shalt  }
0x65: {  	_ =	shalt  }
0x66: {  	_ =	shalt  }
0x67: {  	_ =	shalt  }
0x68: {  	_ =	shalt  }
0x69: {  	_ =	shalt  }
0x6a: {  	_ =	shalt  }
0x6b: {  	_ =	shalt  }
0x6c: {  	_ =	shalt  }
0x6d: {  	_ =	shalt  }
0x6e: {  	_ =	shalt  }
0x6f: {  	_ =	shalt  }
0x70: {  	_ =	shalt  }
0x71: {  	_ =	shalt  }
0x72: {  	_ =	shalt  }
0x73: {  	_ =	shalt  }
0x74: {  	_ =	shalt  }
0x75: {  	_ =	shalt  }
0x76: {  	_ =	shalt  }
0x77: {  	_ =	shalt  }
0x78: {  	_ =	shalt  }
0x79: {  	_ =	shalt  }
0x7a: {  	_ =	shalt  }
0x7b: {  	_ =	shalt  }
0x7c: {  	_ =	shalt  }
0x7d: {  	_ =	shalt  }
0x7e: {  	_ =	shalt  }
0x7f: {  	_ =	shalt  }
0x80: {  	_ =	shalt  }
0x81: {  	_ =	shalt  }
0x82: {  	_ =	shalt  }
0x83: {  	_ =	shalt  }
0x84: {  	_ =	shalt  }
0x85: {  	_ =	shalt  }
0x86: {  	_ =	shalt  }
0x87: {  	_ =	shalt  }
.Lfunc_end0:
.L_simem_size_0:
called_computation.2_lowered:
.L_overlay_start_0:
0x88: {  	s2 =	sld [smem:$0x3FD9]  }
0x89: {  	s3 =	sld [smem:$0x3FFE];
	_ =	sdelay $0x1  }
0x8a: {  	s1 =	srdreg.scid  }
0x8b: {  	s0 =	sand.u32 $0x1, s1  }
0x8c: {  	s17 =	sshll.u32 s0, $0xA;
	s2 =	sadd.s32 s3, s2  }
0x8d: {  	s2 =	sadd.s32 s2, s17  }
0x8e: {  	[smem:$0x3FC1] =	sst s2  }
0x8f: {  	_ = 	snop  }
0x90: {  	s2 =	sld [smem:$0x3FD0];
	(tm) =	ssettm $0x1  }
0x91: {  	s18 =	sld [smem:$0x3FFB];
	_ =	sdelay $0x3  }
0x92: {  	_ =	strace s18  }
0x93: {  	s3 =	sld [smem:$0x3FFC];
	_ =	sdelay $0x3  }
0x94: {  	_ =	strace s3  }
0x95: {  	s3 =	sld [smem:$0x3FFD];
	_ =	sdelay $0x3  }
0x96: {  	_ =	strace s3  }
0x97: {  	_ =	strace $0x8FFFFFFF  }
0x98: {  	s19 =	sld [smem:$0x3FDB];
	_ =	sdelay $0x1  }
0x99: {  	s4 =	simm.s32 $_scs_section_size  }
0x9a: {  	s5 =	simm.s32 $_size__tile_overlayer_lowered;
	s6 =	simm.s32 $_tile_overlayer_lowered  }
0x9b: {  	s22 =	simm.s32 $0x1BFF;
	s21 =	sshll.u32 s6, $0x1;
	s3 =	sadd.s32 s4, s19  }
0x9c: {  	s7 =	simm.s32 $0x0;
	s20 =	sshll.u32 s5, $0x1;
	s5 =	sadd.s32 s21, s3  }
0x9d: {  	[timem:s7], [sflag:s22] =	dma.local [hbm:s5], s20  }
0x9e: {  	_ =	swait.ge [sflag:s22], s20  }
0x9f: {  	s4 =	ssub.s32 $0x0, s20;
	[sflag:s22] =	ssyncset.done $0x0  }
0xa0: {  	[sflag:s22] =	ssyncadd.s32 s4;
	_ =	sdelay $0x1  }
0xa1: {  	s23 =	simm.s32 $0x1B8B  }
0xa2: {  	_ =	swait.ge [sflag:s23], $0x1  }
0xa3: {  	[sflag:s23] =	ssyncset.done $0x0  }
0xa4: {  	s25 =	simm.s32 $0x1B8E;
	s24 =	sld [smem:$0x3FFE];
	[sflag:s23] =	ssyncadd.s32 $0xFFFFFFFF  }
0xa5: {  	s26 =	simm.s32 $execute0_lowered;
	[smem:$0x3FD2] =	sst s25  }
0xa6: {  	s5 =	sshll.u32 s26, $0x1;
	_ =	strace $0x8000004C;
	[dreg:$0x1] =	wrdreg $0xFFFFFFFF  }
0xa7: {  	s28 =	simm.s32 $_size_execute0_lowered;
	s3 =	sadd.s32 s3, s5;
	[dreg:$0x0] =	wrdreg $0x0  }
0xa8: {  	s5 =	sshll.u32 s28, $0x1;
	[dreg:$0x2] =	wrdreg s3  }
0xa9: {  	[dreg:$0x3] =	wrdreg s5  }
0xaa: {  	[dreg:$0x4] =	wrdreg $0xC0  }
0xab: {  	_ =	task [dreg:s7], $0x5FFFF  }
0xac: {  	[dreg:$0x1] =	wrdreg $0xFFFFFFFF  }
0xad: {  	[dreg:$0x0] =	wrdreg $0x60  }
0xae: {  	[dreg:$0x2] =	wrdreg s2  }
0xaf: {  	[dreg:$0x3] =	wrdreg s24  }
0xb0: {  	[dreg:$0x4] =	wrdreg $0x92000  }
0xb1: {  	[dreg:$0x5] =	wrdreg $0x9  }
0xb2: {  	_ =	task.clear_ibuf [dreg:s7], $0x6FFFF;
	_ =	strace $0x9000004C  }
0xb3: {  	s29 =	simm.s32 $0x9;
	_ =	strace $0x8000004E  }
0xb4: {  	_ =	swait.ge [sflag:s29], $0x1  }
0xb5: {  	[sflag:s29] =	ssyncadd.s32 $0xFFFFFFFF  }
0xb6: {  	_ =	strace $0x9000004E  }
0xb7: {  	_ =	sfence  }
0xb8: {  	s30 =	sld [smem:$0x0];
	_ =	sdelay $0x2  }
0xb9: {  	s31 =	sshll.u32 s1, $0xD;
	s1 =	sshrl.u32 s1, $0x2  }
0xba: {  	s3 =	sand.u32 $0x4000, s31;
	s1 =	sadd.s32 s1, s30  }
0xbb: {  	s0 =	sor.u32 s3, s0;
	s1 =	sshll.u32 s1, $0x11  }
0xbc: {  	s0 =	sor.u32 s1, s0  }
0xbd: {  	s0 =	sadd.s32 $0x8F2B, s0  }
0xbe: {  	[sflag:s0] =	ssyncadd.remote.s32 $0x1  }
0xbf: {  	_ =	sfence.sel $0xFFFF  }
0xc0: {  	[dreg:$0x0] =	wrdreg $0xFFFFFFFF;
	(pc) =	sbr.abs _section_cstart, $3  }
0xc1: {  	[dreg:$0x1] =	wrdreg $0xFFFFFFFF  }
0xc2: {  	_ =	task.clear_ibuf [dreg:s7], $0x2FFFF;
	_ =	strace $0x9FFFFFFF  }
0xc3: {  	(tm) =	ssettm $0x7FFFFFFF  }
tec
execute0_lowered:
.L_overlay_start_1:
0x0: {  	(tag) =	ssettag $0x1  }
0x1: {  	s1 =	rddreg [dreg:$0x0]  }
0x2: {  	s6 =	rddreg [dreg:$0x1]  }
0x3: {  	s2 =	rddreg [dreg:$0x2]  }
0x4: {  	s3 =	srdreg.scid;
	s0 =	rddreg [dreg:$0x3]  }
0x5: {  	s4 =	simm.s32 $0x0;
	s14 =	simm.s32 $0x4000;
	s15 =	simm.s32 $0x4200  }
0x6: {  	s16 =	simm.s32 $0x4100;
	s17 =	simm.s32 $0x6A00;
	s24 =	simm.s32 $0x1  }
0x7: {  	s28 =	simm.s32 $0x4180;
	s29 =	simm.s32 $0x0;
	s10 =	sand.u32 $0x1, s3  }
0x8: {  	s3 =	stileid.u32;
	[smem:$0x7FF] =	sst s4;
	s20 =	sadd.s32 $0x12C000, s2  }
0x9: {  	s21 =	sadd.s32 $0x138800, s2;
	s7 =	smul.u32 $0x140000, s10;
	s5 =	sshll.u32 s3, $0xB  }
0xa: {  	s8 =	smul.u32 $0x14000, s3;
	_ =	strace $0x8000004D;
	s25 =	ssub.s32 $0x2, s10  }
0xb: {  	s12 =	sshll.u32 s10, $0xF;
	p1 =	seq.s32 s10, $0x0;
	s30 =	smul.u32 $0x50000, s3  }
0xc: {  	p0 =	sne.s32 s3, $0xF;
	p2 =	seq.s32 s3, $0xF;
	s31 =	smul.u32 $0x2800, s3  }
0xd: {  	s9 =	sadd.s32 s5, s6;
	s5 =	sadd.s32 $0x12E00, s6;
	s11 =	sshrl.u32 s25, $0x1  }
0xe: {  	p0 =	por !p1, !p0;
	p1 =	por !p1, !p2;
	s7 =	sadd.s32 s8, s7  }
0xf: {  	s11 =	ssub.s32 s25, s11;
	s26 =	sadd.s32 s12, s9;
	p0 =	por !p0, !p0  }
0x10: {  	p2 =	por !p1, !p1;
	s8 =	sadd.s32 $0x25800, s1;
	s9 =	sadd.s32 s1, s31  }
0x11: {  	s12 =	simm.s32 $0x3;
	s25 =	simm.s32 $0x4080;
	s7 =	sshrl.u32 s7, $0x3  }
0x12: {  	p1 =	por p2, p0;
	s11 =	smax.u32 s11, $0x1;
	s22 =	sshll.u32 @p0 s3, $0x6  }
0x13: {  	s13 =	sadd.s32 s7, s6;
	s6 =	sadd.s32 $0x2E00, s26;
	s7 =	sshrl.u32 s30, $0x2  }
0x14: {  	p1 =	seq.s32 @!p1 s10, $0x0;
	s22 =	sor.u32 @p0 $0x1C03, s22;
	s26 =	simm.s32 $0x2  }
0x15: {  	s7 =	sadd.s32 s7, s2;
	s10 =	sadd.s32 $0x15600, s13;
	p1 =	por @!p0 p1, p2  }
0x16: {  	s13 =	simm.s32 $0x50;
	p2 =	por !p2, p0;
	p1 =	por p1, p0  }
0x17: {  	s20 =	sshrl.u32 @!p2 s20, $0x3;
	s21 =	sshrl.u32 @!p2 s21, $0x3;
	s18 =	sshll.u32 @!p1 s3, $0x6  }
0x18: {  	s23 =	sshrl.u32 @p0 s7, $0x3;
	s19 =	sshrl.u32 @!p1 s7, $0x3;
	s18 =	sor.u32 @!p1 $0x1C03, s18  }
.LBB2_1:
0x19: {  	[tilespmem:s4], [sflag:$0x3] =	stream.linear.gather [hbm4b:s6+s4], $0x4000, $0x38;
	[tilespmem:$0x1D200] =	vst v63  }
0x1a: {  	_ =	swait.ge [sflag:s12], $0x4000  }
0x1b: {  	[sflag:s12] =	ssyncset.done $0x0  }
0x1c: {  	[sflag:s12] =	ssyncadd.s32 $0xFFFFC000  }
0x1d: {  	v0 =	vld [tilespmem:$0x0];
	_ =	sdelay $0x1  }
0x1e: {  	v1 =	vld [tilespmem:$0x10];
	_ =	sdelay $0x1  }
0x1f: {  	v2 =	vld [tilespmem:$0x20]  }
0x20: {  	v3 =	vand.u32 $0xFFFF, v0  }
0x21: {  	v0 =	vshra.s32 v0, $0x10;
	[tilespmem:$0x4000] =	vst v3;
	v3 =	vld [tilespmem:$0x30]  }
0x22: {  	[tilespmem:$0x4080] =	vst v0;
	v0 =	vand.u32 $0xFFFF, v1  }
0x23: {  	[tilespmem:$0x4010] =	vst v0;
	v0 =	vshra.s32 v1, $0x10;
	v1 =	vld [tilespmem:$0x40]  }
0x24: {  	[tilespmem:$0x4090] =	vst v0;
	v0 =	vand.u32 $0xFFFF, v2  }
0x25: {  	[tilespmem:$0x4020] =	vst v0;
	v0 =	vshra.s32 v2, $0x10  }
0x26: {  	[tilespmem:$0x40A0] =	vst v0;
	v0 =	vand.u32 $0xFFFF, v3  }
0x27: {  	[tilespmem:$0x4030] =	vst v0;
	v0 =	vshra.s32 v3, $0x10  }
0x28: {  	[tilespmem:$0x40B0] =	vst v0;
	v0 =	vand.u32 $0xFFFF, v1  }
0x29: {  	[tilespmem:$0x4040] =	vst v0;
	v0 =	vshra.s32 v1, $0x10  }
0x2a: {  	[tilespmem:$0x40C0] =	vst v0  }
0x2b: {  	[tilespmem:s15], [sflag:$0x1] =	stream.indirect.gather [hbm4b:s1+s13], $0x80, s14, s13, $0xb8;
	[tilespmem:$0x1D200] =	vst v63  }
0x2c: {  	v0 =	vld [tilespmem:$0x80];
	_ =	sdelay $0x1  }
0x2d: {  	v1 =	vld [tilespmem:$0x90];
	_ =	sdelay $0x1  }
0x2e: {  	v2 =	vld [tilespmem:$0xA0]  }
0x2f: {  	v3 =	vand.u32 $0xFFFF, v0  }
0x30: {  	v0 =	vshra.s32 v0, $0x10;
	[tilespmem:$0x4100] =	vst v3;
	v3 =	vld [tilespmem:$0xB0]  }
0x31: {  	[tilespmem:$0x4180] =	vst v0;
	v0 =	vand.u32 $0xFFFF, v1  }
0x32: {  	[tilespmem:$0x4110] =	vst v0;
	v0 =	vshra.s32 v1, $0x10;
	v1 =	vld [tilespmem:$0xC0]  }
0x33: {  	[tilespmem:$0x4190] =	vst v0;
	v0 =	vand.u32 $0xFFFF, v2  }
0x34: {  	[tilespmem:$0x4120] =	vst v0;
	v0 =	vshra.s32 v2, $0x10  }
0x35: {  	[tilespmem:$0x41A0] =	vst v0;
	v0 =	vand.u32 $0xFFFF, v3  }
0x36: {  	[tilespmem:$0x4130] =	vst v0;
	v0 =	vshra.s32 v3, $0x10  }
0x37: {  	[tilespmem:$0x41B0] =	vst v0;
	v0 =	vand.u32 $0xFFFF, v1  }
0x38: {  	[tilespmem:$0x4140] =	vst v0;
	v0 =	vshra.s32 v1, $0x10  }
0x39: {  	s30 =	simm.s32 @!p1 $0x3;
	[tilespmem:$0x41C0] =	vst v0  }
0x3a: {  	[tilespmem:s17], [sflag:$0x2] =	stream.indirect.gather [hbm4b:s1+s13], $0x80, s16, s13, $0xb8;
	[tilespmem:$0x1D200] =	vst v63  }
0x3b: {  	[spmem:s19], [sflag:s18] =	dma.local @!p1 [hbm:s5], $0x2800  }
0x3c: {  	_ =	swait.ge @!p1 [sflag:s30], $0x2800  }
0x3d: {  	[sflag:s30] =	ssyncset.done @!p1 $0x0  }
0x3e: {  	s31 =	simm.s32 @!p2 $0x3;
	[sflag:s30] =	ssyncadd.s32 @!p1 $0xFFFFD800;
	s30 =	simm.s32 @!p2 $0x1FC3  }
0x3f: {  	[spmem:s20], [sflag:s30] =	dma.local @!p2 [hbm:s8], $0x1900  }
0x40: {  	_ =	swait.ge @!p2 [sflag:s31], $0x1900  }
0x41: {  	[sflag:s31] =	ssyncset.done @!p2 $0x0  }
0x42: {  	[sflag:s31] =	ssyncadd.s32 @!p2 $0xFFFFE700  }
0x43: {  	[spmem:s21], [sflag:s30] =	dma.local @!p2 [hbm:s5], $0xF00  }
0x44: {  	_ =	swait.ge @!p2 [sflag:s31], $0xF00  }
0x45: {  	[sflag:s31] =	ssyncset.done @!p2 $0x0  }
0x46: {  	s30 =	simm.s32 @p0 $0x3;
	[sflag:s31] =	ssyncadd.s32 @!p2 $0xFFFFF100  }
0x47: {  	[spmem:s23], [sflag:s22] =	dma.local @p0 [hbm:s9], $0x2800  }
0x48: {  	_ =	swait.ge @p0 [sflag:s30], $0x2800  }
0x49: {  	[sflag:s30] =	ssyncset.done @p0 $0x0  }
0x4a: {  	[sflag:s30] =	ssyncadd.s32 @p0 $0xFFFFD800  }
0x4b: {  	[bflag:$0x0] =	sbarrier.arrive $0xFFFF  }
0x4c: {  	_ =	swait.ge [sflag:s24], $0x2800  }
0x4d: {  	[sflag:s24] =	ssyncset.done $0x0  }
0x4e: {  	[sflag:s24] =	ssyncadd.s32 $0xFFFFD800  }
0x4f: {  	[spmem:s2] =	stream.indirect.scatter.add.f32 [tilespmem:s15], [sflag:$0x3], $0x80, s25, s13, $0xb8;
	[tilespmem:$0x1D200] =	vst v63  }
0x50: {  	_ =	swait.ge [sflag:s12], $0x2800  }
0x51: {  	[sflag:s12] =	ssyncset.done $0x0  }
0x52: {  	s31 =	simm.s32 $0x0;
	[sflag:s12] =	ssyncadd.s32 $0xFFFFD800  }
0x53: {  	v0 =	vld [tilespmem:s31+$0x100];
	_ =	sdelay $0x4  }
0x54: {  	v1 =	vand.u32 $0xFFFF, v0  }
0x55: {  	v0 =	vshra.s32 v0, $0x10;
	[tilespmem:$0x4000] =	vst v1  }
0x56: {  	[tilespmem:$0x4080] =	vst v0  }
0x57: {  	v0 =	vld [tilespmem:s31+$0x110];
	_ =	sdelay $0x4  }
0x58: {  	v1 =	vand.u32 $0xFFFF, v0  }
0x59: {  	v0 =	vshra.s32 v0, $0x10;
	[tilespmem:$0x4010] =	vst v1  }
0x5a: {  	[tilespmem:$0x4090] =	vst v0  }
0x5b: {  	v0 =	vld [tilespmem:s31+$0x120];
	_ =	sdelay $0x4  }
0x5c: {  	v1 =	vand.u32 $0xFFFF, v0  }
0x5d: {  	v0 =	vshra.s32 v0, $0x10;
	[tilespmem:$0x4020] =	vst v1  }
0x5e: {  	[tilespmem:$0x40A0] =	vst v0  }
0x5f: {  	v0 =	vld [tilespmem:s31+$0x130];
	_ =	sdelay $0x4  }
0x60: {  	v1 =	vand.u32 $0xFFFF, v0  }
0x61: {  	v0 =	vshra.s32 v0, $0x10;
	[tilespmem:$0x4030] =	vst v1  }
0x62: {  	[tilespmem:$0x40B0] =	vst v0  }
0x63: {  	v0 =	vld [tilespmem:s31+$0x140];
	_ =	sdelay $0x4  }
0x64: {  	v1 =	vand.u32 $0xFFFF, v0  }
0x65: {  	v0 =	vshra.s32 v0, $0x10;
	[tilespmem:$0x4040] =	vst v1  }
0x66: {  	[tilespmem:$0x40C0] =	vst v0  }
0x67: {  	[tilespmem:s15], [sflag:$0x1] =	stream.indirect.gather [hbm4b:s1+s13], $0x80, s14, s13, $0xb8;
	[tilespmem:$0x1D200] =	vst v63  }
0x68: {  	_ =	swait.ge [sflag:s26], $0x2800  }
0x69: {  	[sflag:s26] =	ssyncset.done $0x0  }
0x6a: {  	[sflag:s26] =	ssyncadd.s32 $0xFFFFD800  }
0x6b: {  	[spmem:s2] =	stream.indirect.scatter.add.f32 [tilespmem:s17], [sflag:$0x3], $0x80, s28, s13, $0xb8;
	[tilespmem:$0x1D200] =	vst v63  }
0x6c: {  	_ =	swait.ge [sflag:s12], $0x2800  }
0x6d: {  	[sflag:s12] =	ssyncset.done $0x0  }
0x6e: {  	[sflag:s12] =	ssyncadd.s32 $0xFFFFD800  }
0x6f: {  	v0 =	vld [tilespmem:s31+$0x180];
	_ =	sdelay $0x4  }
0x70: {  	v1 =	vand.u32 $0xFFFF, v0  }
0x71: {  	v0 =	vshra.s32 v0, $0x10;
	[tilespmem:$0x4100] =	vst v1  }
0x72: {  	[tilespmem:$0x4180] =	vst v0  }
0x73: {  	v0 =	vld [tilespmem:s31+$0x190];
	_ =	sdelay $0x4  }
0x74: {  	v1 =	vand.u32 $0xFFFF, v0  }
0x75: {  	v0 =	vshra.s32 v0, $0x10;
	[tilespmem:$0x4110] =	vst v1  }
0x76: {  	[tilespmem:$0x4190] =	vst v0  }
0x77: {  	v0 =	vld [tilespmem:s31+$0x1A0];
	_ =	sdelay $0x4  }
0x78: {  	v1 =	vand.u32 $0xFFFF, v0  }
0x79: {  	v0 =	vshra.s32 v0, $0x10;
	[tilespmem:$0x4120] =	vst v1  }
0x7a: {  	[tilespmem:$0x41A0] =	vst v0  }
0x7b: {  	v0 =	vld [tilespmem:s31+$0x1B0];
	_ =	sdelay $0x4  }
0x7c: {  	v1 =	vand.u32 $0xFFFF, v0  }
0x7d: {  	v0 =	vshra.s32 v0, $0x10;
	[tilespmem:$0x4130] =	vst v1  }
0x7e: {  	[tilespmem:$0x41B0] =	vst v0  }
0x7f: {  	s30 =	simm.s32 $0x400;
	v0 =	vld [tilespmem:s31+$0x1C0]  }
.LBB2_2:
0x80: {  	_ =	sdelay $0x3  }
0x81: {  	p3 =	sne.s32 s30, $0xF800;
	s31 =	smov.u32 s30;
	s30 =	sadd.s32 $0x400, s30;
	v1 =	vand.u32 $0xFFFF, v0;
	v0 =	vshra.s32 v0, $0x10  }
0x82: {  	[tilespmem:$0x4140] =	vst v1  }
0x83: {  	[tilespmem:$0x41C0] =	vst v0  }
0x84: {  	[tilespmem:s17], [sflag:$0x2] =	stream.indirect.gather [hbm4b:s1+s13], $0x80, s16, s13, $0xb8;
	[tilespmem:$0x1D200] =	vst v63  }
0x85: {  	_ =	swait.ge [sflag:s24], $0x2800  }
0x86: {  	[sflag:s24] =	ssyncset.done $0x0  }
0x87: {  	[sflag:s24] =	ssyncadd.s32 $0xFFFFD800  }
0x88: {  	[spmem:s2] =	stream.indirect.scatter.add.f32 [tilespmem:s15], [sflag:$0x3], $0x80, s25, s13, $0xb8;
	[tilespmem:$0x1D200] =	vst v63  }
0x89: {  	_ =	swait.ge [sflag:s12], $0x2800  }
0x8a: {  	[sflag:s12] =	ssyncset.done $0x0  }
0x8b: {  	s31 =	sshra.s32 s31, $0x2;
	[sflag:s12] =	ssyncadd.s32 $0xFFFFD800  }
0x8c: {  	v0 =	vld [tilespmem:s31+$0x100];
	_ =	sdelay $0x4  }
0x8d: {  	v1 =	vand.u32 $0xFFFF, v0;
	v0 =	vshra.s32 v0, $0x10  }
0x8e: {  	[tilespmem:$0x4000] =	vst v1  }
0x8f: {  	[tilespmem:$0x4080] =	vst v0  }
0x90: {  	v0 =	vld [tilespmem:s31+$0x110];
	_ =	sdelay $0x4  }
0x91: {  	v1 =	vand.u32 $0xFFFF, v0;
	v0 =	vshra.s32 v0, $0x10  }
0x92: {  	[tilespmem:$0x4010] =	vst v1  }
0x93: {  	[tilespmem:$0x4090] =	vst v0  }
0x94: {  	v0 =	vld [tilespmem:s31+$0x120];
	_ =	sdelay $0x4  }
0x95: {  	v1 =	vand.u32 $0xFFFF, v0;
	v0 =	vshra.s32 v0, $0x10  }
0x96: {  	[tilespmem:$0x4020] =	vst v1  }
0x97: {  	[tilespmem:$0x40A0] =	vst v0  }
0x98: {  	v0 =	vld [tilespmem:s31+$0x130];
	_ =	sdelay $0x4  }
0x99: {  	v1 =	vand.u32 $0xFFFF, v0;
	v0 =	vshra.s32 v0, $0x10  }
0x9a: {  	[tilespmem:$0x4030] =	vst v1  }
0x9b: {  	[tilespmem:$0x40B0] =	vst v0  }
0x9c: {  	v0 =	vld [tilespmem:s31+$0x140];
	_ =	sdelay $0x4  }
0x9d: {  	v1 =	vand.u32 $0xFFFF, v0;
	v0 =	vshra.s32 v0, $0x10  }
0x9e: {  	[tilespmem:$0x4040] =	vst v1  }
0x9f: {  	[tilespmem:$0x40C0] =	vst v0  }
0xa0: {  	[tilespmem:s15], [sflag:$0x1] =	stream.indirect.gather [hbm4b:s1+s13], $0x80, s14, s13, $0xb8;
	[tilespmem:$0x1D200] =	vst v63  }
0xa1: {  	_ =	swait.ge [sflag:s26], $0x2800  }
0xa2: {  	[sflag:s26] =	ssyncset.done $0x0  }
0xa3: {  	[sflag:s26] =	ssyncadd.s32 $0xFFFFD800  }
0xa4: {  	[spmem:s2] =	stream.indirect.scatter.add.f32 [tilespmem:s17], [sflag:$0x3], $0x80, s28, s13, $0xb8;
	[tilespmem:$0x1D200] =	vst v63  }
0xa5: {  	_ =	swait.ge [sflag:s12], $0x2800  }
0xa6: {  	[sflag:s12] =	ssyncset.done $0x0  }
0xa7: {  	[sflag:s12] =	ssyncadd.s32 $0xFFFFD800  }
0xa8: {  	v0 =	vld [tilespmem:s31+$0x180];
	_ =	sdelay $0x4  }
0xa9: {  	v1 =	vand.u32 $0xFFFF, v0;
	v0 =	vshra.s32 v0, $0x10  }
0xaa: {  	[tilespmem:$0x4100] =	vst v1  }
0xab: {  	[tilespmem:$0x4180] =	vst v0  }
0xac: {  	v0 =	vld [tilespmem:s31+$0x190];
	_ =	sdelay $0x4  }
0xad: {  	v1 =	vand.u32 $0xFFFF, v0;
	v0 =	vshra.s32 v0, $0x10  }
0xae: {  	[tilespmem:$0x4110] =	vst v1  }
0xaf: {  	[tilespmem:$0x4190] =	vst v0  }
0xb0: {  	v0 =	vld [tilespmem:s31+$0x1A0];
	_ =	sdelay $0x4  }
0xb1: {  	v1 =	vand.u32 $0xFFFF, v0;
	v0 =	vshra.s32 v0, $0x10  }
0xb2: {  	[tilespmem:$0x4120] =	vst v1  }
0xb3: {  	[tilespmem:$0x41A0] =	vst v0  }
0xb4: {  	v0 =	vld [tilespmem:s31+$0x1B0];
	_ =	sdelay $0x3  }
.Ltmp0:
0xb5: {  	(pc) =	sbr.rel @p3 .LBB2_2-.Ltmp0, $4  }
0xb6: {  	v1 =	vand.u32 $0xFFFF, v0;
	v0 =	vshra.s32 v0, $0x10  }
0xb7: {  	[tilespmem:$0x4130] =	vst v1  }
0xb8: {  	[tilespmem:$0x41B0] =	vst v0  }
0xb9: {  	v0 =	vld [tilespmem:s31+$0x1C0]  }
0xba: {  	_ =	sdelay $0x3  }
0xbb: {  	v1 =	vand.u32 $0xFFFF, v0  }
0xbc: {  	v63 =	vshra.s32 v0, $0x10;
	[tilespmem:$0x4140] =	vst v1  }
0xbd: {  	[tilespmem:$0x41C0] =	vst v63  }
0xbe: {  	[tilespmem:s17], [sflag:$0x2] =	stream.indirect.gather [hbm4b:s1+s13], $0x80, s16, s13, $0xb8;
	[tilespmem:$0x1D200] =	vst v63  }
0xbf: {  	_ =	swait.ge [sflag:s24], $0x2800  }
0xc0: {  	[sflag:s24] =	ssyncset.done $0x0  }
0xc1: {  	[sflag:s24] =	ssyncadd.s32 $0xFFFFD800  }
0xc2: {  	[spmem:s2] =	stream.indirect.scatter.add.f32 [tilespmem:s15], [sflag:$0x3], $0x80, s25, s13, $0xb8;
	[tilespmem:$0x1D200] =	vst v63  }
0xc3: {  	_ =	swait.ge [sflag:s12], $0x2800  }
0xc4: {  	[sflag:s12] =	ssyncset.done $0x0  }
0xc5: {  	[sflag:s12] =	ssyncadd.s32 $0xFFFFD800  }
0xc6: {  	_ =	swait.ge [sflag:s26], $0x2800  }
0xc7: {  	[sflag:s26] =	ssyncset.done $0x0  }
0xc8: {  	[sflag:s26] =	ssyncadd.s32 $0xFFFFD800  }
0xc9: {  	[spmem:s2] =	stream.indirect.scatter.add.f32 [tilespmem:s17], [sflag:$0x3], $0x80, s28, s13, $0xb8;
	[tilespmem:$0x1D200] =	vst v63  }
0xca: {  	_ =	swait.ge [sflag:s12], $0x2800  }
0xcb: {  	s30 =	sshll.u32 s3, $0x6;
	s29 =	sadd.s32 $0x1, s29;
	[sflag:s12] =	ssyncset.done $0x0  }
0xcc: {  	s31 =	sshrl.u32 s7, $0x3;
	p3 =	sne.s32 s29, s11;
	[sflag:s12] =	ssyncadd.s32 $0xFFFFD800  }
.Ltmp1:
0xcd: {  	s30 =	sor.u32 $0x1C03, s30;
	[bflag:$0x0] =	sbarrier.arrive $0xFFFF;
	(pc) =	sbr.rel @p3 .LBB2_1-.Ltmp1, $4  }
0xce: {  	[hbm:s10], [sflag:s30] =	dma.local [spmem:s31], $0x2800  }
0xcf: {  	_ =	swait.ge [sflag:s12], $0x2800  }
0xd0: {  	[sflag:s12] =	ssyncset.done $0x0  }
0xd1: {  	[sflag:s12] =	ssyncadd.s32 $0xFFFFD800  }
0xd2: {  	_ =	sfence.sel $0x180000  }
0xd3: {  	[bflag:$0x0] =	sbarrier.arrive $0xFFFF  }
0xd4: {  	p0 =	sne.s32 s3, $0x0;
	_ =	strace $0x9000004D  }
0xd5: {  	s0 =	sadd.s32 @!p0 $0x100000, s0;
	[bflag:$0x2] =	sbarrier.arrive $0xFFFF  }
0xd6: {  	[sflag:s0] =	ssyncadd.tile.s32 @!p0 $0x1;
	_ =	shalt  }
.Lfunc_end2:
_tile_overlayer_lowered:
.L_overlay_start_2:
0xd7: {  	(tag) =	ssettag $0x2  }
0xd8: {  	s0 =	rddreg [dreg:$0x0];
	s2 =	stileid.u32  }
0xd9: {  	s1 =	rddreg [dreg:$0x1];
	p0 =	sne.s32 s2, $0x0  }
0xda: {  	s3 =	rddreg [dreg:$0x2];
	[bflag:$0x3] =	sbarrier.arrive $0xFFFF;
	s2 =	simm.s32 @!p0 $0x1C03  }
0xdb: {  	[timem:s3], [sflag:s2] =	dma.local @!p0 [hbm:s0], s1  }
0xdc: {  	s0 =	simm.s32 @!p0 $0x3  }
0xdd: {  	_ =	swait.ge @!p0 [sflag:s0], s1  }
0xde: {  	s1 =	ssub.s32 @!p0 $0x0, s1;
	[sflag:s0] =	ssyncset.done @!p0 $0x0  }
0xdf: {  	[sflag:s0] =	ssyncadd.s32 @!p0 s1  }
0xe0: {  	[bflag:$0x3] =	sbarrier.arrive $0xFFFF  }
0xe1: {  	_ =	shalt  }

// kernel: kernel.9.cloned.1.call-start
scs
__scs_entry_jumppad:
0x0: {  	(pc) =	sbr.rel $0x88, $3  }
0x1: {  	(tag) =	ssettag $0x0;
	lr =	simm.s32 $0x1  }
0x2: {  	[smem:$0x3F9A] =	sst lr;
	_ =	strace $0xD0000000  }
0x3: {  	_ = 	snop  }
0x4: {  	_ = 	snop  }
0x5: {  	_ = 	snop  }
0x6: {  	_ = 	snop  }
0x7: {  	_ = 	snop  }
__scs_overlays_trampoline_lowered:
0x8: {  	[smem:$0x3FA9] =	sst s0  }
0x9: {  	[smem:$0x3FAA] =	sst s1  }
0xa: {  	[smem:$0x3FAB] =	sst s2  }
0xb: {  	[smem:$0x3FAC] =	sst s3  }
0xc: {  	[smem:$0x3FAD] =	sst s4  }
0xd: {  	[smem:$0x3FAE] =	sst s5  }
0xe: {  	[smem:$0x3FAF] =	sst s6  }
0xf: {  	[smem:$0x3FB0] =	sst s7  }
0x10: {  	[smem:$0x3FB1] =	sst s8  }
0x11: {  	[smem:$0x3FB2] =	sst s9;
	s0 =	simm.s32 @!p0 $0x0  }
0x12: {  	s1 =	sld [smem:$0x3F98];
	s0 =	simm.s32 @p0 $0x1  }
0x13: {  	[smem:$0x3FB3] =	sst s0;
	s0 =	simm.s32 @!p1 $0x0  }
0x14: {  	s2 =	sld [smem:$0x3F97];
	s0 =	simm.s32 @p1 $0x1  }
0x15: {  	[smem:$0x3FB4] =	sst s0;
	s0 =	simm.s32 @!p2 $0x0  }
0x16: {  	s3 =	sld [smem:$0x3FDB];
	s0 =	simm.s32 @p2 $0x1  }
0x17: {  	s4 =	simm.s32 $0x1BF5;
	[smem:$0x3FB6] =	sst s0  }
0x18: {  	s0 =	sld [smem:$0x3F99];
	_ =	swait.ge [sflag:s4], $0x0  }
0x19: {  	s7 =	sld [smem:$0x3F9A]  }
0x1a: {  	s8 =	sadd.s32 $0xFFFFE003, lr  }
0x1b: {  	s9 =	sadd.s32 $0xFFFFFEF7, lr;
	s5 =	simm.s32 $0xFFFFFFFF;
	p2 =	slt.u32 s8, $0xFFFFF086  }
0x1c: {  	p1 =	slt.u32 s9, $0xF7A;
	s5 =	simm.s32 @!p2 $0x0  }
0x1d: {  	s5 =	simm.s32 @p1 $0x1;
	p0 =	seq.s32 s7, s2  }
0x1e: {  	s7 =	smul.u32 @!p0 $0xF7A, s2;
	p2 =	seq.s32 @!p0 s5, $0x0  }
0x1f: {  	s9 =	smul.u32 $0xF7A, s1;
	s8 =	simm.s32 @!p0 $0x1BF5;
	p2 =	por !p2, p0  }
0x20: {  	[sflag:s8] =	ssyncset.s32 @!p0 $0xFFFFF086;
	s6 =	sadd.s32 @!p0 s3, s7;
	s7 =	simm.s32 @!p0 $0x108  }
0x21: {  	s3 =	sadd.s32 s3, s9;
	s6 =	sadd.s32 @!p0 $0x88, s6;
	s7 =	simm.s32 @p2 $0x1082  }
0x22: {  	[simem:s7], [sflag:s8] =	dma.local @!p0 [hbm:s6], $0xF7A  }
0x23: {  	s9 =	sor.u32 $0xD0000000, s2;
	s6 =	simm.s32 $0x108;
	_ =	swait.ge @!p0 [sflag:s8], $0x0  }
0x24: {  	s3 =	sadd.s32 $0x88, s3;
	s6 =	simm.s32 @!p1 $0x1082;
	[sflag:s4] =	ssyncset.s32 $0xFFFFF086  }
0x25: {  	[simem:s6], [sflag:s4] =	dma.local [hbm:s3], $0xF7A  }
0x26: {  	[smem:$0x3F9A] =	sst s1;
	(tag) =	ssettag s2;
	_ =	strace s9  }
0x27: {  	s1 =	sld [smem:$0x3FAA]  }
0x28: {  	s2 =	sld [smem:$0x3FAB]  }
0x29: {  	s4 =	sld [smem:$0x3FAD]  }
0x2a: {  	p0 =	seq.s32 s5, $0x0;
	s5 =	sld [smem:$0x3FAE]  }
0x2b: {  	s6 =	sld [smem:$0x3FAF]  }
0x2c: {  	s7 =	sld [smem:$0x3FB0]  }
0x2d: {  	s3 =	simm.s32 $0x108;
	s8 =	sld [smem:$0x3FB1]  }
0x2e: {  	s3 =	simm.s32 @!p0 $0x1082;
	s9 =	sld [smem:$0x3FB2]  }
0x2f: {  	lr =	sadd.s32 s0, s3;
	s0 =	sld [smem:$0x3FA9]  }
0x30: {  	s3 =	sld [smem:$0x3FAC]  }
0x31: {  	[smem:$0x3FB5] =	sst s10  }
0x32: {  	s10 =	sld [smem:$0x3FB3];
	_ =	sdelay $0x3  }
0x33: {  	p0 =	seq.s32 s10, $0x1;
	s10 =	sld [smem:$0x3FB5];
	_ =	sdelay $0x3  }
0x34: {  	[smem:$0x3FB5] =	sst s10  }
0x35: {  	s10 =	sld [smem:$0x3FB4];
	_ =	sdelay $0x3  }
0x36: {  	p1 =	seq.s32 s10, $0x1;
	s10 =	sld [smem:$0x3FB5];
	_ =	sdelay $0x3  }
0x37: {  	[smem:$0x3FB5] =	sst s10  }
0x38: {  	s10 =	sld [smem:$0x3FB6]  }
0x39: {  	_ = 	snop;
	(pc) =	sbr.ind lr, $3  }
0x3a: {  	_ = 	snop  }
0x3b: {  	_ = 	snop  }
0x3c: {  	p2 =	seq.s32 s10, $0x1;
	s10 =	sld [smem:$0x3FB5]  }
0x3d: {  	_ =	shalt  }
0x3e: {  	_ =	shalt  }
0x3f: {  	_ =	shalt  }
0x40: {  	_ =	shalt  }
0x41: {  	_ =	shalt  }
0x42: {  	_ =	shalt  }
0x43: {  	_ =	shalt  }
0x44: {  	_ =	shalt  }
0x45: {  	_ =	shalt  }
0x46: {  	_ =	shalt  }
0x47: {  	_ =	shalt  }
0x48: {  	_ =	shalt  }
0x49: {  	_ =	shalt  }
0x4a: {  	_ =	shalt  }
0x4b: {  	_ =	shalt  }
0x4c: {  	_ =	shalt  }
0x4d: {  	_ =	shalt  }
0x4e: {  	_ =	shalt  }
0x4f: {  	_ =	shalt  }
0x50: {  	_ =	shalt  }
0x51: {  	_ =	shalt  }
0x52: {  	_ =	shalt  }
0x53: {  	_ =	shalt  }
0x54: {  	_ =	shalt  }
0x55: {  	_ =	shalt  }
0x56: {  	_ =	shalt  }
0x57: {  	_ =	shalt  }
0x58: {  	_ =	shalt  }
0x59: {  	_ =	shalt  }
0x5a: {  	_ =	shalt  }
0x5b: {  	_ =	shalt  }
0x5c: {  	_ =	shalt  }
0x5d: {  	_ =	shalt  }
0x5e: {  	_ =	shalt  }
0x5f: {  	_ =	shalt  }
0x60: {  	_ =	shalt  }
0x61: {  	_ =	shalt  }
0x62: {  	_ =	shalt  }
0x63: {  	_ =	shalt  }
0x64: {  	_ =	shalt  }
0x65: {  	_ =	shalt  }
0x66: {  	_ =	shalt  }
0x67: {  	_ =	shalt  }
0x68: {  	_ =	shalt  }
0x69: {  	_ =	shalt  }
0x6a: {  	_ =	shalt  }
0x6b: {  	_ =	shalt  }
0x6c: {  	_ =	shalt  }
0x6d: {  	_ =	shalt  }
0x6e: {  	_ =	shalt  }
0x6f: {  	_ =	shalt  }
0x70: {  	_ =	shalt  }
0x71: {  	_ =	shalt  }
0x72: {  	_ =	shalt  }
0x73: {  	_ =	shalt  }
0x74: {  	_ =	shalt  }
0x75: {  	_ =	shalt  }
0x76: {  	_ =	shalt  }
0x77: {  	_ =	shalt  }
0x78: {  	_ =	shalt  }
0x79: {  	_ =	shalt  }
0x7a: {  	_ =	shalt  }
0x7b: {  	_ =	shalt  }
0x7c: {  	_ =	shalt  }
0x7d: {  	_ =	shalt  }
0x7e: {  	_ =	shalt  }
0x7f: {  	_ =	shalt  }
0x80: {  	_ =	shalt  }
0x81: {  	_ =	shalt  }
0x82: {  	_ =	shalt  }
0x83: {  	_ =	shalt  }
0x84: {  	_ =	shalt  }
0x85: {  	_ =	shalt  }
0x86: {  	_ =	shalt  }
0x87: {  	_ =	shalt  }
.Lfunc_end0:
.L_simem_size_0:
called_computation_lowered:
.L_overlay_start_0:
0x88: {  	s2 =	sld [smem:$0x3FD9]  }
0x89: {  	s3 =	sld [smem:$0x3FFE];
	_ =	sdelay $0x1  }
0x8a: {  	s1 =	srdreg.scid  }
0x8b: {  	s0 =	sand.u32 $0x1, s1  }
0x8c: {  	s17 =	sshll.u32 s0, $0xA;
	s2 =	sadd.s32 s3, s2  }
0x8d: {  	s2 =	sadd.s32 s2, s17  }
0x8e: {  	[smem:$0x3FC1] =	sst s2  }
0x8f: {  	_ = 	snop  }
0x90: {  	s2 =	sld [smem:$0x3FD0];
	(tm) =	ssettm $0x1  }
0x91: {  	s18 =	sld [smem:$0x3FFB];
	_ =	sdelay $0x3  }
0x92: {  	_ =	strace s18  }
0x93: {  	s3 =	sld [smem:$0x3FFC];
	_ =	sdelay $0x3  }
0x94: {  	_ =	strace s3  }
0x95: {  	s3 =	sld [smem:$0x3FFD];
	_ =	sdelay $0x3  }
0x96: {  	_ =	strace s3  }
0x97: {  	_ =	strace $0x8FFFFFFF  }
0x98: {  	s19 =	sld [smem:$0x3FDB];
	_ =	sdelay $0x1  }
0x99: {  	s4 =	simm.s32 $_scs_section_size  }
0x9a: {  	s5 =	simm.s32 $_size__tile_overlayer_lowered;
	s6 =	simm.s32 $_tile_overlayer_lowered  }
0x9b: {  	s22 =	simm.s32 $0x1BFF;
	s21 =	sshll.u32 s6, $0x1;
	s3 =	sadd.s32 s4, s19  }
0x9c: {  	s7 =	simm.s32 $0x0;
	s20 =	sshll.u32 s5, $0x1;
	s5 =	sadd.s32 s21, s3  }
0x9d: {  	[timem:s7], [sflag:s22] =	dma.local [hbm:s5], s20  }
0x9e: {  	_ =	swait.ge [sflag:s22], s20  }
0x9f: {  	s4 =	ssub.s32 $0x0, s20;
	[sflag:s22] =	ssyncset.done $0x0  }
0xa0: {  	[sflag:s22] =	ssyncadd.s32 s4;
	_ =	sdelay $0x1  }
0xa1: {  	s23 =	simm.s32 $0x1B8B  }
0xa2: {  	_ =	swait.ge [sflag:s23], $0x1  }
0xa3: {  	[sflag:s23] =	ssyncset.done $0x0  }
0xa4: {  	s25 =	simm.s32 $0x1B8E;
	s24 =	sld [smem:$0x3FFE];
	[sflag:s23] =	ssyncadd.s32 $0xFFFFFFFF  }
0xa5: {  	s26 =	simm.s32 $execute0_lowered;
	[smem:$0x3FD2] =	sst s25  }
0xa6: {  	s5 =	sshll.u32 s26, $0x1;
	_ =	strace $0x80000046;
	[dreg:$0x1] =	wrdreg $0xFFFFFFFF  }
0xa7: {  	s28 =	simm.s32 $_size_execute0_lowered;
	s3 =	sadd.s32 s3, s5;
	[dreg:$0x0] =	wrdreg $0x0  }
0xa8: {  	s5 =	sshll.u32 s28, $0x1;
	[dreg:$0x2] =	wrdreg s3  }
0xa9: {  	[dreg:$0x3] =	wrdreg s5  }
0xaa: {  	[dreg:$0x4] =	wrdreg $0xC0  }
0xab: {  	_ =	task [dreg:s7], $0x5FFFF  }
0xac: {  	[dreg:$0x1] =	wrdreg $0xFFFFFFFF  }
0xad: {  	[dreg:$0x0] =	wrdreg $0x60  }
0xae: {  	[dreg:$0x2] =	wrdreg s2  }
0xaf: {  	[dreg:$0x3] =	wrdreg s24  }
0xb0: {  	[dreg:$0x4] =	wrdreg $0x29800  }
0xb1: {  	[dreg:$0x5] =	wrdreg $0x9  }
0xb2: {  	_ =	task.clear_ibuf [dreg:s7], $0x6FFFF;
	_ =	strace $0x90000046  }
0xb3: {  	s29 =	simm.s32 $0x9;
	_ =	strace $0x80000048  }
0xb4: {  	_ =	swait.ge [sflag:s29], $0x1  }
0xb5: {  	[sflag:s29] =	ssyncadd.s32 $0xFFFFFFFF  }
0xb6: {  	_ =	strace $0x90000048  }
0xb7: {  	_ =	sfence  }
0xb8: {  	s30 =	sld [smem:$0x0];
	_ =	sdelay $0x2  }
0xb9: {  	s31 =	sshll.u32 s1, $0xD;
	s1 =	sshrl.u32 s1, $0x2  }
0xba: {  	s3 =	sand.u32 $0x4000, s31;
	s1 =	sadd.s32 s1, s30  }
0xbb: {  	s0 =	sor.u32 s3, s0;
	s1 =	sshll.u32 s1, $0x11  }
0xbc: {  	s0 =	sor.u32 s1, s0  }
0xbd: {  	s0 =	sadd.s32 $0x8F2B, s0  }
0xbe: {  	[sflag:s0] =	ssyncadd.remote.s32 $0x1  }
0xbf: {  	_ =	sfence.sel $0xFFFF  }
0xc0: {  	[dreg:$0x0] =	wrdreg $0xFFFFFFFF;
	(pc) =	sbr.abs _section_cstart, $3  }
0xc1: {  	[dreg:$0x1] =	wrdreg $0xFFFFFFFF  }
0xc2: {  	_ =	task.clear_ibuf [dreg:s7], $0x2FFFF;
	_ =	strace $0x9FFFFFFF  }
0xc3: {  	(tm) =	ssettm $0x7FFFFFFF  }
tec
execute0_lowered:
.L_overlay_start_1:
0x0: {  	(tag) =	ssettag $0x1  }
0x1: {  	s6 =	rddreg [dreg:$0x0]  }
0x2: {  	s5 =	rddreg [dreg:$0x1]  }
0x3: {  	s2 =	rddreg [dreg:$0x2]  }
0x4: {  	s0 =	rddreg [dreg:$0x3];
	s4 =	srdreg.scid  }
0x5: {  	s1 =	stileid.u32;
	s3 =	simm.s32 $0x0;
	s11 =	simm.s32 $0x80  }
0x6: {  	s12 =	simm.s32 $0x2880;
	s13 =	simm.s32 $0x2900;
	s14 =	simm.s32 $0x20  }
0x7: {  	s15 =	simm.s32 $0x10;
	s16 =	simm.s32 $0x0;
	s7 =	sand.u32 $0x1, s4  }
0x8: {  	s8 =	smul.u32 $0x500, s1;
	[smem:$0x7FF] =	sst s3;
	s4 =	sadd.s32 $0x2200, s5  }
0x9: {  	s26 =	smul.u32 $0xA00, s1;
	s31 =	sshll.u32 s1, $0x6;
	s9 =	sshll.u32 s7, $0x7  }
0xa: {  	_ =	strace $0x80000047;
	s10 =	sshll.u32 s7, $0x4;
	s28 =	ssub.s32 $0x2, s7  }
0xb: {  	s8 =	sor.u32 s9, s8;
	s29 =	sor.u32 s1, s10;
	s30 =	sshrl.u32 s28, $0x1  }
0xc: {  	s9 =	sshrl.u32 s26, $0x2;
	s8 =	sshrl.u32 s8, $0x3;
	s7 =	smul.u32 $0x500, s29  }
0xd: {  	s10 =	ssub.s32 s28, s30;
	s9 =	sadd.s32 s9, s2;
	s8 =	sadd.s32 s8, s5  }
0xe: {  	s5 =	sor.u32 $0x1C01, s31;
	s9 =	sshrl.u32 s9, $0x3;
	s6 =	sadd.s32 s6, s7  }
0xf: {  	v0 =	vimm.f32 $1.000000000e+00;
	s7 =	sadd.s32 $0x2400, s8;
	s8 =	smax.u32 s10, $0x1;
	s10 =	simm.s32 $0x1  }
.LBB2_1:
0x10: {  	[spmem:s9], [sflag:s5] =	dma.local [hbm:s4], $0x50  }
0x11: {  	_ =	swait.ge [sflag:s10], $0x50  }
0x12: {  	[sflag:s10] =	ssyncset.done $0x0  }
0x13: {  	[sflag:s10] =	ssyncadd.s32 $0xFFFFFFB0  }
0x14: {  	[tilespmem:s3], [sflag:$0x1] =	stream.linear.gather [hbm4b:s6+s3], $0x2800, $0x38;
	[tilespmem:$0x2C00] =	vst v63  }
0x15: {  	_ =	swait.ge [sflag:s10], $0x2800  }
0x16: {  	[sflag:s10] =	ssyncset.done $0x0  }
0x17: {  	[sflag:s10] =	ssyncadd.s32 $0xFFFFD800  }
0x18: {  	[tilespmem:$0x2900] =	vst v0  }
0x19: {  	[tilespmem:$0x2910] =	vst v0  }
0x1a: {  	[tilespmem:$0x2920] =	vst v0  }
0x1b: {  	[tilespmem:$0x2930] =	vst v0  }
0x1c: {  	[tilespmem:$0x2940] =	vst v0  }
0x1d: {  	[tilespmem:$0x2950] =	vst v0  }
0x1e: {  	[tilespmem:$0x2960] =	vst v0  }
0x1f: {  	[tilespmem:$0x2970] =	vst v0  }
0x20: {  	s18 =	simm.s32 $0x0;
	[bflag:$0x0] =	sbarrier.arrive $0xFFFF  }
0x21: {  	v1 =	vld [tilespmem:s18+$0x0];
	_ =	sdelay $0x4  }
0x22: {  	v2 =	vand.u32 $0xFFFF, v1  }
0x23: {  	v1 =	vshra.s32 v1, $0x10;
	[tilespmem:$0x2800] =	vst v2  }
0x24: {  	[tilespmem:$0x2880] =	vst v1  }
0x25: {  	v1 =	vld [tilespmem:s18+$0x10];
	_ =	sdelay $0x4  }
0x26: {  	v2 =	vand.u32 $0xFFFF, v1  }
0x27: {  	v1 =	vshra.s32 v1, $0x10;
	[tilespmem:$0x2810] =	vst v2  }
0x28: {  	[tilespmem:$0x2890] =	vst v1  }
0x29: {  	v1 =	vld [tilespmem:s18+$0x20];
	_ =	sdelay $0x4  }
0x2a: {  	v2 =	vand.u32 $0xFFFF, v1  }
0x2b: {  	v1 =	vshra.s32 v1, $0x10;
	[tilespmem:$0x2820] =	vst v2  }
0x2c: {  	[tilespmem:$0x28A0] =	vst v1  }
0x2d: {  	v1 =	vld [tilespmem:s18+$0x30];
	_ =	sdelay $0x4  }
0x2e: {  	v2 =	vand.u32 $0xFFFF, v1  }
0x2f: {  	v1 =	vshra.s32 v1, $0x10;
	[tilespmem:$0x2830] =	vst v2  }
0x30: {  	[tilespmem:$0x28B0] =	vst v1  }
0x31: {  	v1 =	vld [tilespmem:s18+$0x40];
	_ =	sdelay $0x4  }
0x32: {  	v2 =	vand.u32 $0xFFFF, v1  }
0x33: {  	v1 =	vshra.s32 v1, $0x10;
	[tilespmem:$0x2840] =	vst v2  }
0x34: {  	[tilespmem:$0x28C0] =	vst v1  }
0x35: {  	v1 =	vld [tilespmem:s18+$0x50];
	_ =	sdelay $0x4  }
0x36: {  	v2 =	vand.u32 $0xFFFF, v1  }
0x37: {  	v1 =	vshra.s32 v1, $0x10;
	[tilespmem:$0x2850] =	vst v2  }
0x38: {  	[tilespmem:$0x28D0] =	vst v1  }
0x39: {  	v1 =	vld [tilespmem:s18+$0x60];
	_ =	sdelay $0x4  }
0x3a: {  	v2 =	vand.u32 $0xFFFF, v1  }
0x3b: {  	v1 =	vshra.s32 v1, $0x10;
	[tilespmem:$0x2860] =	vst v2  }
0x3c: {  	[tilespmem:$0x28E0] =	vst v1  }
0x3d: {  	s17 =	simm.s32 $0x200;
	v1 =	vld [tilespmem:s18+$0x70]  }
.LBB2_2:
0x3e: {  	_ =	sdelay $0x1  }
0x3f: {  	p0 =	sne.s32 s17, $0x9E00;
	s18 =	smov.u32 s17;
	s17 =	sadd.s32 $0x200, s17  }
0x40: {  	_ = 	snop  }
0x41: {  	v2 =	vand.u32 $0xFFFF, v1;
	v1 =	vshra.s32 v1, $0x10  }
0x42: {  	[tilespmem:$0x2870] =	vst v2  }
0x43: {  	[tilespmem:$0x28F0] =	vst v1  }
0x44: {  	[spmem:s2] =	stream.indirect.scatter.add.f32 [tilespmem:s13], [sflag:$0x1], $0x1, s12, s11, $0xb8;
	[tilespmem:$0x2C00] =	vst v63  }
0x45: {  	_ =	swait.ge [sflag:s10], $0x80  }
0x46: {  	[sflag:s10] =	ssyncset.done $0x0  }
0x47: {  	s18 =	sshra.s32 s18, $0x2;
	[sflag:s10] =	ssyncadd.s32 $0xFFFFFF80  }
0x48: {  	v1 =	vld [tilespmem:s18+$0x0];
	_ =	sdelay $0x4  }
0x49: {  	v2 =	vand.u32 $0xFFFF, v1;
	v1 =	vshra.s32 v1, $0x10  }
0x4a: {  	[tilespmem:$0x2800] =	vst v2  }
0x4b: {  	[tilespmem:$0x2880] =	vst v1  }
0x4c: {  	v1 =	vld [tilespmem:s18+$0x10];
	_ =	sdelay $0x4  }
0x4d: {  	v2 =	vand.u32 $0xFFFF, v1;
	v1 =	vshra.s32 v1, $0x10  }
0x4e: {  	[tilespmem:$0x2810] =	vst v2  }
0x4f: {  	[tilespmem:$0x2890] =	vst v1  }
0x50: {  	v1 =	vld [tilespmem:s18+$0x20];
	_ =	sdelay $0x4  }
0x51: {  	v2 =	vand.u32 $0xFFFF, v1;
	v1 =	vshra.s32 v1, $0x10  }
0x52: {  	[tilespmem:$0x2820] =	vst v2  }
0x53: {  	[tilespmem:$0x28A0] =	vst v1  }
0x54: {  	v1 =	vld [tilespmem:s18+$0x30];
	_ =	sdelay $0x4  }
0x55: {  	v2 =	vand.u32 $0xFFFF, v1;
	v1 =	vshra.s32 v1, $0x10  }
0x56: {  	[tilespmem:$0x2830] =	vst v2  }
0x57: {  	[tilespmem:$0x28B0] =	vst v1  }
0x58: {  	v1 =	vld [tilespmem:s18+$0x40];
	_ =	sdelay $0x4  }
0x59: {  	v2 =	vand.u32 $0xFFFF, v1;
	v1 =	vshra.s32 v1, $0x10  }
0x5a: {  	[tilespmem:$0x2840] =	vst v2  }
0x5b: {  	[tilespmem:$0x28C0] =	vst v1  }
0x5c: {  	v1 =	vld [tilespmem:s18+$0x50];
	_ =	sdelay $0x4  }
0x5d: {  	v2 =	vand.u32 $0xFFFF, v1;
	v1 =	vshra.s32 v1, $0x10  }
0x5e: {  	[tilespmem:$0x2850] =	vst v2  }
0x5f: {  	[tilespmem:$0x28D0] =	vst v1  }
0x60: {  	v1 =	vld [tilespmem:s18+$0x60];
	_ =	sdelay $0x3  }
.Ltmp0:
0x61: {  	(pc) =	sbr.rel @p0 .LBB2_2-.Ltmp0, $4  }
0x62: {  	v2 =	vand.u32 $0xFFFF, v1;
	v1 =	vshra.s32 v1, $0x10  }
0x63: {  	[tilespmem:$0x2860] =	vst v2  }
0x64: {  	[tilespmem:$0x28E0] =	vst v1  }
0x65: {  	v1 =	vld [tilespmem:s18+$0x70]  }
0x66: {  	_ =	sdelay $0x3  }
0x67: {  	v2 =	vand.u32 $0xFFFF, v1  }
0x68: {  	v1 =	vshra.s32 v1, $0x10;
	[tilespmem:$0x2870] =	vst v2  }
0x69: {  	[tilespmem:$0x28F0] =	vst v1  }
0x6a: {  	[spmem:s2] =	stream.indirect.scatter.add.f32 [tilespmem:s13], [sflag:$0x1], $0x1, s12, s11, $0xb8;
	[tilespmem:$0x2C00] =	vst v63  }
0x6b: {  	_ =	swait.ge [sflag:s10], $0x80  }
0x6c: {  	s16 =	sadd.s32 $0x1, s16;
	[sflag:s10] =	ssyncset.done $0x0  }
0x6d: {  	p0 =	sne.s32 s16, s8;
	[sflag:s10] =	ssyncadd.s32 $0xFFFFFF80  }
.Ltmp1:
0x6e: {  	[bflag:$0x0] =	sbarrier.arrive $0xFFFF;
	(pc) =	sbr.rel @p0 .LBB2_1-.Ltmp1, $4  }
0x6f: {  	[hbm:s7@s14], [sflag:s5] =	dma.strided [spmem:s9@s15], $0x50, s10, $0x10   }
0x70: {  	_ =	swait.ge [sflag:s10], $0x50  }
0x71: {  	[sflag:s10] =	ssyncset.done $0x0  }
0x72: {  	[sflag:s10] =	ssyncadd.s32 $0xFFFFFFB0  }
0x73: {  	_ =	sfence.sel $0x180000  }
0x74: {  	[bflag:$0x0] =	sbarrier.arrive $0xFFFF  }
0x75: {  	p0 =	sne.s32 s1, $0x0;
	_ =	strace $0x90000047  }
0x76: {  	s0 =	sadd.s32 @!p0 $0x100000, s0;
	[bflag:$0x2] =	sbarrier.arrive $0xFFFF  }
0x77: {  	[sflag:s0] =	ssyncadd.tile.s32 @!p0 $0x1;
	_ =	shalt  }
.Lfunc_end2:
_tile_overlayer_lowered:
.L_overlay_start_2:
0x78: {  	(tag) =	ssettag $0x2  }
0x79: {  	s0 =	rddreg [dreg:$0x0];
	s2 =	stileid.u32  }
0x7a: {  	s1 =	rddreg [dreg:$0x1];
	p0 =	sne.s32 s2, $0x0  }
0x7b: {  	s3 =	rddreg [dreg:$0x2];
	[bflag:$0x3] =	sbarrier.arrive $0xFFFF;
	s2 =	simm.s32 @!p0 $0x1C01  }
0x7c: {  	[timem:s3], [sflag:s2] =	dma.local @!p0 [hbm:s0], s1  }
0x7d: {  	s0 =	simm.s32 @!p0 $0x1  }
0x7e: {  	_ =	swait.ge @!p0 [sflag:s0], s1  }
0x7f: {  	s1 =	ssub.s32 @!p0 $0x0, s1;
	[sflag:s0] =	ssyncset.done @!p0 $0x0  }
0x80: {  	[sflag:s0] =	ssyncadd.s32 @!p0 s1  }
0x81: {  	[bflag:$0x3] =	sbarrier.arrive $0xFFFF  }
0x82: {  	_ =	shalt  }

</sc_bundles>
